<compile_context>
chip_gen: v7x
topology: tpu7x:2x2x1
jax: 0.10.2.dev20260603
libtpu: 0.0.44.dev20260713+nightly
codegen_flags: <defaults>
</compile_context>

<pallas_src>
import functools
import math

import jax
import jax.numpy as jnp
from jax import lax
from jax.experimental import pallas as pl
from jax.experimental.pallas import tpu as pltpu
from jax.experimental.pallas import tpu_sc as plsc

_EPS = 1.0
_ALPHA = 0.1
_DELTA = 0.1

_NC = 2
_NS = 16
_CHUNK = 128
_ROWBLK = 512

_mesh = plsc.VectorSubcoreMesh(core_axis_name="c", subcore_axis_name="s",
                               num_cores=_NC, num_subcores=_NS)


def _sc_degree(idxpack, ones_blk, zeros16, npad, epad):
    chunks = epad // (_NC * _NS * _CHUNK)
    stripe = npad // _NS
    zchunks = stripe // _CHUNK

    @functools.partial(
        pl.kernel,
        out_type=jax.ShapeDtypeStruct((_NC, npad, 16), jnp.float32),
        mesh=_mesh,
        scratch_types=[pltpu.VMEM((2, 2, _CHUNK), jnp.int32),
                       pltpu.VMEM((_CHUNK, 16), jnp.float32),
                       pltpu.VMEM_SHARED((npad, 16), jnp.float32),
                       pltpu.SemaphoreType.DMA,
                       pltpu.SemaphoreType.DMA],
    )
    def deg_kernel(idx_hbm, ones_hbm, zeros_hbm, out_hbm, idx_v, ones_v, acc,
                   isem0, isem1):
        c = lax.axis_index("c")
        s = lax.axis_index("s")
        cid0 = (c * _NS + s) * chunks
        pltpu.sync_copy(ones_hbm, ones_v)

        @pl.loop(0, zchunks)
        def _(k):
            pltpu.sync_copy(zeros_hbm, acc.at[pl.ds(s * stripe + k * _CHUNK, _CHUNK), :])

        plsc.subcore_barrier()

        def scat(slot):
            pltpu.sync_copy(ones_v, acc.at[idx_v.at[slot, 0]], add=True)

        pltpu.async_copy(idx_hbm.at[cid0], idx_v.at[0], isem0).wait()

        @pl.loop(0, chunks // 2 - 1)
        def _(k):
            pltpu.async_copy(idx_hbm.at[cid0 + 2 * k + 1], idx_v.at[1], isem1)
            scat(0)
            pltpu.make_async_copy(idx_hbm.at[cid0], idx_v.at[1], isem1).wait()
            pltpu.async_copy(idx_hbm.at[cid0 + 2 * k + 2], idx_v.at[0], isem0)
            scat(1)
            pltpu.make_async_copy(idx_hbm.at[cid0], idx_v.at[0], isem0).wait()

        pltpu.async_copy(idx_hbm.at[cid0 + chunks - 1], idx_v.at[1], isem1)
        scat(0)
        pltpu.make_async_copy(idx_hbm.at[cid0], idx_v.at[1], isem1).wait()
        scat(1)

        plsc.subcore_barrier()

        @pl.loop(0, zchunks)
        def _(k):
            r0 = s * stripe + k * _CHUNK
            pltpu.sync_copy(acc.at[pl.ds(r0, _CHUNK), :],
                            out_hbm.at[c, pl.ds(r0, _CHUNK), :])

    return deg_kernel(idxpack, ones_blk, zeros16)


def _sc_aggregate(table, idxpack, zeros128, npad, epad):
    chunks = epad // (_NC * _NS * _CHUNK)
    stripe = npad // _NS
    zchunks = stripe // _CHUNK

    @functools.partial(
        pl.kernel,
        out_type=jax.ShapeDtypeStruct((_NC, npad, 128), jnp.float32),
        mesh=_mesh,
        scratch_types=[pltpu.VMEM((2, 2, _CHUNK), jnp.int32),
                       pltpu.VMEM((2, _CHUNK, 128), jnp.float32),
                       pltpu.VMEM_SHARED((npad, 128), jnp.float32),
                       pltpu.SemaphoreType.DMA,
                       pltpu.SemaphoreType.DMA],
    )
    def agg_kernel(table_hbm, idx_hbm, zeros_hbm, out_hbm,
                   idx_v, buf, acc, gsem0, gsem1):
        c = lax.axis_index("c")
        s = lax.axis_index("s")
        cid0 = (c * _NS + s) * chunks

        @pl.loop(0, zchunks)
        def _(k):
            pltpu.sync_copy(zeros_hbm, acc.at[pl.ds(s * stripe + k * _CHUNK, _CHUNK), :])

        plsc.subcore_barrier()

        def load_and_gather(cid, slot, sem):
            pltpu.sync_copy(idx_hbm.at[cid], idx_v.at[slot])
            pltpu.async_copy(table_hbm.at[idx_v.at[slot, 0]], buf.at[slot], sem)

        def wait_gather(slot, sem):
            pltpu.make_async_copy(zeros_hbm, buf.at[slot], sem).wait()

        def scat(slot):
            pltpu.sync_copy(buf.at[slot], acc.at[idx_v.at[slot, 1]], add=True)

        load_and_gather(cid0, 0, gsem0)

        @pl.loop(0, chunks // 2 - 1)
        def _(k):
            load_and_gather(cid0 + 2 * k + 1, 1, gsem1)
            wait_gather(0, gsem0)
            scat(0)
            load_and_gather(cid0 + 2 * k + 2, 0, gsem0)
            wait_gather(1, gsem1)
            scat(1)

        load_and_gather(cid0 + chunks - 1, 1, gsem1)
        wait_gather(0, gsem0)
        scat(0)
        wait_gather(1, gsem1)
        scat(1)

        plsc.subcore_barrier()

        @pl.loop(0, zchunks)
        def _(k):
            r0 = s * stripe + k * _CHUNK
            pltpu.sync_copy(acc.at[pl.ds(r0, _CHUNK), :],
                            out_hbm.at[c, pl.ds(r0, _CHUNK), :])

    return agg_kernel(table, idxpack, zeros128)


def _tc_build_z(d0, d1, x, pf, n, npad, a, c_t):
    grid = npad // _ROWBLK

    def body(d0_ref, d1_ref, x_ref, pf_ref, z_ref):
        i = pl.program_id(0)
        deg = d0_ref[:, 0:1] + d1_ref[:, 0:1] + 1.0
        dinv = lax.rsqrt(deg)
        pf = pf_ref[...]
        sv = jnp.where(pf > 0, a, 1.0)
        tv = jnp.where(pf > 0, c_t, 0.0)
        z = dinv * (sv * x_ref[...] + tv)
        rows = i * _ROWBLK + lax.broadcasted_iota(jnp.int32, (_ROWBLK, 128), 0)
        z_ref[...] = jnp.where(rows < n, z, 0.0)

    return pl.pallas_call(
        body,
        grid=(grid,),
        in_specs=[pl.BlockSpec((_ROWBLK, 16), lambda i: (i, 0)),
                  pl.BlockSpec((_ROWBLK, 16), lambda i: (i, 0)),
                  pl.BlockSpec((_ROWBLK, 128), lambda i: (i, 0)),
                  pl.BlockSpec((_ROWBLK, 1), lambda i: (i, 0))],
        out_specs=pl.BlockSpec((_ROWBLK, 128), lambda i: (i, 0)),
        out_shape=jax.ShapeDtypeStruct((npad, 128), jnp.float32),
    )(d0, d1, x, pf)


def _tc_mid(d0, d1, a0, a1, z, w1, b1, w2, n, npad):
    grid = npad // _ROWBLK

    def body(d0_ref, d1_ref, a0_ref, a1_ref, z_ref, w1_ref, b1_ref, w2_ref,
             z2_ref):
        i = pl.program_id(0)
        deg = d0_ref[:, 0:1] + d1_ref[:, 0:1] + 1.0
        dinv = lax.rsqrt(deg)
        h1 = dinv * (a0_ref[...] + a1_ref[...] + z_ref[...])
        h = lax.dot_general(h1, w1_ref[...], (((1,), (1,)), ((), ())),
                            preferred_element_type=jnp.float32)
        h = jnp.maximum(h + b1_ref[...], 0.0)
        h2 = lax.dot_general(h, w2_ref[...], (((1,), (1,)), ((), ())),
                             preferred_element_type=jnp.float32)
        rows = i * _ROWBLK + lax.broadcasted_iota(jnp.int32, (_ROWBLK, 128), 0)
        z2_ref[...] = jnp.where(rows < n, dinv * h2, 0.0)

    return pl.pallas_call(
        body,
        grid=(grid,),
        in_specs=[pl.BlockSpec((_ROWBLK, 16), lambda i: (i, 0)),
                  pl.BlockSpec((_ROWBLK, 16), lambda i: (i, 0)),
                  pl.BlockSpec((_ROWBLK, 128), lambda i: (i, 0)),
                  pl.BlockSpec((_ROWBLK, 128), lambda i: (i, 0)),
                  pl.BlockSpec((_ROWBLK, 128), lambda i: (i, 0)),
                  pl.BlockSpec((128, 128), lambda i: (0, 0)),
                  pl.BlockSpec((1, 128), lambda i: (0, 0)),
                  pl.BlockSpec((128, 128), lambda i: (0, 0))],
        out_specs=pl.BlockSpec((_ROWBLK, 128), lambda i: (i, 0)),
        out_shape=jax.ShapeDtypeStruct((npad, 128), jnp.float32),
    )(d0, d1, a0, a1, z, w1, b1, w2)


def _tc_out(d0, d1, a0, a1, z2, b2, npad):
    grid = npad // _ROWBLK

    def body(d0_ref, d1_ref, a0_ref, a1_ref, z2_ref, b2_ref, o_ref):
        deg = d0_ref[:, 0:1] + d1_ref[:, 0:1] + 1.0
        dinv = lax.rsqrt(deg)
        o_ref[...] = dinv * (a0_ref[...] + a1_ref[...] + z2_ref[...]) + b2_ref[...]

    return pl.pallas_call(
        body,
        grid=(grid,),
        in_specs=[pl.BlockSpec((_ROWBLK, 16), lambda i: (i, 0)),
                  pl.BlockSpec((_ROWBLK, 16), lambda i: (i, 0)),
                  pl.BlockSpec((_ROWBLK, 128), lambda i: (i, 0)),
                  pl.BlockSpec((_ROWBLK, 128), lambda i: (i, 0)),
                  pl.BlockSpec((_ROWBLK, 128), lambda i: (i, 0)),
                  pl.BlockSpec((1, 128), lambda i: (0, 0))],
        out_specs=pl.BlockSpec((_ROWBLK, 128), lambda i: (i, 0)),
        out_shape=jax.ShapeDtypeStruct((npad, 128), jnp.float32),
    )(d0, d1, a0, a1, z2, b2)


def kernel(x, edge_index, priv_mask, W1, b1, W2, b2):
    n = x.shape[0]
    e = edge_index.shape[1]
    npad = -(-(n + 1) // (_NS * _CHUNK)) * (_NS * _CHUNK)
    epad = -(-e // (2 * _NC * _NS * _CHUNK)) * (2 * _NC * _NS * _CHUNK)

    expv = math.exp(_EPS)
    a = (expv + 1.0) * _DELTA / (expv - 1.0)
    c_t = -_DELTA / (expv - 1.0) + _ALPHA

    row = edge_index[0].astype(jnp.int32)
    col = edge_index[1].astype(jnp.int32)
    pad_idx = n + (jnp.arange(epad - e, dtype=jnp.int32) % 128)
    rowr = jnp.concatenate([jnp.where(row == col, n, row), pad_idx])
    colp = jnp.concatenate([col, pad_idx])
    idxpack = jnp.stack(
        [rowr.reshape(-1, _CHUNK), colp.reshape(-1, _CHUNK)], axis=1)

    ones_blk = jnp.ones((_CHUNK, 16), jnp.float32)
    zeros16 = jnp.zeros((_CHUNK, 16), jnp.float32)
    zeros128 = jnp.zeros((_CHUNK, 128), jnp.float32)

    degp = _sc_degree(idxpack, ones_blk, zeros16, npad, epad)
    d0, d1 = degp[0], degp[1]

    pf = priv_mask.astype(jnp.float32)
    z = _tc_build_z(d0, d1, x, pf, n, npad, a, c_t)

    agg1 = _sc_aggregate(z, idxpack, zeros128, npad, epad)
    z2 = _tc_mid(d0, d1, agg1[0], agg1[1], z, W1, b1.reshape(1, 128),
                 W2, n, npad)

    agg2 = _sc_aggregate(z2, idxpack, zeros128, npad, epad)
    outp = _tc_out(d0, d1, agg2[0], agg2[1], z2, b2.reshape(1, 128), npad)
    return outp[:n]

# --- scband reference (transcript-rebuilt; emitter-appended) ---
"""Pipeline reference for scband-gcn-4312147165258 (READ-ONLY COPY).

The authoritative reference and input builder live on the scoring server;
editing this copy changes nothing except your own understanding.
"""

import math
import jax, jax.numpy as jnp
import numpy as np

N = 10000
E = 320000
D_IN = 128
D_H = 128
D_OUT = 128
EPS = 1.0
ALPHA = 0.1
DELTA = 0.1


def setup_inputs(seed: int = 0) -> dict:
    key = jax.random.key(seed)
    k1, k2, k3, k4, k5, k6, k7 = jax.random.split(key, 7)
    x = jax.random.normal(k1, (N, D_IN), dtype=jnp.float32)
    edge_index = jax.random.randint(k2, (2, E), 0, N, dtype=jnp.int32)
    priv_mask = jax.random.randint(k3, (N, 1), 0, 2, dtype=jnp.int32) > 0
    W1 = jax.random.normal(k4, (D_H, D_IN), dtype=jnp.float32) * 0.05
    b1 = jax.random.normal(k5, (D_H,), dtype=jnp.float32) * 0.05
    W2 = jax.random.normal(k6, (D_OUT, D_H), dtype=jnp.float32) * 0.05
    b2 = jax.random.normal(k7, (D_OUT,), dtype=jnp.float32) * 0.05
    return {"x": x, "edge_index": edge_index, "priv_mask": priv_mask,
            "W1": W1, "b1": b1, "W2": W2, "b2": b2}


def _gcn_norm(edge_index, num_nodes):
    # add_remaining_self_loops equivalent with static shapes:
    # keep original edges but zero-weight existing self loops, then append one
    # self loop per node. degree and symmetric norm computed on the result.
    row, col = edge_index[0], edge_index[1]
    self_mask = row == col
    w = (~self_mask).astype(jnp.float32)
    loop = jnp.arange(num_nodes, dtype=row.dtype)
    row_f = jnp.concatenate([row, loop])
    col_f = jnp.concatenate([col, loop])
    w_f = jnp.concatenate([w, jnp.ones((num_nodes,), jnp.float32)])
    deg = jnp.zeros((num_nodes,), jnp.float32).at[row_f].add(w_f)
    deg_inv_sqrt = jnp.where(deg > 0, deg ** -0.5, 0.0)
    norm = deg_inv_sqrt[row_f] * deg_inv_sqrt[col_f] * w_f
    return row_f, col_f, norm


def reference(x, edge_index, priv_mask, W1, b1, W2, b2):
    num_nodes = x.shape[0]
    # ---- GConvDP layer ----
    row_f, col_f, norm = _gcn_norm(edge_index, num_nodes)
    exp = math.exp(EPS)
    x_j = x[row_f]                      # gather source-node features per edge
    p_j = priv_mask[row_f]              # gather privacy mask per edge [E',1]
    term = ((exp + 1.0) * x_j - 1.0) * DELTA / (exp - 1.0) + ALPHA
    msg = norm[:, None] * jnp.where(p_j, term, x_j)
    h = jnp.zeros((num_nodes, x.shape[1]), x.dtype).at[col_f].add(msg)
    # ---- lin1 + relu (+ dropout identity in eval mode) ----
    h = h @ W1.T + b1
    h = jax.nn.relu(h)
    # ---- GCNConv layer ----
    h2 = h @ W2.T
    row2, col2, norm2 = _gcn_norm(edge_index, num_nodes)
    msg2 = norm2[:, None] * h2[row2]
    out = jnp.zeros((num_nodes, h2.shape[1]), h2.dtype).at[col2].add(msg2)
    out = out + b2
    return out

if __name__ == "__main__":
    import jax
    _d = setup_inputs()
    print(jax.jit(kernel)(*tuple(_d.values())))

</pallas_src>

<mosaic_0001>
#map = affine_map<(d0, d1) -> (0, 0)>
#map1 = affine_map<(d0, d1) -> (0, 0, 0)>
module attributes {stable_mosaic.version = 14 : i64} {
  func.func @agg_kernel(%arg0: i32, %arg1: i32, %arg2: memref<10240x128xf32, #tpu.memory_space<hbm>>, %arg3: memref<2560x2x128xi32, #tpu.memory_space<hbm>>, %arg4: memref<128x128xf32, #tpu.memory_space<hbm>>, %arg5: memref<2x10240x128xf32, #tpu.memory_space<hbm>>, %arg6: memref<2x2x128xi32, #tpu.memory_space<vmem>>, %arg7: memref<2x128x128xf32, #tpu.memory_space<vmem>>, %arg8: memref<10240x128xf32, #tpu.memory_space<vmem_shared>>, %arg9: memref<!tpu.dma_semaphore, #tpu.memory_space<semaphore_mem>>, %arg10: memref<!tpu.dma_semaphore, #tpu.memory_space<semaphore_mem>>) attributes {dimension_semantics = [#tpu.dimension_semantics<core_parallel>, #tpu.dimension_semantics<subcore_parallel>], iteration_bounds = array<i64: 2, 16>, scalar_prefetch = 0 : i64, scratch_operands = 5 : i64, tpu.core_type = #tpu.core_type<sc_vector_subcore>, window_params = [{transform_indices = #map}, {transform_indices = #map1}, {transform_indices = #map}, {transform_indices = #map1}]} {
    %mul3A = arith.constant 16 : i32
    %mul3A_0 = arith.muli %arg0, %mul3A : i32
    %add3A = arith.addi %mul3A_0, %arg1 : i32
    %mul3A_1 = arith.constant 80 : i32
    %mul3A_2 = arith.muli %add3A, %mul3A_1 : i32
    %scan3A = arith.constant 0 : i32
    %scan3A_3 = arith.constant 5 : i32
    %scan3A_4 = arith.addi %scan3A, %scan3A_3 : i32
    %scan3A_5 = arith.constant 1 : i32
    scf.for %scan3A_70 = %scan3A to %scan3A_4 step %scan3A_5  : i32 {
      %mul3A_71 = arith.constant 1 : i32
      %mul3A_72 = arith.muli %scan3A_70, %mul3A_71 : i32
      %add3A_73 = arith.constant 0 : i32
      %add3A_74 = arith.addi %add3A_73, %mul3A_72 : i32
      %mul3A_75 = arith.constant 640 : i32
      %mul3A_76 = arith.muli %arg1, %mul3A_75 : i32
      %mul3A_77 = arith.constant 128 : i32
      %mul3A_78 = arith.muli %add3A_74, %mul3A_77 : i32
      %add3A_79 = arith.addi %mul3A_76, %mul3A_78 : i32
      "tpu.region"() ({
        %run_scoped3A_80 = tpu.sem_alloc : memref<!tpu.dma_semaphore, #tpu.memory_space<semaphore_mem>>
        %dma_start3A_81 = arith.constant 0 : i32
        %dma_start3A_82 = tpu.memref_slice %arg8[%add3A_79, %dma_start3A_81] : memref<10240x128xf32, #tpu.memory_space<vmem_shared>> -> memref<128x128xf32, #tpu.memory_space<vmem_shared>>
        tpu.enqueue_dma source(%arg4 : memref<128x128xf32, #tpu.memory_space<hbm>>) target(%dma_start3A_82 : memref<128x128xf32, #tpu.memory_space<vmem_shared>>) target_semaphore(%run_scoped3A_80 : memref<!tpu.dma_semaphore, #tpu.memory_space<semaphore_mem>>)
        %dma_wait3A_83 = arith.constant 0 : i32
        %dma_wait3A_84 = tpu.memref_slice %arg8[%add3A_79, %dma_wait3A_83] : memref<10240x128xf32, #tpu.memory_space<vmem_shared>> -> memref<128x128xf32, #tpu.memory_space<vmem_shared>>
        tpu.wait_dma2 semaphore(%run_scoped3A_80 : memref<!tpu.dma_semaphore, #tpu.memory_space<semaphore_mem>>) src(%arg4 : memref<128x128xf32, #tpu.memory_space<hbm>>) dst(%dma_wait3A_84 : memref<128x128xf32, #tpu.memory_space<vmem_shared>>)
        tpu.yield
      }) : () -> ()
    }
    %scan3A_6 = arith.constant 5 : i32
    %barrier3A = arith.constant 0 : index
    tpu.barrier barrier_id(%barrier3A)
    %run_scoped3A = arith.constant 0 : i32
    "tpu.region"() ({
      %run_scoped3A_70 = tpu.sem_alloc : memref<!tpu.dma_semaphore, #tpu.memory_space<semaphore_mem>>
      %dma_start3A_71 = arith.constant 0 : i32
      %dma_start3A_72 = arith.constant 0 : i32
      %dma_start3A_73 = tpu.memref_slice %arg6[%run_scoped3A, %dma_start3A_71, %dma_start3A_72] : memref<2x2x128xi32, #tpu.memory_space<vmem>> -> memref<1x2x128xi32, #tpu.memory_space<vmem>>
      %dma_start3A_74 = tpu.memref_squeeze %dma_start3A_73 : memref<1x2x128xi32, #tpu.memory_space<vmem>> -> memref<2x128xi32, #tpu.memory_space<vmem>>
      %dma_start3A_75 = arith.constant 0 : i32
      %dma_start3A_76 = arith.constant 0 : i32
      %dma_start3A_77 = tpu.memref_slice %arg3[%mul3A_2, %dma_start3A_75, %dma_start3A_76] : memref<2560x2x128xi32, #tpu.memory_space<hbm>> -> memref<1x2x128xi32, #tpu.memory_space<hbm>>
      %dma_start3A_78 = tpu.memref_squeeze %dma_start3A_77 : memref<1x2x128xi32, #tpu.memory_space<hbm>> -> memref<2x128xi32, #tpu.memory_space<hbm>>
      %dma_start3A_79 = arith.constant 0 : i32
      %dma_start3A_80 = arith.constant 0 : i32
      %dma_start3A_81 = tpu.memref_slice %arg6[%run_scoped3A, %dma_start3A_79, %dma_start3A_80] : memref<2x2x128xi32, #tpu.memory_space<vmem>> -> memref<1x2x128xi32, #tpu.memory_space<vmem>>
      %dma_start3A_82 = tpu.memref_squeeze %dma_start3A_81 : memref<1x2x128xi32, #tpu.memory_space<vmem>> -> memref<2x128xi32, #tpu.memory_space<vmem>>
      %dma_start3A_83 = arith.constant 0 : i32
      %dma_start3A_84 = arith.constant 0 : i32
      %dma_start3A_85 = tpu.memref_slice %arg3[%mul3A_2, %dma_start3A_83, %dma_start3A_84] : memref<2560x2x128xi32, #tpu.memory_space<hbm>> -> memref<1x2x128xi32, #tpu.memory_space<hbm>>
      %dma_start3A_86 = tpu.memref_squeeze %dma_start3A_85 : memref<1x2x128xi32, #tpu.memory_space<hbm>> -> memref<2x128xi32, #tpu.memory_space<hbm>>
      tpu.enqueue_dma source(%dma_start3A_86 : memref<2x128xi32, #tpu.memory_space<hbm>>) target(%dma_start3A_82 : memref<2x128xi32, #tpu.memory_space<vmem>>) target_semaphore(%run_scoped3A_70 : memref<!tpu.dma_semaphore, #tpu.memory_space<semaphore_mem>>)
      %dma_wait3A_87 = arith.constant 0 : i32
      %dma_wait3A_88 = arith.constant 0 : i32
      %dma_wait3A_89 = tpu.memref_slice %arg6[%run_scoped3A, %dma_wait3A_87, %dma_wait3A_88] : memref<2x2x128xi32, #tpu.memory_space<vmem>> -> memref<1x2x128xi32, #tpu.memory_space<vmem>>
      %dma_wait3A_90 = tpu.memref_squeeze %dma_wait3A_89 : memref<1x2x128xi32, #tpu.memory_space<vmem>> -> memref<2x128xi32, #tpu.memory_space<vmem>>
      %dma_wait3A_91 = arith.constant 0 : i32
      %dma_wait3A_92 = arith.constant 0 : i32
      %dma_wait3A_93 = tpu.memref_slice %arg3[%mul3A_2, %dma_wait3A_91, %dma_wait3A_92] : memref<2560x2x128xi32, #tpu.memory_space<hbm>> -> memref<1x2x128xi32, #tpu.memory_space<hbm>>
      %dma_wait3A_94 = tpu.memref_squeeze %dma_wait3A_93 : memref<1x2x128xi32, #tpu.memory_space<hbm>> -> memref<2x128xi32, #tpu.memory_space<hbm>>
      %dma_wait3A_95 = arith.constant 0 : i32
      %dma_wait3A_96 = arith.constant 0 : i32
      %dma_wait3A_97 = tpu.memref_slice %arg6[%run_scoped3A, %dma_wait3A_95, %dma_wait3A_96] : memref<2x2x128xi32, #tpu.memory_space<vmem>> -> memref<1x2x128xi32, #tpu.memory_space<vmem>>
      %dma_wait3A_98 = tpu.memref_squeeze %dma_wait3A_97 : memref<1x2x128xi32, #tpu.memory_space<vmem>> -> memref<2x128xi32, #tpu.memory_space<vmem>>
      %dma_wait3A_99 = arith.constant 0 : i32
      %dma_wait3A_100 = arith.constant 0 : i32
      %dma_wait3A_101 = tpu.memref_slice %arg3[%mul3A_2, %dma_wait3A_99, %dma_wait3A_100] : memref<2560x2x128xi32, #tpu.memory_space<hbm>> -> memref<1x2x128xi32, #tpu.memory_space<hbm>>
      %dma_wait3A_102 = tpu.memref_squeeze %dma_wait3A_101 : memref<1x2x128xi32, #tpu.memory_space<hbm>> -> memref<2x128xi32, #tpu.memory_space<hbm>>
      tpu.wait_dma2 semaphore(%run_scoped3A_70 : memref<!tpu.dma_semaphore, #tpu.memory_space<semaphore_mem>>) src(%dma_wait3A_102 : memref<2x128xi32, #tpu.memory_space<hbm>>) dst(%dma_wait3A_98 : memref<2x128xi32, #tpu.memory_space<vmem>>)
      tpu.yield
    }) : () -> ()
    %dma_start3A = arith.constant 0 : i32
    %dma_start3A_7 = arith.constant 0 : i32
    %dma_start3A_8 = arith.constant 0 : i32
    %dma_start3A_9 = arith.constant 0 : i32
    %dma_start3A_10 = arith.constant 0 : i32
    %dma_start3A_11 = tpu.memref_slice %arg7[%dma_start3A_8, %dma_start3A_9, %dma_start3A_10] : memref<2x128x128xf32, #tpu.memory_space<vmem>> -> memref<1x128x128xf32, #tpu.memory_space<vmem>>
    %dma_start3A_12 = tpu.memref_squeeze %dma_start3A_11 : memref<1x128x128xf32, #tpu.memory_space<vmem>> -> memref<128x128xf32, #tpu.memory_space<vmem>>
    %dma_start3A_13 = arith.constant 0 : i32
    %dma_start3A_14 = tpu.memref_slice %arg6[%dma_start3A, %dma_start3A_7, %dma_start3A_13] : memref<2x2x128xi32, #tpu.memory_space<vmem>> -> memref<1x1x128xi32, #tpu.memory_space<vmem>>
    %dma_start3A_15 = tpu.memref_squeeze %dma_start3A_14 : memref<1x1x128xi32, #tpu.memory_space<vmem>> -> memref<128xi32, #tpu.memory_space<vmem>>
    %dma_start3A_16 = arith.constant 0 : i32
    %dma_start3A_17 = arith.constant 0 : i32
    %dma_start3A_18 = tpu.memref_slice %arg2[%dma_start3A_16, %dma_start3A_17] : memref<10240x128xf32, #tpu.memory_space<hbm>> -> memref<10240x128xf32, #tpu.memory_space<hbm>>
    tpu.enqueue_indirect_dma source(%dma_start3A_18 : memref<10240x128xf32, #tpu.memory_space<hbm>>) target(%dma_start3A_12 : memref<128x128xf32, #tpu.memory_space<vmem>>) offsets(%dma_start3A_15 : memref<128xi32, #tpu.memory_space<vmem>>) semaphore(%arg9 : memref<!tpu.dma_semaphore, #tpu.memory_space<semaphore_mem>>)
    %scan3A_19 = arith.constant 0 : i32
    %scan3A_20 = arith.constant 39 : i32
    %scan3A_21 = arith.addi %scan3A_19, %scan3A_20 : i32
    %scan3A_22 = arith.constant 1 : i32
    scf.for %scan3A_70 = %scan3A_19 to %scan3A_21 step %scan3A_22  : i32 {
      %mul3A_71 = arith.constant 1 : i32
      %mul3A_72 = arith.muli %scan3A_70, %mul3A_71 : i32
      %add3A_73 = arith.constant 0 : i32
      %add3A_74 = arith.addi %add3A_73, %mul3A_72 : i32
      %mul3A_75 = arith.constant 2 : i32
      %mul3A_76 = arith.muli %mul3A_75, %add3A_74 : i32
      %add3A_77 = arith.addi %mul3A_2, %mul3A_76 : i32
      %add3A_78 = arith.constant 1 : i32
      %add3A_79 = arith.addi %add3A_77, %add3A_78 : i32
      %run_scoped3A_80 = arith.constant 1 : i32
      "tpu.region"() ({
        %run_scoped3A_137 = tpu.sem_alloc : memref<!tpu.dma_semaphore, #tpu.memory_space<semaphore_mem>>
        %dma_start3A_138 = arith.constant 0 : i32
        %dma_start3A_139 = arith.constant 0 : i32
        %dma_start3A_140 = tpu.memref_slice %arg6[%run_scoped3A_80, %dma_start3A_138, %dma_start3A_139] : memref<2x2x128xi32, #tpu.memory_space<vmem>> -> memref<1x2x128xi32, #tpu.memory_space<vmem>>
        %dma_start3A_141 = tpu.memref_squeeze %dma_start3A_140 : memref<1x2x128xi32, #tpu.memory_space<vmem>> -> memref<2x128xi32, #tpu.memory_space<vmem>>
        %dma_start3A_142 = arith.constant 0 : i32
        %dma_start3A_143 = arith.constant 0 : i32
        %dma_start3A_144 = tpu.memref_slice %arg3[%add3A_79, %dma_start3A_142, %dma_start3A_143] : memref<2560x2x128xi32, #tpu.memory_space<hbm>> -> memref<1x2x128xi32, #tpu.memory_space<hbm>>
        %dma_start3A_145 = tpu.memref_squeeze %dma_start3A_144 : memref<1x2x128xi32, #tpu.memory_space<hbm>> -> memref<2x128xi32, #tpu.memory_space<hbm>>
        %dma_start3A_146 = arith.constant 0 : i32
        %dma_start3A_147 = arith.constant 0 : i32
        %dma_start3A_148 = tpu.memref_slice %arg6[%run_scoped3A_80, %dma_start3A_146, %dma_start3A_147] : memref<2x2x128xi32, #tpu.memory_space<vmem>> -> memref<1x2x128xi32, #tpu.memory_space<vmem>>
        %dma_start3A_149 = tpu.memref_squeeze %dma_start3A_148 : memref<1x2x128xi32, #tpu.memory_space<vmem>> -> memref<2x128xi32, #tpu.memory_space<vmem>>
        %dma_start3A_150 = arith.constant 0 : i32
        %dma_start3A_151 = arith.constant 0 : i32
        %dma_start3A_152 = tpu.memref_slice %arg3[%add3A_79, %dma_start3A_150, %dma_start3A_151] : memref<2560x2x128xi32, #tpu.memory_space<hbm>> -> memref<1x2x128xi32, #tpu.memory_space<hbm>>
        %dma_start3A_153 = tpu.memref_squeeze %dma_start3A_152 : memref<1x2x128xi32, #tpu.memory_space<hbm>> -> memref<2x128xi32, #tpu.memory_space<hbm>>
        tpu.enqueue_dma source(%dma_start3A_153 : memref<2x128xi32, #tpu.memory_space<hbm>>) target(%dma_start3A_149 : memref<2x128xi32, #tpu.memory_space<vmem>>) target_semaphore(%run_scoped3A_137 : memref<!tpu.dma_semaphore, #tpu.memory_space<semaphore_mem>>)
        %dma_wait3A_154 = arith.constant 0 : i32
        %dma_wait3A_155 = arith.constant 0 : i32
        %dma_wait3A_156 = tpu.memref_slice %arg6[%run_scoped3A_80, %dma_wait3A_154, %dma_wait3A_155] : memref<2x2x128xi32, #tpu.memory_space<vmem>> -> memref<1x2x128xi32, #tpu.memory_space<vmem>>
        %dma_wait3A_157 = tpu.memref_squeeze %dma_wait3A_156 : memref<1x2x128xi32, #tpu.memory_space<vmem>> -> memref<2x128xi32, #tpu.memory_space<vmem>>
        %dma_wait3A_158 = arith.constant 0 : i32
        %dma_wait3A_159 = arith.constant 0 : i32
        %dma_wait3A_160 = tpu.memref_slice %arg3[%add3A_79, %dma_wait3A_158, %dma_wait3A_159] : memref<2560x2x128xi32, #tpu.memory_space<hbm>> -> memref<1x2x128xi32, #tpu.memory_space<hbm>>
        %dma_wait3A_161 = tpu.memref_squeeze %dma_wait3A_160 : memref<1x2x128xi32, #tpu.memory_space<hbm>> -> memref<2x128xi32, #tpu.memory_space<hbm>>
        %dma_wait3A_162 = arith.constant 0 : i32
        %dma_wait3A_163 = arith.constant 0 : i32
        %dma_wait3A_164 = tpu.memref_slice %arg6[%run_scoped3A_80, %dma_wait3A_162, %dma_wait3A_163] : memref<2x2x128xi32, #tpu.memory_space<vmem>> -> memref<1x2x128xi32, #tpu.memory_space<vmem>>
        %dma_wait3A_165 = tpu.memref_squeeze %dma_wait3A_164 : memref<1x2x128xi32, #tpu.memory_space<vmem>> -> memref<2x128xi32, #tpu.memory_space<vmem>>
        %dma_wait3A_166 = arith.constant 0 : i32
        %dma_wait3A_167 = arith.constant 0 : i32
        %dma_wait3A_168 = tpu.memref_slice %arg3[%add3A_79, %dma_wait3A_166, %dma_wait3A_167] : memref<2560x2x128xi32, #tpu.memory_space<hbm>> -> memref<1x2x128xi32, #tpu.memory_space<hbm>>
        %dma_wait3A_169 = tpu.memref_squeeze %dma_wait3A_168 : memref<1x2x128xi32, #tpu.memory_space<hbm>> -> memref<2x128xi32, #tpu.memory_space<hbm>>
        tpu.wait_dma2 semaphore(%run_scoped3A_137 : memref<!tpu.dma_semaphore, #tpu.memory_space<semaphore_mem>>) src(%dma_wait3A_169 : memref<2x128xi32, #tpu.memory_space<hbm>>) dst(%dma_wait3A_165 : memref<2x128xi32, #tpu.memory_space<vmem>>)
        tpu.yield
      }) : () -> ()
      %dma_start3A_81 = arith.constant 1 : i32
      %dma_start3A_82 = arith.constant 0 : i32
      %dma_start3A_83 = arith.constant 1 : i32
      %dma_start3A_84 = arith.constant 0 : i32
      %dma_start3A_85 = arith.constant 0 : i32
      %dma_start3A_86 = tpu.memref_slice %arg7[%dma_start3A_83, %dma_start3A_84, %dma_start3A_85] : memref<2x128x128xf32, #tpu.memory_space<vmem>> -> memref<1x128x128xf32, #tpu.memory_space<vmem>>
      %dma_start3A_87 = tpu.memref_squeeze %dma_start3A_86 : memref<1x128x128xf32, #tpu.memory_space<vmem>> -> memref<128x128xf32, #tpu.memory_space<vmem>>
      %dma_start3A_88 = arith.constant 0 : i32
      %dma_start3A_89 = tpu.memref_slice %arg6[%dma_start3A_81, %dma_start3A_82, %dma_start3A_88] : memref<2x2x128xi32, #tpu.memory_space<vmem>> -> memref<1x1x128xi32, #tpu.memory_space<vmem>>
      %dma_start3A_90 = tpu.memref_squeeze %dma_start3A_89 : memref<1x1x128xi32, #tpu.memory_space<vmem>> -> memref<128xi32, #tpu.memory_space<vmem>>
      %dma_start3A_91 = arith.constant 0 : i32
      %dma_start3A_92 = arith.constant 0 : i32
      %dma_start3A_93 = tpu.memref_slice %arg2[%dma_start3A_91, %dma_start3A_92] : memref<10240x128xf32, #tpu.memory_space<hbm>> -> memref<10240x128xf32, #tpu.memory_space<hbm>>
      tpu.enqueue_indirect_dma source(%dma_start3A_93 : memref<10240x128xf32, #tpu.memory_space<hbm>>) target(%dma_start3A_87 : memref<128x128xf32, #tpu.memory_space<vmem>>) offsets(%dma_start3A_90 : memref<128xi32, #tpu.memory_space<vmem>>) semaphore(%arg10 : memref<!tpu.dma_semaphore, #tpu.memory_space<semaphore_mem>>)
      %dma_wait3A_94 = arith.constant 0 : i32
      %dma_wait3A_95 = arith.constant 0 : i32
      %dma_wait3A_96 = arith.constant 0 : i32
      %dma_wait3A_97 = tpu.memref_slice %arg7[%dma_wait3A_94, %dma_wait3A_95, %dma_wait3A_96] : memref<2x128x128xf32, #tpu.memory_space<vmem>> -> memref<1x128x128xf32, #tpu.memory_space<vmem>>
      %dma_wait3A_98 = tpu.memref_squeeze %dma_wait3A_97 : memref<1x128x128xf32, #tpu.memory_space<vmem>> -> memref<128x128xf32, #tpu.memory_space<vmem>>
      %dma_wait3A_99 = arith.constant 0 : i32
      %dma_wait3A_100 = arith.constant 0 : i32
      %dma_wait3A_101 = tpu.memref_slice %arg7[%dma_wait3A_94, %dma_wait3A_99, %dma_wait3A_100] : memref<2x128x128xf32, #tpu.memory_space<vmem>> -> memref<1x128x128xf32, #tpu.memory_space<vmem>>
      %dma_wait3A_102 = tpu.memref_squeeze %dma_wait3A_101 : memref<1x128x128xf32, #tpu.memory_space<vmem>> -> memref<128x128xf32, #tpu.memory_space<vmem>>
      tpu.wait_dma2 semaphore(%arg9 : memref<!tpu.dma_semaphore, #tpu.memory_space<semaphore_mem>>) src(%arg4 : memref<128x128xf32, #tpu.memory_space<hbm>>) dst(%dma_wait3A_102 : memref<128x128xf32, #tpu.memory_space<vmem>>)
      %run_scoped3A_103 = arith.constant 0 : i32
      %run_scoped3A_104 = arith.constant 0 : i32
      %run_scoped3A_105 = arith.constant 1 : i32
      "tpu.region"() ({
        %run_scoped3A_137 = tpu.sem_alloc : memref<!tpu.dma_semaphore, #tpu.memory_space<semaphore_mem>>
        %dma_start3A_138 = arith.constant 0 : i32
        %dma_start3A_139 = arith.constant 0 : i32
        %dma_start3A_140 = tpu.memref_slice %arg7[%run_scoped3A_103, %dma_start3A_138, %dma_start3A_139] : memref<2x128x128xf32, #tpu.memory_space<vmem>> -> memref<1x128x128xf32, #tpu.memory_space<vmem>>
        %dma_start3A_141 = tpu.memref_squeeze %dma_start3A_140 : memref<1x128x128xf32, #tpu.memory_space<vmem>> -> memref<128x128xf32, #tpu.memory_space<vmem>>
        %dma_start3A_142 = arith.constant 0 : i32
        %dma_start3A_143 = tpu.memref_slice %arg6[%run_scoped3A_104, %run_scoped3A_105, %dma_start3A_142] : memref<2x2x128xi32, #tpu.memory_space<vmem>> -> memref<1x1x128xi32, #tpu.memory_space<vmem>>
        %dma_start3A_144 = tpu.memref_squeeze %dma_start3A_143 : memref<1x1x128xi32, #tpu.memory_space<vmem>> -> memref<128xi32, #tpu.memory_space<vmem>>
        %dma_start3A_145 = arith.constant 0 : i32
        %dma_start3A_146 = arith.constant 0 : i32
        %dma_start3A_147 = tpu.memref_slice %arg8[%dma_start3A_145, %dma_start3A_146] : memref<10240x128xf32, #tpu.memory_space<vmem_shared>> -> memref<10240x128xf32, #tpu.memory_space<vmem_shared>>
        tpu.enqueue_indirect_dma source(%dma_start3A_141 : memref<128x128xf32, #tpu.memory_space<vmem>>) target(%dma_start3A_147 : memref<10240x128xf32, #tpu.memory_space<vmem_shared>>) offsets(%dma_start3A_144 : memref<128xi32, #tpu.memory_space<vmem>>) semaphore(%run_scoped3A_137 : memref<!tpu.dma_semaphore, #tpu.memory_space<semaphore_mem>>) {add = true}
        %dma_wait3A_148 = arith.constant 0 : i32
        %dma_wait3A_149 = arith.constant 0 : i32
        %dma_wait3A_150 = tpu.memref_slice %arg7[%run_scoped3A_103, %dma_wait3A_148, %dma_wait3A_149] : memref<2x128x128xf32, #tpu.memory_space<vmem>> -> memref<1x128x128xf32, #tpu.memory_space<vmem>>
        %dma_wait3A_151 = tpu.memref_squeeze %dma_wait3A_150 : memref<1x128x128xf32, #tpu.memory_space<vmem>> -> memref<128x128xf32, #tpu.memory_space<vmem>>
        %dma_wait3A_152 = arith.constant 0 : i32
        %dma_wait3A_153 = tpu.memref_slice %arg6[%run_scoped3A_104, %run_scoped3A_105, %dma_wait3A_152] : memref<2x2x128xi32, #tpu.memory_space<vmem>> -> memref<1x1x128xi32, #tpu.memory_space<vmem>>
        %dma_wait3A_154 = tpu.memref_squeeze %dma_wait3A_153 : memref<1x1x128xi32, #tpu.memory_space<vmem>> -> memref<128xi32, #tpu.memory_space<vmem>>
        %dma_wait3A_155 = arith.constant 0 : i32
        %dma_wait3A_156 = arith.constant 0 : i32
        %dma_wait3A_157 = tpu.memref_slice %arg8[%dma_wait3A_155, %dma_wait3A_156] : memref<10240x128xf32, #tpu.memory_space<vmem_shared>> -> memref<10240x128xf32, #tpu.memory_space<vmem_shared>>
        tpu.wait_indirect_dma semaphore(%run_scoped3A_137 : memref<!tpu.dma_semaphore, #tpu.memory_space<semaphore_mem>>) src(%dma_wait3A_151 : memref<128x128xf32, #tpu.memory_space<vmem>>) dst(%dma_wait3A_157 : memref<10240x128xf32, #tpu.memory_space<vmem_shared>>)
        tpu.yield
      }) : () -> ()
      %mul3A_106 = arith.constant 2 : i32
      %mul3A_107 = arith.muli %mul3A_106, %add3A_74 : i32
      %add3A_108 = arith.addi %mul3A_2, %mul3A_107 : i32
      %add3A_109 = arith.constant 2 : i32
      %add3A_110 = arith.addi %add3A_108, %add3A_109 : i32
      %run_scoped3A_111 = arith.constant 0 : i32
      "tpu.region"() ({
        %run_scoped3A_137 = tpu.sem_alloc : memref<!tpu.dma_semaphore, #tpu.memory_space<semaphore_mem>>
        %dma_start3A_138 = arith.constant 0 : i32
        %dma_start3A_139 = arith.constant 0 : i32
        %dma_start3A_140 = tpu.memref_slice %arg6[%run_scoped3A_111, %dma_start3A_138, %dma_start3A_139] : memref<2x2x128xi32, #tpu.memory_space<vmem>> -> memref<1x2x128xi32, #tpu.memory_space<vmem>>
        %dma_start3A_141 = tpu.memref_squeeze %dma_start3A_140 : memref<1x2x128xi32, #tpu.memory_space<vmem>> -> memref<2x128xi32, #tpu.memory_space<vmem>>
        %dma_start3A_142 = arith.constant 0 : i32
        %dma_start3A_143 = arith.constant 0 : i32
        %dma_start3A_144 = tpu.memref_slice %arg3[%add3A_110, %dma_start3A_142, %dma_start3A_143] : memref<2560x2x128xi32, #tpu.memory_space<hbm>> -> memref<1x2x128xi32, #tpu.memory_space<hbm>>
        %dma_start3A_145 = tpu.memref_squeeze %dma_start3A_144 : memref<1x2x128xi32, #tpu.memory_space<hbm>> -> memref<2x128xi32, #tpu.memory_space<hbm>>
        %dma_start3A_146 = arith.constant 0 : i32
        %dma_start3A_147 = arith.constant 0 : i32
        %dma_start3A_148 = tpu.memref_slice %arg6[%run_scoped3A_111, %dma_start3A_146, %dma_start3A_147] : memref<2x2x128xi32, #tpu.memory_space<vmem>> -> memref<1x2x128xi32, #tpu.memory_space<vmem>>
        %dma_start3A_149 = tpu.memref_squeeze %dma_start3A_148 : memref<1x2x128xi32, #tpu.memory_space<vmem>> -> memref<2x128xi32, #tpu.memory_space<vmem>>
        %dma_start3A_150 = arith.constant 0 : i32
        %dma_start3A_151 = arith.constant 0 : i32
        %dma_start3A_152 = tpu.memref_slice %arg3[%add3A_110, %dma_start3A_150, %dma_start3A_151] : memref<2560x2x128xi32, #tpu.memory_space<hbm>> -> memref<1x2x128xi32, #tpu.memory_space<hbm>>
        %dma_start3A_153 = tpu.memref_squeeze %dma_start3A_152 : memref<1x2x128xi32, #tpu.memory_space<hbm>> -> memref<2x128xi32, #tpu.memory_space<hbm>>
        tpu.enqueue_dma source(%dma_start3A_153 : memref<2x128xi32, #tpu.memory_space<hbm>>) target(%dma_start3A_149 : memref<2x128xi32, #tpu.memory_space<vmem>>) target_semaphore(%run_scoped3A_137 : memref<!tpu.dma_semaphore, #tpu.memory_space<semaphore_mem>>)
        %dma_wait3A_154 = arith.constant 0 : i32
        %dma_wait3A_155 = arith.constant 0 : i32
        %dma_wait3A_156 = tpu.memref_slice %arg6[%run_scoped3A_111, %dma_wait3A_154, %dma_wait3A_155] : memref<2x2x128xi32, #tpu.memory_space<vmem>> -> memref<1x2x128xi32, #tpu.memory_space<vmem>>
        %dma_wait3A_157 = tpu.memref_squeeze %dma_wait3A_156 : memref<1x2x128xi32, #tpu.memory_space<vmem>> -> memref<2x128xi32, #tpu.memory_space<vmem>>
        %dma_wait3A_158 = arith.constant 0 : i32
        %dma_wait3A_159 = arith.constant 0 : i32
        %dma_wait3A_160 = tpu.memref_slice %arg3[%add3A_110, %dma_wait3A_158, %dma_wait3A_159] : memref<2560x2x128xi32, #tpu.memory_space<hbm>> -> memref<1x2x128xi32, #tpu.memory_space<hbm>>
        %dma_wait3A_161 = tpu.memref_squeeze %dma_wait3A_160 : memref<1x2x128xi32, #tpu.memory_space<hbm>> -> memref<2x128xi32, #tpu.memory_space<hbm>>
        %dma_wait3A_162 = arith.constant 0 : i32
        %dma_wait3A_163 = arith.constant 0 : i32
        %dma_wait3A_164 = tpu.memref_slice %arg6[%run_scoped3A_111, %dma_wait3A_162, %dma_wait3A_163] : memref<2x2x128xi32, #tpu.memory_space<vmem>> -> memref<1x2x128xi32, #tpu.memory_space<vmem>>
        %dma_wait3A_165 = tpu.memref_squeeze %dma_wait3A_164 : memref<1x2x128xi32, #tpu.memory_space<vmem>> -> memref<2x128xi32, #tpu.memory_space<vmem>>
        %dma_wait3A_166 = arith.constant 0 : i32
        %dma_wait3A_167 = arith.constant 0 : i32
        %dma_wait3A_168 = tpu.memref_slice %arg3[%add3A_110, %dma_wait3A_166, %dma_wait3A_167] : memref<2560x2x128xi32, #tpu.memory_space<hbm>> -> memref<1x2x128xi32, #tpu.memory_space<hbm>>
        %dma_wait3A_169 = tpu.memref_squeeze %dma_wait3A_168 : memref<1x2x128xi32, #tpu.memory_space<hbm>> -> memref<2x128xi32, #tpu.memory_space<hbm>>
        tpu.wait_dma2 semaphore(%run_scoped3A_137 : memref<!tpu.dma_semaphore, #tpu.memory_space<semaphore_mem>>) src(%dma_wait3A_169 : memref<2x128xi32, #tpu.memory_space<hbm>>) dst(%dma_wait3A_165 : memref<2x128xi32, #tpu.memory_space<vmem>>)
        tpu.yield
      }) : () -> ()
      %dma_start3A_112 = arith.constant 0 : i32
      %dma_start3A_113 = arith.constant 0 : i32
      %dma_start3A_114 = arith.constant 0 : i32
      %dma_start3A_115 = arith.constant 0 : i32
      %dma_start3A_116 = arith.constant 0 : i32
      %dma_start3A_117 = tpu.memref_slice %arg7[%dma_start3A_114, %dma_start3A_115, %dma_start3A_116] : memref<2x128x128xf32, #tpu.memory_space<vmem>> -> memref<1x128x128xf32, #tpu.memory_space<vmem>>
      %dma_start3A_118 = tpu.memref_squeeze %dma_start3A_117 : memref<1x128x128xf32, #tpu.memory_space<vmem>> -> memref<128x128xf32, #tpu.memory_space<vmem>>
      %dma_start3A_119 = arith.constant 0 : i32
      %dma_start3A_120 = tpu.memref_slice %arg6[%dma_start3A_112, %dma_start3A_113, %dma_start3A_119] : memref<2x2x128xi32, #tpu.memory_space<vmem>> -> memref<1x1x128xi32, #tpu.memory_space<vmem>>
      %dma_start3A_121 = tpu.memref_squeeze %dma_start3A_120 : memref<1x1x128xi32, #tpu.memory_space<vmem>> -> memref<128xi32, #tpu.memory_space<vmem>>
      %dma_start3A_122 = arith.constant 0 : i32
      %dma_start3A_123 = arith.constant 0 : i32
      %dma_start3A_124 = tpu.memref_slice %arg2[%dma_start3A_122, %dma_start3A_123] : memref<10240x128xf32, #tpu.memory_space<hbm>> -> memref<10240x128xf32, #tpu.memory_space<hbm>>
      tpu.enqueue_indirect_dma source(%dma_start3A_124 : memref<10240x128xf32, #tpu.memory_space<hbm>>) target(%dma_start3A_118 : memref<128x128xf32, #tpu.memory_space<vmem>>) offsets(%dma_start3A_121 : memref<128xi32, #tpu.memory_space<vmem>>) semaphore(%arg9 : memref<!tpu.dma_semaphore, #tpu.memory_space<semaphore_mem>>)
      %dma_wait3A_125 = arith.constant 1 : i32
      %dma_wait3A_126 = arith.constant 0 : i32
      %dma_wait3A_127 = arith.constant 0 : i32
      %dma_wait3A_128 = tpu.memref_slice %arg7[%dma_wait3A_125, %dma_wait3A_126, %dma_wait3A_127] : memref<2x128x128xf32, #tpu.memory_space<vmem>> -> memref<1x128x128xf32, #tpu.memory_space<vmem>>
      %dma_wait3A_129 = tpu.memref_squeeze %dma_wait3A_128 : memref<1x128x128xf32, #tpu.memory_space<vmem>> -> memref<128x128xf32, #tpu.memory_space<vmem>>
      %dma_wait3A_130 = arith.constant 0 : i32
      %dma_wait3A_131 = arith.constant 0 : i32
      %dma_wait3A_132 = tpu.memref_slice %arg7[%dma_wait3A_125, %dma_wait3A_130, %dma_wait3A_131] : memref<2x128x128xf32, #tpu.memory_space<vmem>> -> memref<1x128x128xf32, #tpu.memory_space<vmem>>
      %dma_wait3A_133 = tpu.memref_squeeze %dma_wait3A_132 : memref<1x128x128xf32, #tpu.memory_space<vmem>> -> memref<128x128xf32, #tpu.memory_space<vmem>>
      tpu.wait_dma2 semaphore(%arg10 : memref<!tpu.dma_semaphore, #tpu.memory_space<semaphore_mem>>) src(%arg4 : memref<128x128xf32, #tpu.memory_space<hbm>>) dst(%dma_wait3A_133 : memref<128x128xf32, #tpu.memory_space<vmem>>)
      %run_scoped3A_134 = arith.constant 1 : i32
      %run_scoped3A_135 = arith.constant 1 : i32
      %run_scoped3A_136 = arith.constant 1 : i32
      "tpu.region"() ({
        %run_scoped3A_137 = tpu.sem_alloc : memref<!tpu.dma_semaphore, #tpu.memory_space<semaphore_mem>>
        %dma_start3A_138 = arith.constant 0 : i32
        %dma_start3A_139 = arith.constant 0 : i32
        %dma_start3A_140 = tpu.memref_slice %arg7[%run_scoped3A_134, %dma_start3A_138, %dma_start3A_139] : memref<2x128x128xf32, #tpu.memory_space<vmem>> -> memref<1x128x128xf32, #tpu.memory_space<vmem>>
        %dma_start3A_141 = tpu.memref_squeeze %dma_start3A_140 : memref<1x128x128xf32, #tpu.memory_space<vmem>> -> memref<128x128xf32, #tpu.memory_space<vmem>>
        %dma_start3A_142 = arith.constant 0 : i32
        %dma_start3A_143 = tpu.memref_slice %arg6[%run_scoped3A_135, %run_scoped3A_136, %dma_start3A_142] : memref<2x2x128xi32, #tpu.memory_space<vmem>> -> memref<1x1x128xi32, #tpu.memory_space<vmem>>
        %dma_start3A_144 = tpu.memref_squeeze %dma_start3A_143 : memref<1x1x128xi32, #tpu.memory_space<vmem>> -> memref<128xi32, #tpu.memory_space<vmem>>
        %dma_start3A_145 = arith.constant 0 : i32
        %dma_start3A_146 = arith.constant 0 : i32
        %dma_start3A_147 = tpu.memref_slice %arg8[%dma_start3A_145, %dma_start3A_146] : memref<10240x128xf32, #tpu.memory_space<vmem_shared>> -> memref<10240x128xf32, #tpu.memory_space<vmem_shared>>
        tpu.enqueue_indirect_dma source(%dma_start3A_141 : memref<128x128xf32, #tpu.memory_space<vmem>>) target(%dma_start3A_147 : memref<10240x128xf32, #tpu.memory_space<vmem_shared>>) offsets(%dma_start3A_144 : memref<128xi32, #tpu.memory_space<vmem>>) semaphore(%run_scoped3A_137 : memref<!tpu.dma_semaphore, #tpu.memory_space<semaphore_mem>>) {add = true}
        %dma_wait3A_148 = arith.constant 0 : i32
        %dma_wait3A_149 = arith.constant 0 : i32
        %dma_wait3A_150 = tpu.memref_slice %arg7[%run_scoped3A_134, %dma_wait3A_148, %dma_wait3A_149] : memref<2x128x128xf32, #tpu.memory_space<vmem>> -> memref<1x128x128xf32, #tpu.memory_space<vmem>>
        %dma_wait3A_151 = tpu.memref_squeeze %dma_wait3A_150 : memref<1x128x128xf32, #tpu.memory_space<vmem>> -> memref<128x128xf32, #tpu.memory_space<vmem>>
        %dma_wait3A_152 = arith.constant 0 : i32
        %dma_wait3A_153 = tpu.memref_slice %arg6[%run_scoped3A_135, %run_scoped3A_136, %dma_wait3A_152] : memref<2x2x128xi32, #tpu.memory_space<vmem>> -> memref<1x1x128xi32, #tpu.memory_space<vmem>>
        %dma_wait3A_154 = tpu.memref_squeeze %dma_wait3A_153 : memref<1x1x128xi32, #tpu.memory_space<vmem>> -> memref<128xi32, #tpu.memory_space<vmem>>
        %dma_wait3A_155 = arith.constant 0 : i32
        %dma_wait3A_156 = arith.constant 0 : i32
        %dma_wait3A_157 = tpu.memref_slice %arg8[%dma_wait3A_155, %dma_wait3A_156] : memref<10240x128xf32, #tpu.memory_space<vmem_shared>> -> memref<10240x128xf32, #tpu.memory_space<vmem_shared>>
        tpu.wait_indirect_dma semaphore(%run_scoped3A_137 : memref<!tpu.dma_semaphore, #tpu.memory_space<semaphore_mem>>) src(%dma_wait3A_151 : memref<128x128xf32, #tpu.memory_space<vmem>>) dst(%dma_wait3A_157 : memref<10240x128xf32, #tpu.memory_space<vmem_shared>>)
        tpu.yield
      }) : () -> ()
    }
    %scan3A_23 = arith.constant 39 : i32
    %add3A_24 = arith.constant 80 : i32
    %add3A_25 = arith.addi %mul3A_2, %add3A_24 : i32
    %sub3A = arith.constant 1 : i32
    %sub3A_26 = arith.subi %add3A_25, %sub3A : i32
    %run_scoped3A_27 = arith.constant 1 : i32
    "tpu.region"() ({
      %run_scoped3A_70 = tpu.sem_alloc : memref<!tpu.dma_semaphore, #tpu.memory_space<semaphore_mem>>
      %dma_start3A_71 = arith.constant 0 : i32
      %dma_start3A_72 = arith.constant 0 : i32
      %dma_start3A_73 = tpu.memref_slice %arg6[%run_scoped3A_27, %dma_start3A_71, %dma_start3A_72] : memref<2x2x128xi32, #tpu.memory_space<vmem>> -> memref<1x2x128xi32, #tpu.memory_space<vmem>>
      %dma_start3A_74 = tpu.memref_squeeze %dma_start3A_73 : memref<1x2x128xi32, #tpu.memory_space<vmem>> -> memref<2x128xi32, #tpu.memory_space<vmem>>
      %dma_start3A_75 = arith.constant 0 : i32
      %dma_start3A_76 = arith.constant 0 : i32
      %dma_start3A_77 = tpu.memref_slice %arg3[%sub3A_26, %dma_start3A_75, %dma_start3A_76] : memref<2560x2x128xi32, #tpu.memory_space<hbm>> -> memref<1x2x128xi32, #tpu.memory_space<hbm>>
      %dma_start3A_78 = tpu.memref_squeeze %dma_start3A_77 : memref<1x2x128xi32, #tpu.memory_space<hbm>> -> memref<2x128xi32, #tpu.memory_space<hbm>>
      %dma_start3A_79 = arith.constant 0 : i32
      %dma_start3A_80 = arith.constant 0 : i32
      %dma_start3A_81 = tpu.memref_slice %arg6[%run_scoped3A_27, %dma_start3A_79, %dma_start3A_80] : memref<2x2x128xi32, #tpu.memory_space<vmem>> -> memref<1x2x128xi32, #tpu.memory_space<vmem>>
      %dma_start3A_82 = tpu.memref_squeeze %dma_start3A_81 : memref<1x2x128xi32, #tpu.memory_space<vmem>> -> memref<2x128xi32, #tpu.memory_space<vmem>>
      %dma_start3A_83 = arith.constant 0 : i32
      %dma_start3A_84 = arith.constant 0 : i32
      %dma_start3A_85 = tpu.memref_slice %arg3[%sub3A_26, %dma_start3A_83, %dma_start3A_84] : memref<2560x2x128xi32, #tpu.memory_space<hbm>> -> memref<1x2x128xi32, #tpu.memory_space<hbm>>
      %dma_start3A_86 = tpu.memref_squeeze %dma_start3A_85 : memref<1x2x128xi32, #tpu.memory_space<hbm>> -> memref<2x128xi32, #tpu.memory_space<hbm>>
      tpu.enqueue_dma source(%dma_start3A_86 : memref<2x128xi32, #tpu.memory_space<hbm>>) target(%dma_start3A_82 : memref<2x128xi32, #tpu.memory_space<vmem>>) target_semaphore(%run_scoped3A_70 : memref<!tpu.dma_semaphore, #tpu.memory_space<semaphore_mem>>)
      %dma_wait3A_87 = arith.constant 0 : i32
      %dma_wait3A_88 = arith.constant 0 : i32
      %dma_wait3A_89 = tpu.memref_slice %arg6[%run_scoped3A_27, %dma_wait3A_87, %dma_wait3A_88] : memref<2x2x128xi32, #tpu.memory_space<vmem>> -> memref<1x2x128xi32, #tpu.memory_space<vmem>>
      %dma_wait3A_90 = tpu.memref_squeeze %dma_wait3A_89 : memref<1x2x128xi32, #tpu.memory_space<vmem>> -> memref<2x128xi32, #tpu.memory_space<vmem>>
      %dma_wait3A_91 = arith.constant 0 : i32
      %dma_wait3A_92 = arith.constant 0 : i32
      %dma_wait3A_93 = tpu.memref_slice %arg3[%sub3A_26, %dma_wait3A_91, %dma_wait3A_92] : memref<2560x2x128xi32, #tpu.memory_space<hbm>> -> memref<1x2x128xi32, #tpu.memory_space<hbm>>
      %dma_wait3A_94 = tpu.memref_squeeze %dma_wait3A_93 : memref<1x2x128xi32, #tpu.memory_space<hbm>> -> memref<2x128xi32, #tpu.memory_space<hbm>>
      %dma_wait3A_95 = arith.constant 0 : i32
      %dma_wait3A_96 = arith.constant 0 : i32
      %dma_wait3A_97 = tpu.memref_slice %arg6[%run_scoped3A_27, %dma_wait3A_95, %dma_wait3A_96] : memref<2x2x128xi32, #tpu.memory_space<vmem>> -> memref<1x2x128xi32, #tpu.memory_space<vmem>>
      %dma_wait3A_98 = tpu.memref_squeeze %dma_wait3A_97 : memref<1x2x128xi32, #tpu.memory_space<vmem>> -> memref<2x128xi32, #tpu.memory_space<vmem>>
      %dma_wait3A_99 = arith.constant 0 : i32
      %dma_wait3A_100 = arith.constant 0 : i32
      %dma_wait3A_101 = tpu.memref_slice %arg3[%sub3A_26, %dma_wait3A_99, %dma_wait3A_100] : memref<2560x2x128xi32, #tpu.memory_space<hbm>> -> memref<1x2x128xi32, #tpu.memory_space<hbm>>
      %dma_wait3A_102 = tpu.memref_squeeze %dma_wait3A_101 : memref<1x2x128xi32, #tpu.memory_space<hbm>> -> memref<2x128xi32, #tpu.memory_space<hbm>>
      tpu.wait_dma2 semaphore(%run_scoped3A_70 : memref<!tpu.dma_semaphore, #tpu.memory_space<semaphore_mem>>) src(%dma_wait3A_102 : memref<2x128xi32, #tpu.memory_space<hbm>>) dst(%dma_wait3A_98 : memref<2x128xi32, #tpu.memory_space<vmem>>)
      tpu.yield
    }) : () -> ()
    %dma_start3A_28 = arith.constant 1 : i32
    %dma_start3A_29 = arith.constant 0 : i32
    %dma_start3A_30 = arith.constant 1 : i32
    %dma_start3A_31 = arith.constant 0 : i32
    %dma_start3A_32 = arith.constant 0 : i32
    %dma_start3A_33 = tpu.memref_slice %arg7[%dma_start3A_30, %dma_start3A_31, %dma_start3A_32] : memref<2x128x128xf32, #tpu.memory_space<vmem>> -> memref<1x128x128xf32, #tpu.memory_space<vmem>>
    %dma_start3A_34 = tpu.memref_squeeze %dma_start3A_33 : memref<1x128x128xf32, #tpu.memory_space<vmem>> -> memref<128x128xf32, #tpu.memory_space<vmem>>
    %dma_start3A_35 = arith.constant 0 : i32
    %dma_start3A_36 = tpu.memref_slice %arg6[%dma_start3A_28, %dma_start3A_29, %dma_start3A_35] : memref<2x2x128xi32, #tpu.memory_space<vmem>> -> memref<1x1x128xi32, #tpu.memory_space<vmem>>
    %dma_start3A_37 = tpu.memref_squeeze %dma_start3A_36 : memref<1x1x128xi32, #tpu.memory_space<vmem>> -> memref<128xi32, #tpu.memory_space<vmem>>
    %dma_start3A_38 = arith.constant 0 : i32
    %dma_start3A_39 = arith.constant 0 : i32
    %dma_start3A_40 = tpu.memref_slice %arg2[%dma_start3A_38, %dma_start3A_39] : memref<10240x128xf32, #tpu.memory_space<hbm>> -> memref<10240x128xf32, #tpu.memory_space<hbm>>
    tpu.enqueue_indirect_dma source(%dma_start3A_40 : memref<10240x128xf32, #tpu.memory_space<hbm>>) target(%dma_start3A_34 : memref<128x128xf32, #tpu.memory_space<vmem>>) offsets(%dma_start3A_37 : memref<128xi32, #tpu.memory_space<vmem>>) semaphore(%arg10 : memref<!tpu.dma_semaphore, #tpu.memory_space<semaphore_mem>>)
    %dma_wait3A = arith.constant 0 : i32
    %dma_wait3A_41 = arith.constant 0 : i32
    %dma_wait3A_42 = arith.constant 0 : i32
    %dma_wait3A_43 = tpu.memref_slice %arg7[%dma_wait3A, %dma_wait3A_41, %dma_wait3A_42] : memref<2x128x128xf32, #tpu.memory_space<vmem>> -> memref<1x128x128xf32, #tpu.memory_space<vmem>>
    %dma_wait3A_44 = tpu.memref_squeeze %dma_wait3A_43 : memref<1x128x128xf32, #tpu.memory_space<vmem>> -> memref<128x128xf32, #tpu.memory_space<vmem>>
    %dma_wait3A_45 = arith.constant 0 : i32
    %dma_wait3A_46 = arith.constant 0 : i32
    %dma_wait3A_47 = tpu.memref_slice %arg7[%dma_wait3A, %dma_wait3A_45, %dma_wait3A_46] : memref<2x128x128xf32, #tpu.memory_space<vmem>> -> memref<1x128x128xf32, #tpu.memory_space<vmem>>
    %dma_wait3A_48 = tpu.memref_squeeze %dma_wait3A_47 : memref<1x128x128xf32, #tpu.memory_space<vmem>> -> memref<128x128xf32, #tpu.memory_space<vmem>>
    tpu.wait_dma2 semaphore(%arg9 : memref<!tpu.dma_semaphore, #tpu.memory_space<semaphore_mem>>) src(%arg4 : memref<128x128xf32, #tpu.memory_space<hbm>>) dst(%dma_wait3A_48 : memref<128x128xf32, #tpu.memory_space<vmem>>)
    %run_scoped3A_49 = arith.constant 0 : i32
    %run_scoped3A_50 = arith.constant 0 : i32
    %run_scoped3A_51 = arith.constant 1 : i32
    "tpu.region"() ({
      %run_scoped3A_70 = tpu.sem_alloc : memref<!tpu.dma_semaphore, #tpu.memory_space<semaphore_mem>>
      %dma_start3A_71 = arith.constant 0 : i32
      %dma_start3A_72 = arith.constant 0 : i32
      %dma_start3A_73 = tpu.memref_slice %arg7[%run_scoped3A_49, %dma_start3A_71, %dma_start3A_72] : memref<2x128x128xf32, #tpu.memory_space<vmem>> -> memref<1x128x128xf32, #tpu.memory_space<vmem>>
      %dma_start3A_74 = tpu.memref_squeeze %dma_start3A_73 : memref<1x128x128xf32, #tpu.memory_space<vmem>> -> memref<128x128xf32, #tpu.memory_space<vmem>>
      %dma_start3A_75 = arith.constant 0 : i32
      %dma_start3A_76 = tpu.memref_slice %arg6[%run_scoped3A_50, %run_scoped3A_51, %dma_start3A_75] : memref<2x2x128xi32, #tpu.memory_space<vmem>> -> memref<1x1x128xi32, #tpu.memory_space<vmem>>
      %dma_start3A_77 = tpu.memref_squeeze %dma_start3A_76 : memref<1x1x128xi32, #tpu.memory_space<vmem>> -> memref<128xi32, #tpu.memory_space<vmem>>
      %dma_start3A_78 = arith.constant 0 : i32
      %dma_start3A_79 = arith.constant 0 : i32
      %dma_start3A_80 = tpu.memref_slice %arg8[%dma_start3A_78, %dma_start3A_79] : memref<10240x128xf32, #tpu.memory_space<vmem_shared>> -> memref<10240x128xf32, #tpu.memory_space<vmem_shared>>
      tpu.enqueue_indirect_dma source(%dma_start3A_74 : memref<128x128xf32, #tpu.memory_space<vmem>>) target(%dma_start3A_80 : memref<10240x128xf32, #tpu.memory_space<vmem_shared>>) offsets(%dma_start3A_77 : memref<128xi32, #tpu.memory_space<vmem>>) semaphore(%run_scoped3A_70 : memref<!tpu.dma_semaphore, #tpu.memory_space<semaphore_mem>>) {add = true}
      %dma_wait3A_81 = arith.constant 0 : i32
      %dma_wait3A_82 = arith.constant 0 : i32
      %dma_wait3A_83 = tpu.memref_slice %arg7[%run_scoped3A_49, %dma_wait3A_81, %dma_wait3A_82] : memref<2x128x128xf32, #tpu.memory_space<vmem>> -> memref<1x128x128xf32, #tpu.memory_space<vmem>>
      %dma_wait3A_84 = tpu.memref_squeeze %dma_wait3A_83 : memref<1x128x128xf32, #tpu.memory_space<vmem>> -> memref<128x128xf32, #tpu.memory_space<vmem>>
      %dma_wait3A_85 = arith.constant 0 : i32
      %dma_wait3A_86 = tpu.memref_slice %arg6[%run_scoped3A_50, %run_scoped3A_51, %dma_wait3A_85] : memref<2x2x128xi32, #tpu.memory_space<vmem>> -> memref<1x1x128xi32, #tpu.memory_space<vmem>>
      %dma_wait3A_87 = tpu.memref_squeeze %dma_wait3A_86 : memref<1x1x128xi32, #tpu.memory_space<vmem>> -> memref<128xi32, #tpu.memory_space<vmem>>
      %dma_wait3A_88 = arith.constant 0 : i32
      %dma_wait3A_89 = arith.constant 0 : i32
      %dma_wait3A_90 = tpu.memref_slice %arg8[%dma_wait3A_88, %dma_wait3A_89] : memref<10240x128xf32, #tpu.memory_space<vmem_shared>> -> memref<10240x128xf32, #tpu.memory_space<vmem_shared>>
      tpu.wait_indirect_dma semaphore(%run_scoped3A_70 : memref<!tpu.dma_semaphore, #tpu.memory_space<semaphore_mem>>) src(%dma_wait3A_84 : memref<128x128xf32, #tpu.memory_space<vmem>>) dst(%dma_wait3A_90 : memref<10240x128xf32, #tpu.memory_space<vmem_shared>>)
      tpu.yield
    }) : () -> ()
    %dma_wait3A_52 = arith.constant 1 : i32
    %dma_wait3A_53 = arith.constant 0 : i32
    %dma_wait3A_54 = arith.constant 0 : i32
    %dma_wait3A_55 = tpu.memref_slice %arg7[%dma_wait3A_52, %dma_wait3A_53, %dma_wait3A_54] : memref<2x128x128xf32, #tpu.memory_space<vmem>> -> memref<1x128x128xf32, #tpu.memory_space<vmem>>
    %dma_wait3A_56 = tpu.memref_squeeze %dma_wait3A_55 : memref<1x128x128xf32, #tpu.memory_space<vmem>> -> memref<128x128xf32, #tpu.memory_space<vmem>>
    %dma_wait3A_57 = arith.constant 0 : i32
    %dma_wait3A_58 = arith.constant 0 : i32
    %dma_wait3A_59 = tpu.memref_slice %arg7[%dma_wait3A_52, %dma_wait3A_57, %dma_wait3A_58] : memref<2x128x128xf32, #tpu.memory_space<vmem>> -> memref<1x128x128xf32, #tpu.memory_space<vmem>>
    %dma_wait3A_60 = tpu.memref_squeeze %dma_wait3A_59 : memref<1x128x128xf32, #tpu.memory_space<vmem>> -> memref<128x128xf32, #tpu.memory_space<vmem>>
    tpu.wait_dma2 semaphore(%arg10 : memref<!tpu.dma_semaphore, #tpu.memory_space<semaphore_mem>>) src(%arg4 : memref<128x128xf32, #tpu.memory_space<hbm>>) dst(%dma_wait3A_60 : memref<128x128xf32, #tpu.memory_space<vmem>>)
    %run_scoped3A_61 = arith.constant 1 : i32
    %run_scoped3A_62 = arith.constant 1 : i32
    %run_scoped3A_63 = arith.constant 1 : i32
    "tpu.region"() ({
      %run_scoped3A_70 = tpu.sem_alloc : memref<!tpu.dma_semaphore, #tpu.memory_space<semaphore_mem>>
      %dma_start3A_71 = arith.constant 0 : i32
      %dma_start3A_72 = arith.constant 0 : i32
      %dma_start3A_73 = tpu.memref_slice %arg7[%run_scoped3A_61, %dma_start3A_71, %dma_start3A_72] : memref<2x128x128xf32, #tpu.memory_space<vmem>> -> memref<1x128x128xf32, #tpu.memory_space<vmem>>
      %dma_start3A_74 = tpu.memref_squeeze %dma_start3A_73 : memref<1x128x128xf32, #tpu.memory_space<vmem>> -> memref<128x128xf32, #tpu.memory_space<vmem>>
      %dma_start3A_75 = arith.constant 0 : i32
      %dma_start3A_76 = tpu.memref_slice %arg6[%run_scoped3A_62, %run_scoped3A_63, %dma_start3A_75] : memref<2x2x128xi32, #tpu.memory_space<vmem>> -> memref<1x1x128xi32, #tpu.memory_space<vmem>>
      %dma_start3A_77 = tpu.memref_squeeze %dma_start3A_76 : memref<1x1x128xi32, #tpu.memory_space<vmem>> -> memref<128xi32, #tpu.memory_space<vmem>>
      %dma_start3A_78 = arith.constant 0 : i32
      %dma_start3A_79 = arith.constant 0 : i32
      %dma_start3A_80 = tpu.memref_slice %arg8[%dma_start3A_78, %dma_start3A_79] : memref<10240x128xf32, #tpu.memory_space<vmem_shared>> -> memref<10240x128xf32, #tpu.memory_space<vmem_shared>>
      tpu.enqueue_indirect_dma source(%dma_start3A_74 : memref<128x128xf32, #tpu.memory_space<vmem>>) target(%dma_start3A_80 : memref<10240x128xf32, #tpu.memory_space<vmem_shared>>) offsets(%dma_start3A_77 : memref<128xi32, #tpu.memory_space<vmem>>) semaphore(%run_scoped3A_70 : memref<!tpu.dma_semaphore, #tpu.memory_space<semaphore_mem>>) {add = true}
      %dma_wait3A_81 = arith.constant 0 : i32
      %dma_wait3A_82 = arith.constant 0 : i32
      %dma_wait3A_83 = tpu.memref_slice %arg7[%run_scoped3A_61, %dma_wait3A_81, %dma_wait3A_82] : memref<2x128x128xf32, #tpu.memory_space<vmem>> -> memref<1x128x128xf32, #tpu.memory_space<vmem>>
      %dma_wait3A_84 = tpu.memref_squeeze %dma_wait3A_83 : memref<1x128x128xf32, #tpu.memory_space<vmem>> -> memref<128x128xf32, #tpu.memory_space<vmem>>
      %dma_wait3A_85 = arith.constant 0 : i32
      %dma_wait3A_86 = tpu.memref_slice %arg6[%run_scoped3A_62, %run_scoped3A_63, %dma_wait3A_85] : memref<2x2x128xi32, #tpu.memory_space<vmem>> -> memref<1x1x128xi32, #tpu.memory_space<vmem>>
      %dma_wait3A_87 = tpu.memref_squeeze %dma_wait3A_86 : memref<1x1x128xi32, #tpu.memory_space<vmem>> -> memref<128xi32, #tpu.memory_space<vmem>>
      %dma_wait3A_88 = arith.constant 0 : i32
      %dma_wait3A_89 = arith.constant 0 : i32
      %dma_wait3A_90 = tpu.memref_slice %arg8[%dma_wait3A_88, %dma_wait3A_89] : memref<10240x128xf32, #tpu.memory_space<vmem_shared>> -> memref<10240x128xf32, #tpu.memory_space<vmem_shared>>
      tpu.wait_indirect_dma semaphore(%run_scoped3A_70 : memref<!tpu.dma_semaphore, #tpu.memory_space<semaphore_mem>>) src(%dma_wait3A_84 : memref<128x128xf32, #tpu.memory_space<vmem>>) dst(%dma_wait3A_90 : memref<10240x128xf32, #tpu.memory_space<vmem_shared>>)
      tpu.yield
    }) : () -> ()
    %barrier3A_64 = arith.constant 0 : index
    tpu.barrier barrier_id(%barrier3A_64)
    %scan3A_65 = arith.constant 0 : i32
    %scan3A_66 = arith.constant 5 : i32
    %scan3A_67 = arith.addi %scan3A_65, %scan3A_66 : i32
    %scan3A_68 = arith.constant 1 : i32
    scf.for %scan3A_70 = %scan3A_65 to %scan3A_67 step %scan3A_68  : i32 {
      %mul3A_71 = arith.constant 1 : i32
      %mul3A_72 = arith.muli %scan3A_70, %mul3A_71 : i32
      %add3A_73 = arith.constant 0 : i32
      %add3A_74 = arith.addi %add3A_73, %mul3A_72 : i32
      %mul3A_75 = arith.constant 640 : i32
      %mul3A_76 = arith.muli %arg1, %mul3A_75 : i32
      %mul3A_77 = arith.constant 128 : i32
      %mul3A_78 = arith.muli %add3A_74, %mul3A_77 : i32
      %add3A_79 = arith.addi %mul3A_76, %mul3A_78 : i32
      "tpu.region"() ({
        %run_scoped3A_80 = tpu.sem_alloc : memref<!tpu.dma_semaphore, #tpu.memory_space<semaphore_mem>>
        %dma_start3A_81 = arith.constant 0 : i32
        %dma_start3A_82 = tpu.memref_slice %arg5[%arg0, %add3A_79, %dma_start3A_81] : memref<2x10240x128xf32, #tpu.memory_space<hbm>> -> memref<1x128x128xf32, #tpu.memory_space<hbm>>
        %dma_start3A_83 = tpu.memref_squeeze %dma_start3A_82 : memref<1x128x128xf32, #tpu.memory_space<hbm>> -> memref<128x128xf32, #tpu.memory_space<hbm>>
        %dma_start3A_84 = arith.constant 0 : i32
        %dma_start3A_85 = tpu.memref_slice %arg8[%add3A_79, %dma_start3A_84] : memref<10240x128xf32, #tpu.memory_space<vmem_shared>> -> memref<128x128xf32, #tpu.memory_space<vmem_shared>>
        tpu.enqueue_dma source(%dma_start3A_85 : memref<128x128xf32, #tpu.memory_space<vmem_shared>>) target(%dma_start3A_83 : memref<128x128xf32, #tpu.memory_space<hbm>>) target_semaphore(%run_scoped3A_80 : memref<!tpu.dma_semaphore, #tpu.memory_space<semaphore_mem>>)
        %dma_wait3A_86 = arith.constant 0 : i32
        %dma_wait3A_87 = tpu.memref_slice %arg5[%arg0, %add3A_79, %dma_wait3A_86] : memref<2x10240x128xf32, #tpu.memory_space<hbm>> -> memref<1x128x128xf32, #tpu.memory_space<hbm>>
        %dma_wait3A_88 = tpu.memref_squeeze %dma_wait3A_87 : memref<1x128x128xf32, #tpu.memory_space<hbm>> -> memref<128x128xf32, #tpu.memory_space<hbm>>
        %dma_wait3A_89 = arith.constant 0 : i32
        %dma_wait3A_90 = tpu.memref_slice %arg8[%add3A_79, %dma_wait3A_89] : memref<10240x128xf32, #tpu.memory_space<vmem_shared>> -> memref<128x128xf32, #tpu.memory_space<vmem_shared>>
        tpu.wait_dma2 semaphore(%run_scoped3A_80 : memref<!tpu.dma_semaphore, #tpu.memory_space<semaphore_mem>>) src(%dma_wait3A_90 : memref<128x128xf32, #tpu.memory_space<vmem_shared>>) dst(%dma_wait3A_88 : memref<128x128xf32, #tpu.memory_space<hbm>>)
        tpu.yield
      }) : () -> ()
    }
    %scan3A_69 = arith.constant 5 : i32
    return
  }
}

#map = affine_map<(d0, d1) -> (0, 0, 0)>
#map1 = affine_map<(d0, d1) -> (0, 0)>
module attributes {stable_mosaic.version = 14 : i64} {
  func.func @deg_kernel(%arg0: i32, %arg1: i32, %arg2: memref<2560x2x128xi32, #tpu.memory_space<hbm>>, %arg3: memref<128x16xf32, #tpu.memory_space<hbm>>, %arg4: memref<128x16xf32, #tpu.memory_space<hbm>>, %arg5: memref<2x10240x16xf32, #tpu.memory_space<hbm>>, %arg6: memref<2x2x128xi32, #tpu.memory_space<vmem>>, %arg7: memref<128x16xf32, #tpu.memory_space<vmem>>, %arg8: memref<10240x16xf32, #tpu.memory_space<vmem_shared>>, %arg9: memref<!tpu.dma_semaphore, #tpu.memory_space<semaphore_mem>>, %arg10: memref<!tpu.dma_semaphore, #tpu.memory_space<semaphore_mem>>) attributes {dimension_semantics = [#tpu.dimension_semantics<core_parallel>, #tpu.dimension_semantics<subcore_parallel>], iteration_bounds = array<i64: 2, 16>, scalar_prefetch = 0 : i64, scratch_operands = 5 : i64, tpu.core_type = #tpu.core_type<sc_vector_subcore>, window_params = [{transform_indices = #map}, {transform_indices = #map1}, {transform_indices = #map1}, {transform_indices = #map}]} {
    %mul3A = arith.constant 16 : i32
    %mul3A_0 = arith.muli %arg0, %mul3A : i32
    %add3A = arith.addi %mul3A_0, %arg1 : i32
    %mul3A_1 = arith.constant 80 : i32
    %mul3A_2 = arith.muli %add3A, %mul3A_1 : i32
    "tpu.region"() ({
      %run_scoped3A_90 = tpu.sem_alloc : memref<!tpu.dma_semaphore, #tpu.memory_space<semaphore_mem>>
      tpu.enqueue_dma source(%arg3 : memref<128x16xf32, #tpu.memory_space<hbm>>) target(%arg7 : memref<128x16xf32, #tpu.memory_space<vmem>>) target_semaphore(%run_scoped3A_90 : memref<!tpu.dma_semaphore, #tpu.memory_space<semaphore_mem>>)
      tpu.wait_dma2 semaphore(%run_scoped3A_90 : memref<!tpu.dma_semaphore, #tpu.memory_space<semaphore_mem>>) src(%arg3 : memref<128x16xf32, #tpu.memory_space<hbm>>) dst(%arg7 : memref<128x16xf32, #tpu.memory_space<vmem>>)
      tpu.yield
    }) : () -> ()
    %scan3A = arith.constant 0 : i32
    %scan3A_3 = arith.constant 5 : i32
    %scan3A_4 = arith.addi %scan3A, %scan3A_3 : i32
    %scan3A_5 = arith.constant 1 : i32
    scf.for %scan3A_90 = %scan3A to %scan3A_4 step %scan3A_5  : i32 {
      %mul3A_91 = arith.constant 1 : i32
      %mul3A_92 = arith.muli %scan3A_90, %mul3A_91 : i32
      %add3A_93 = arith.constant 0 : i32
      %add3A_94 = arith.addi %add3A_93, %mul3A_92 : i32
      %mul3A_95 = arith.constant 640 : i32
      %mul3A_96 = arith.muli %arg1, %mul3A_95 : i32
      %mul3A_97 = arith.constant 128 : i32
      %mul3A_98 = arith.muli %add3A_94, %mul3A_97 : i32
      %add3A_99 = arith.addi %mul3A_96, %mul3A_98 : i32
      "tpu.region"() ({
        %run_scoped3A_100 = tpu.sem_alloc : memref<!tpu.dma_semaphore, #tpu.memory_space<semaphore_mem>>
        %dma_start3A_101 = arith.constant 0 : i32
        %dma_start3A_102 = tpu.memref_slice %arg8[%add3A_99, %dma_start3A_101] : memref<10240x16xf32, #tpu.memory_space<vmem_shared>> -> memref<128x16xf32, #tpu.memory_space<vmem_shared>>
        tpu.enqueue_dma source(%arg4 : memref<128x16xf32, #tpu.memory_space<hbm>>) target(%dma_start3A_102 : memref<128x16xf32, #tpu.memory_space<vmem_shared>>) target_semaphore(%run_scoped3A_100 : memref<!tpu.dma_semaphore, #tpu.memory_space<semaphore_mem>>)
        %dma_wait3A_103 = arith.constant 0 : i32
        %dma_wait3A_104 = tpu.memref_slice %arg8[%add3A_99, %dma_wait3A_103] : memref<10240x16xf32, #tpu.memory_space<vmem_shared>> -> memref<128x16xf32, #tpu.memory_space<vmem_shared>>
        tpu.wait_dma2 semaphore(%run_scoped3A_100 : memref<!tpu.dma_semaphore, #tpu.memory_space<semaphore_mem>>) src(%arg4 : memref<128x16xf32, #tpu.memory_space<hbm>>) dst(%dma_wait3A_104 : memref<128x16xf32, #tpu.memory_space<vmem_shared>>)
        tpu.yield
      }) : () -> ()
    }
    %scan3A_6 = arith.constant 5 : i32
    %barrier3A = arith.constant 0 : index
    tpu.barrier barrier_id(%barrier3A)
    %dma_start3A = arith.constant 0 : i32
    %dma_start3A_7 = arith.constant 0 : i32
    %dma_start3A_8 = arith.constant 0 : i32
    %dma_start3A_9 = tpu.memref_slice %arg6[%dma_start3A, %dma_start3A_7, %dma_start3A_8] : memref<2x2x128xi32, #tpu.memory_space<vmem>> -> memref<1x2x128xi32, #tpu.memory_space<vmem>>
    %dma_start3A_10 = tpu.memref_squeeze %dma_start3A_9 : memref<1x2x128xi32, #tpu.memory_space<vmem>> -> memref<2x128xi32, #tpu.memory_space<vmem>>
    %dma_start3A_11 = arith.constant 0 : i32
    %dma_start3A_12 = arith.constant 0 : i32
    %dma_start3A_13 = tpu.memref_slice %arg2[%mul3A_2, %dma_start3A_11, %dma_start3A_12] : memref<2560x2x128xi32, #tpu.memory_space<hbm>> -> memref<1x2x128xi32, #tpu.memory_space<hbm>>
    %dma_start3A_14 = tpu.memref_squeeze %dma_start3A_13 : memref<1x2x128xi32, #tpu.memory_space<hbm>> -> memref<2x128xi32, #tpu.memory_space<hbm>>
    %dma_start3A_15 = arith.constant 0 : i32
    %dma_start3A_16 = arith.constant 0 : i32
    %dma_start3A_17 = tpu.memref_slice %arg6[%dma_start3A, %dma_start3A_15, %dma_start3A_16] : memref<2x2x128xi32, #tpu.memory_space<vmem>> -> memref<1x2x128xi32, #tpu.memory_space<vmem>>
    %dma_start3A_18 = tpu.memref_squeeze %dma_start3A_17 : memref<1x2x128xi32, #tpu.memory_space<vmem>> -> memref<2x128xi32, #tpu.memory_space<vmem>>
    %dma_start3A_19 = arith.constant 0 : i32
    %dma_start3A_20 = arith.constant 0 : i32
    %dma_start3A_21 = tpu.memref_slice %arg2[%mul3A_2, %dma_start3A_19, %dma_start3A_20] : memref<2560x2x128xi32, #tpu.memory_space<hbm>> -> memref<1x2x128xi32, #tpu.memory_space<hbm>>
    %dma_start3A_22 = tpu.memref_squeeze %dma_start3A_21 : memref<1x2x128xi32, #tpu.memory_space<hbm>> -> memref<2x128xi32, #tpu.memory_space<hbm>>
    tpu.enqueue_dma source(%dma_start3A_22 : memref<2x128xi32, #tpu.memory_space<hbm>>) target(%dma_start3A_18 : memref<2x128xi32, #tpu.memory_space<vmem>>) target_semaphore(%arg9 : memref<!tpu.dma_semaphore, #tpu.memory_space<semaphore_mem>>)
    %dma_wait3A = arith.constant 0 : i32
    %dma_wait3A_23 = arith.constant 0 : i32
    %dma_wait3A_24 = arith.constant 0 : i32
    %dma_wait3A_25 = tpu.memref_slice %arg6[%dma_wait3A, %dma_wait3A_23, %dma_wait3A_24] : memref<2x2x128xi32, #tpu.memory_space<vmem>> -> memref<1x2x128xi32, #tpu.memory_space<vmem>>
    %dma_wait3A_26 = tpu.memref_squeeze %dma_wait3A_25 : memref<1x2x128xi32, #tpu.memory_space<vmem>> -> memref<2x128xi32, #tpu.memory_space<vmem>>
    %dma_wait3A_27 = arith.constant 0 : i32
    %dma_wait3A_28 = arith.constant 0 : i32
    %dma_wait3A_29 = tpu.memref_slice %arg2[%mul3A_2, %dma_wait3A_27, %dma_wait3A_28] : memref<2560x2x128xi32, #tpu.memory_space<hbm>> -> memref<1x2x128xi32, #tpu.memory_space<hbm>>
    %dma_wait3A_30 = tpu.memref_squeeze %dma_wait3A_29 : memref<1x2x128xi32, #tpu.memory_space<hbm>> -> memref<2x128xi32, #tpu.memory_space<hbm>>
    %dma_wait3A_31 = arith.constant 0 : i32
    %dma_wait3A_32 = arith.constant 0 : i32
    %dma_wait3A_33 = tpu.memref_slice %arg6[%dma_wait3A, %dma_wait3A_31, %dma_wait3A_32] : memref<2x2x128xi32, #tpu.memory_space<vmem>> -> memref<1x2x128xi32, #tpu.memory_space<vmem>>
    %dma_wait3A_34 = tpu.memref_squeeze %dma_wait3A_33 : memref<1x2x128xi32, #tpu.memory_space<vmem>> -> memref<2x128xi32, #tpu.memory_space<vmem>>
    %dma_wait3A_35 = arith.constant 0 : i32
    %dma_wait3A_36 = arith.constant 0 : i32
    %dma_wait3A_37 = tpu.memref_slice %arg2[%mul3A_2, %dma_wait3A_35, %dma_wait3A_36] : memref<2560x2x128xi32, #tpu.memory_space<hbm>> -> memref<1x2x128xi32, #tpu.memory_space<hbm>>
    %dma_wait3A_38 = tpu.memref_squeeze %dma_wait3A_37 : memref<1x2x128xi32, #tpu.memory_space<hbm>> -> memref<2x128xi32, #tpu.memory_space<hbm>>
    tpu.wait_dma2 semaphore(%arg9 : memref<!tpu.dma_semaphore, #tpu.memory_space<semaphore_mem>>) src(%dma_wait3A_38 : memref<2x128xi32, #tpu.memory_space<hbm>>) dst(%dma_wait3A_34 : memref<2x128xi32, #tpu.memory_space<vmem>>)
    %scan3A_39 = arith.constant 0 : i32
    %scan3A_40 = arith.constant 39 : i32
    %scan3A_41 = arith.addi %scan3A_39, %scan3A_40 : i32
    %scan3A_42 = arith.constant 1 : i32
    scf.for %scan3A_90 = %scan3A_39 to %scan3A_41 step %scan3A_42  : i32 {
      %mul3A_91 = arith.constant 1 : i32
      %mul3A_92 = arith.muli %scan3A_90, %mul3A_91 : i32
      %add3A_93 = arith.constant 0 : i32
      %add3A_94 = arith.addi %add3A_93, %mul3A_92 : i32
      %mul3A_95 = arith.constant 2 : i32
      %mul3A_96 = arith.muli %mul3A_95, %add3A_94 : i32
      %add3A_97 = arith.addi %mul3A_2, %mul3A_96 : i32
      %add3A_98 = arith.constant 1 : i32
      %add3A_99 = arith.addi %add3A_97, %add3A_98 : i32
      %dma_start3A_100 = arith.constant 1 : i32
      %dma_start3A_101 = arith.constant 0 : i32
      %dma_start3A_102 = arith.constant 0 : i32
      %dma_start3A_103 = tpu.memref_slice %arg6[%dma_start3A_100, %dma_start3A_101, %dma_start3A_102] : memref<2x2x128xi32, #tpu.memory_space<vmem>> -> memref<1x2x128xi32, #tpu.memory_space<vmem>>
      %dma_start3A_104 = tpu.memref_squeeze %dma_start3A_103 : memref<1x2x128xi32, #tpu.memory_space<vmem>> -> memref<2x128xi32, #tpu.memory_space<vmem>>
      %dma_start3A_105 = arith.constant 0 : i32
      %dma_start3A_106 = arith.constant 0 : i32
      %dma_start3A_107 = tpu.memref_slice %arg2[%add3A_99, %dma_start3A_105, %dma_start3A_106] : memref<2560x2x128xi32, #tpu.memory_space<hbm>> -> memref<1x2x128xi32, #tpu.memory_space<hbm>>
      %dma_start3A_108 = tpu.memref_squeeze %dma_start3A_107 : memref<1x2x128xi32, #tpu.memory_space<hbm>> -> memref<2x128xi32, #tpu.memory_space<hbm>>
      %dma_start3A_109 = arith.constant 0 : i32
      %dma_start3A_110 = arith.constant 0 : i32
      %dma_start3A_111 = tpu.memref_slice %arg6[%dma_start3A_100, %dma_start3A_109, %dma_start3A_110] : memref<2x2x128xi32, #tpu.memory_space<vmem>> -> memref<1x2x128xi32, #tpu.memory_space<vmem>>
      %dma_start3A_112 = tpu.memref_squeeze %dma_start3A_111 : memref<1x2x128xi32, #tpu.memory_space<vmem>> -> memref<2x128xi32, #tpu.memory_space<vmem>>
      %dma_start3A_113 = arith.constant 0 : i32
      %dma_start3A_114 = arith.constant 0 : i32
      %dma_start3A_115 = tpu.memref_slice %arg2[%add3A_99, %dma_start3A_113, %dma_start3A_114] : memref<2560x2x128xi32, #tpu.memory_space<hbm>> -> memref<1x2x128xi32, #tpu.memory_space<hbm>>
      %dma_start3A_116 = tpu.memref_squeeze %dma_start3A_115 : memref<1x2x128xi32, #tpu.memory_space<hbm>> -> memref<2x128xi32, #tpu.memory_space<hbm>>
      tpu.enqueue_dma source(%dma_start3A_116 : memref<2x128xi32, #tpu.memory_space<hbm>>) target(%dma_start3A_112 : memref<2x128xi32, #tpu.memory_space<vmem>>) target_semaphore(%arg10 : memref<!tpu.dma_semaphore, #tpu.memory_space<semaphore_mem>>)
      %run_scoped3A_117 = arith.constant 0 : i32
      %run_scoped3A_118 = arith.constant 0 : i32
      "tpu.region"() ({
        %run_scoped3A_177 = tpu.sem_alloc : memref<!tpu.dma_semaphore, #tpu.memory_space<semaphore_mem>>
        %dma_start3A_178 = arith.constant 0 : i32
        %dma_start3A_179 = tpu.memref_slice %arg6[%run_scoped3A_117, %run_scoped3A_118, %dma_start3A_178] : memref<2x2x128xi32, #tpu.memory_space<vmem>> -> memref<1x1x128xi32, #tpu.memory_space<vmem>>
        %dma_start3A_180 = tpu.memref_squeeze %dma_start3A_179 : memref<1x1x128xi32, #tpu.memory_space<vmem>> -> memref<128xi32, #tpu.memory_space<vmem>>
        %dma_start3A_181 = arith.constant 0 : i32
        %dma_start3A_182 = arith.constant 0 : i32
        %dma_start3A_183 = tpu.memref_slice %arg8[%dma_start3A_181, %dma_start3A_182] : memref<10240x16xf32, #tpu.memory_space<vmem_shared>> -> memref<10240x16xf32, #tpu.memory_space<vmem_shared>>
        tpu.enqueue_indirect_dma source(%arg7 : memref<128x16xf32, #tpu.memory_space<vmem>>) target(%dma_start3A_183 : memref<10240x16xf32, #tpu.memory_space<vmem_shared>>) offsets(%dma_start3A_180 : memref<128xi32, #tpu.memory_space<vmem>>) semaphore(%run_scoped3A_177 : memref<!tpu.dma_semaphore, #tpu.memory_space<semaphore_mem>>) {add = true}
        %dma_wait3A_184 = arith.constant 0 : i32
        %dma_wait3A_185 = tpu.memref_slice %arg6[%run_scoped3A_117, %run_scoped3A_118, %dma_wait3A_184] : memref<2x2x128xi32, #tpu.memory_space<vmem>> -> memref<1x1x128xi32, #tpu.memory_space<vmem>>
        %dma_wait3A_186 = tpu.memref_squeeze %dma_wait3A_185 : memref<1x1x128xi32, #tpu.memory_space<vmem>> -> memref<128xi32, #tpu.memory_space<vmem>>
        %dma_wait3A_187 = arith.constant 0 : i32
        %dma_wait3A_188 = arith.constant 0 : i32
        %dma_wait3A_189 = tpu.memref_slice %arg8[%dma_wait3A_187, %dma_wait3A_188] : memref<10240x16xf32, #tpu.memory_space<vmem_shared>> -> memref<10240x16xf32, #tpu.memory_space<vmem_shared>>
        tpu.wait_indirect_dma semaphore(%run_scoped3A_177 : memref<!tpu.dma_semaphore, #tpu.memory_space<semaphore_mem>>) src(%arg7 : memref<128x16xf32, #tpu.memory_space<vmem>>) dst(%dma_wait3A_189 : memref<10240x16xf32, #tpu.memory_space<vmem_shared>>)
        tpu.yield
      }) : () -> ()
      %dma_wait3A_119 = arith.constant 1 : i32
      %dma_wait3A_120 = arith.constant 0 : i32
      %dma_wait3A_121 = arith.constant 0 : i32
      %dma_wait3A_122 = tpu.memref_slice %arg6[%dma_wait3A_119, %dma_wait3A_120, %dma_wait3A_121] : memref<2x2x128xi32, #tpu.memory_space<vmem>> -> memref<1x2x128xi32, #tpu.memory_space<vmem>>
      %dma_wait3A_123 = tpu.memref_squeeze %dma_wait3A_122 : memref<1x2x128xi32, #tpu.memory_space<vmem>> -> memref<2x128xi32, #tpu.memory_space<vmem>>
      %dma_wait3A_124 = arith.constant 0 : i32
      %dma_wait3A_125 = arith.constant 0 : i32
      %dma_wait3A_126 = tpu.memref_slice %arg2[%mul3A_2, %dma_wait3A_124, %dma_wait3A_125] : memref<2560x2x128xi32, #tpu.memory_space<hbm>> -> memref<1x2x128xi32, #tpu.memory_space<hbm>>
      %dma_wait3A_127 = tpu.memref_squeeze %dma_wait3A_126 : memref<1x2x128xi32, #tpu.memory_space<hbm>> -> memref<2x128xi32, #tpu.memory_space<hbm>>
      %dma_wait3A_128 = arith.constant 0 : i32
      %dma_wait3A_129 = arith.constant 0 : i32
      %dma_wait3A_130 = tpu.memref_slice %arg6[%dma_wait3A_119, %dma_wait3A_128, %dma_wait3A_129] : memref<2x2x128xi32, #tpu.memory_space<vmem>> -> memref<1x2x128xi32, #tpu.memory_space<vmem>>
      %dma_wait3A_131 = tpu.memref_squeeze %dma_wait3A_130 : memref<1x2x128xi32, #tpu.memory_space<vmem>> -> memref<2x128xi32, #tpu.memory_space<vmem>>
      %dma_wait3A_132 = arith.constant 0 : i32
      %dma_wait3A_133 = arith.constant 0 : i32
      %dma_wait3A_134 = tpu.memref_slice %arg2[%mul3A_2, %dma_wait3A_132, %dma_wait3A_133] : memref<2560x2x128xi32, #tpu.memory_space<hbm>> -> memref<1x2x128xi32, #tpu.memory_space<hbm>>
      %dma_wait3A_135 = tpu.memref_squeeze %dma_wait3A_134 : memref<1x2x128xi32, #tpu.memory_space<hbm>> -> memref<2x128xi32, #tpu.memory_space<hbm>>
      tpu.wait_dma2 semaphore(%arg10 : memref<!tpu.dma_semaphore, #tpu.memory_space<semaphore_mem>>) src(%dma_wait3A_135 : memref<2x128xi32, #tpu.memory_space<hbm>>) dst(%dma_wait3A_131 : memref<2x128xi32, #tpu.memory_space<vmem>>)
      %mul3A_136 = arith.constant 2 : i32
      %mul3A_137 = arith.muli %mul3A_136, %add3A_94 : i32
      %add3A_138 = arith.addi %mul3A_2, %mul3A_137 : i32
      %add3A_139 = arith.constant 2 : i32
      %add3A_140 = arith.addi %add3A_138, %add3A_139 : i32
      %dma_start3A_141 = arith.constant 0 : i32
      %dma_start3A_142 = arith.constant 0 : i32
      %dma_start3A_143 = arith.constant 0 : i32
      %dma_start3A_144 = tpu.memref_slice %arg6[%dma_start3A_141, %dma_start3A_142, %dma_start3A_143] : memref<2x2x128xi32, #tpu.memory_space<vmem>> -> memref<1x2x128xi32, #tpu.memory_space<vmem>>
      %dma_start3A_145 = tpu.memref_squeeze %dma_start3A_144 : memref<1x2x128xi32, #tpu.memory_space<vmem>> -> memref<2x128xi32, #tpu.memory_space<vmem>>
      %dma_start3A_146 = arith.constant 0 : i32
      %dma_start3A_147 = arith.constant 0 : i32
      %dma_start3A_148 = tpu.memref_slice %arg2[%add3A_140, %dma_start3A_146, %dma_start3A_147] : memref<2560x2x128xi32, #tpu.memory_space<hbm>> -> memref<1x2x128xi32, #tpu.memory_space<hbm>>
      %dma_start3A_149 = tpu.memref_squeeze %dma_start3A_148 : memref<1x2x128xi32, #tpu.memory_space<hbm>> -> memref<2x128xi32, #tpu.memory_space<hbm>>
      %dma_start3A_150 = arith.constant 0 : i32
      %dma_start3A_151 = arith.constant 0 : i32
      %dma_start3A_152 = tpu.memref_slice %arg6[%dma_start3A_141, %dma_start3A_150, %dma_start3A_151] : memref<2x2x128xi32, #tpu.memory_space<vmem>> -> memref<1x2x128xi32, #tpu.memory_space<vmem>>
      %dma_start3A_153 = tpu.memref_squeeze %dma_start3A_152 : memref<1x2x128xi32, #tpu.memory_space<vmem>> -> memref<2x128xi32, #tpu.memory_space<vmem>>
      %dma_start3A_154 = arith.constant 0 : i32
      %dma_start3A_155 = arith.constant 0 : i32
      %dma_start3A_156 = tpu.memref_slice %arg2[%add3A_140, %dma_start3A_154, %dma_start3A_155] : memref<2560x2x128xi32, #tpu.memory_space<hbm>> -> memref<1x2x128xi32, #tpu.memory_space<hbm>>
      %dma_start3A_157 = tpu.memref_squeeze %dma_start3A_156 : memref<1x2x128xi32, #tpu.memory_space<hbm>> -> memref<2x128xi32, #tpu.memory_space<hbm>>
      tpu.enqueue_dma source(%dma_start3A_157 : memref<2x128xi32, #tpu.memory_space<hbm>>) target(%dma_start3A_153 : memref<2x128xi32, #tpu.memory_space<vmem>>) target_semaphore(%arg9 : memref<!tpu.dma_semaphore, #tpu.memory_space<semaphore_mem>>)
      %run_scoped3A_158 = arith.constant 1 : i32
      %run_scoped3A_159 = arith.constant 0 : i32
      "tpu.region"() ({
        %run_scoped3A_177 = tpu.sem_alloc : memref<!tpu.dma_semaphore, #tpu.memory_space<semaphore_mem>>
        %dma_start3A_178 = arith.constant 0 : i32
        %dma_start3A_179 = tpu.memref_slice %arg6[%run_scoped3A_158, %run_scoped3A_159, %dma_start3A_178] : memref<2x2x128xi32, #tpu.memory_space<vmem>> -> memref<1x1x128xi32, #tpu.memory_space<vmem>>
        %dma_start3A_180 = tpu.memref_squeeze %dma_start3A_179 : memref<1x1x128xi32, #tpu.memory_space<vmem>> -> memref<128xi32, #tpu.memory_space<vmem>>
        %dma_start3A_181 = arith.constant 0 : i32
        %dma_start3A_182 = arith.constant 0 : i32
        %dma_start3A_183 = tpu.memref_slice %arg8[%dma_start3A_181, %dma_start3A_182] : memref<10240x16xf32, #tpu.memory_space<vmem_shared>> -> memref<10240x16xf32, #tpu.memory_space<vmem_shared>>
        tpu.enqueue_indirect_dma source(%arg7 : memref<128x16xf32, #tpu.memory_space<vmem>>) target(%dma_start3A_183 : memref<10240x16xf32, #tpu.memory_space<vmem_shared>>) offsets(%dma_start3A_180 : memref<128xi32, #tpu.memory_space<vmem>>) semaphore(%run_scoped3A_177 : memref<!tpu.dma_semaphore, #tpu.memory_space<semaphore_mem>>) {add = true}
        %dma_wait3A_184 = arith.constant 0 : i32
        %dma_wait3A_185 = tpu.memref_slice %arg6[%run_scoped3A_158, %run_scoped3A_159, %dma_wait3A_184] : memref<2x2x128xi32, #tpu.memory_space<vmem>> -> memref<1x1x128xi32, #tpu.memory_space<vmem>>
        %dma_wait3A_186 = tpu.memref_squeeze %dma_wait3A_185 : memref<1x1x128xi32, #tpu.memory_space<vmem>> -> memref<128xi32, #tpu.memory_space<vmem>>
        %dma_wait3A_187 = arith.constant 0 : i32
        %dma_wait3A_188 = arith.constant 0 : i32
        %dma_wait3A_189 = tpu.memref_slice %arg8[%dma_wait3A_187, %dma_wait3A_188] : memref<10240x16xf32, #tpu.memory_space<vmem_shared>> -> memref<10240x16xf32, #tpu.memory_space<vmem_shared>>
        tpu.wait_indirect_dma semaphore(%run_scoped3A_177 : memref<!tpu.dma_semaphore, #tpu.memory_space<semaphore_mem>>) src(%arg7 : memref<128x16xf32, #tpu.memory_space<vmem>>) dst(%dma_wait3A_189 : memref<10240x16xf32, #tpu.memory_space<vmem_shared>>)
        tpu.yield
      }) : () -> ()
      %dma_wait3A_160 = arith.constant 0 : i32
      %dma_wait3A_161 = arith.constant 0 : i32
      %dma_wait3A_162 = arith.constant 0 : i32
      %dma_wait3A_163 = tpu.memref_slice %arg6[%dma_wait3A_160, %dma_wait3A_161, %dma_wait3A_162] : memref<2x2x128xi32, #tpu.memory_space<vmem>> -> memref<1x2x128xi32, #tpu.memory_space<vmem>>
      %dma_wait3A_164 = tpu.memref_squeeze %dma_wait3A_163 : memref<1x2x128xi32, #tpu.memory_space<vmem>> -> memref<2x128xi32, #tpu.memory_space<vmem>>
      %dma_wait3A_165 = arith.constant 0 : i32
      %dma_wait3A_166 = arith.constant 0 : i32
      %dma_wait3A_167 = tpu.memref_slice %arg2[%mul3A_2, %dma_wait3A_165, %dma_wait3A_166] : memref<2560x2x128xi32, #tpu.memory_space<hbm>> -> memref<1x2x128xi32, #tpu.memory_space<hbm>>
      %dma_wait3A_168 = tpu.memref_squeeze %dma_wait3A_167 : memref<1x2x128xi32, #tpu.memory_space<hbm>> -> memref<2x128xi32, #tpu.memory_space<hbm>>
      %dma_wait3A_169 = arith.constant 0 : i32
      %dma_wait3A_170 = arith.constant 0 : i32
      %dma_wait3A_171 = tpu.memref_slice %arg6[%dma_wait3A_160, %dma_wait3A_169, %dma_wait3A_170] : memref<2x2x128xi32, #tpu.memory_space<vmem>> -> memref<1x2x128xi32, #tpu.memory_space<vmem>>
      %dma_wait3A_172 = tpu.memref_squeeze %dma_wait3A_171 : memref<1x2x128xi32, #tpu.memory_space<vmem>> -> memref<2x128xi32, #tpu.memory_space<vmem>>
      %dma_wait3A_173 = arith.constant 0 : i32
      %dma_wait3A_174 = arith.constant 0 : i32
      %dma_wait3A_175 = tpu.memref_slice %arg2[%mul3A_2, %dma_wait3A_173, %dma_wait3A_174] : memref<2560x2x128xi32, #tpu.memory_space<hbm>> -> memref<1x2x128xi32, #tpu.memory_space<hbm>>
      %dma_wait3A_176 = tpu.memref_squeeze %dma_wait3A_175 : memref<1x2x128xi32, #tpu.memory_space<hbm>> -> memref<2x128xi32, #tpu.memory_space<hbm>>
      tpu.wait_dma2 semaphore(%arg9 : memref<!tpu.dma_semaphore, #tpu.memory_space<semaphore_mem>>) src(%dma_wait3A_176 : memref<2x128xi32, #tpu.memory_space<hbm>>) dst(%dma_wait3A_172 : memref<2x128xi32, #tpu.memory_space<vmem>>)
    }
    %scan3A_43 = arith.constant 39 : i32
    %add3A_44 = arith.constant 80 : i32
    %add3A_45 = arith.addi %mul3A_2, %add3A_44 : i32
    %sub3A = arith.constant 1 : i32
    %sub3A_46 = arith.subi %add3A_45, %sub3A : i32
    %dma_start3A_47 = arith.constant 1 : i32
    %dma_start3A_48 = arith.constant 0 : i32
    %dma_start3A_49 = arith.constant 0 : i32
    %dma_start3A_50 = tpu.memref_slice %arg6[%dma_start3A_47, %dma_start3A_48, %dma_start3A_49] : memref<2x2x128xi32, #tpu.memory_space<vmem>> -> memref<1x2x128xi32, #tpu.memory_space<vmem>>
    %dma_start3A_51 = tpu.memref_squeeze %dma_start3A_50 : memref<1x2x128xi32, #tpu.memory_space<vmem>> -> memref<2x128xi32, #tpu.memory_space<vmem>>
    %dma_start3A_52 = arith.constant 0 : i32
    %dma_start3A_53 = arith.constant 0 : i32
    %dma_start3A_54 = tpu.memref_slice %arg2[%sub3A_46, %dma_start3A_52, %dma_start3A_53] : memref<2560x2x128xi32, #tpu.memory_space<hbm>> -> memref<1x2x128xi32, #tpu.memory_space<hbm>>
    %dma_start3A_55 = tpu.memref_squeeze %dma_start3A_54 : memref<1x2x128xi32, #tpu.memory_space<hbm>> -> memref<2x128xi32, #tpu.memory_space<hbm>>
    %dma_start3A_56 = arith.constant 0 : i32
    %dma_start3A_57 = arith.constant 0 : i32
    %dma_start3A_58 = tpu.memref_slice %arg6[%dma_start3A_47, %dma_start3A_56, %dma_start3A_57] : memref<2x2x128xi32, #tpu.memory_space<vmem>> -> memref<1x2x128xi32, #tpu.memory_space<vmem>>
    %dma_start3A_59 = tpu.memref_squeeze %dma_start3A_58 : memref<1x2x128xi32, #tpu.memory_space<vmem>> -> memref<2x128xi32, #tpu.memory_space<vmem>>
    %dma_start3A_60 = arith.constant 0 : i32
    %dma_start3A_61 = arith.constant 0 : i32
    %dma_start3A_62 = tpu.memref_slice %arg2[%sub3A_46, %dma_start3A_60, %dma_start3A_61] : memref<2560x2x128xi32, #tpu.memory_space<hbm>> -> memref<1x2x128xi32, #tpu.memory_space<hbm>>
    %dma_start3A_63 = tpu.memref_squeeze %dma_start3A_62 : memref<1x2x128xi32, #tpu.memory_space<hbm>> -> memref<2x128xi32, #tpu.memory_space<hbm>>
    tpu.enqueue_dma source(%dma_start3A_63 : memref<2x128xi32, #tpu.memory_space<hbm>>) target(%dma_start3A_59 : memref<2x128xi32, #tpu.memory_space<vmem>>) target_semaphore(%arg10 : memref<!tpu.dma_semaphore, #tpu.memory_space<semaphore_mem>>)
    %run_scoped3A = arith.constant 0 : i32
    %run_scoped3A_64 = arith.constant 0 : i32
    "tpu.region"() ({
      %run_scoped3A_90 = tpu.sem_alloc : memref<!tpu.dma_semaphore, #tpu.memory_space<semaphore_mem>>
      %dma_start3A_91 = arith.constant 0 : i32
      %dma_start3A_92 = tpu.memref_slice %arg6[%run_scoped3A, %run_scoped3A_64, %dma_start3A_91] : memref<2x2x128xi32, #tpu.memory_space<vmem>> -> memref<1x1x128xi32, #tpu.memory_space<vmem>>
      %dma_start3A_93 = tpu.memref_squeeze %dma_start3A_92 : memref<1x1x128xi32, #tpu.memory_space<vmem>> -> memref<128xi32, #tpu.memory_space<vmem>>
      %dma_start3A_94 = arith.constant 0 : i32
      %dma_start3A_95 = arith.constant 0 : i32
      %dma_start3A_96 = tpu.memref_slice %arg8[%dma_start3A_94, %dma_start3A_95] : memref<10240x16xf32, #tpu.memory_space<vmem_shared>> -> memref<10240x16xf32, #tpu.memory_space<vmem_shared>>
      tpu.enqueue_indirect_dma source(%arg7 : memref<128x16xf32, #tpu.memory_space<vmem>>) target(%dma_start3A_96 : memref<10240x16xf32, #tpu.memory_space<vmem_shared>>) offsets(%dma_start3A_93 : memref<128xi32, #tpu.memory_space<vmem>>) semaphore(%run_scoped3A_90 : memref<!tpu.dma_semaphore, #tpu.memory_space<semaphore_mem>>) {add = true}
      %dma_wait3A_97 = arith.constant 0 : i32
      %dma_wait3A_98 = tpu.memref_slice %arg6[%run_scoped3A, %run_scoped3A_64, %dma_wait3A_97] : memref<2x2x128xi32, #tpu.memory_space<vmem>> -> memref<1x1x128xi32, #tpu.memory_space<vmem>>
      %dma_wait3A_99 = tpu.memref_squeeze %dma_wait3A_98 : memref<1x1x128xi32, #tpu.memory_space<vmem>> -> memref<128xi32, #tpu.memory_space<vmem>>
      %dma_wait3A_100 = arith.constant 0 : i32
      %dma_wait3A_101 = arith.constant 0 : i32
      %dma_wait3A_102 = tpu.memref_slice %arg8[%dma_wait3A_100, %dma_wait3A_101] : memref<10240x16xf32, #tpu.memory_space<vmem_shared>> -> memref<10240x16xf32, #tpu.memory_space<vmem_shared>>
      tpu.wait_indirect_dma semaphore(%run_scoped3A_90 : memref<!tpu.dma_semaphore, #tpu.memory_space<semaphore_mem>>) src(%arg7 : memref<128x16xf32, #tpu.memory_space<vmem>>) dst(%dma_wait3A_102 : memref<10240x16xf32, #tpu.memory_space<vmem_shared>>)
      tpu.yield
    }) : () -> ()
    %dma_wait3A_65 = arith.constant 1 : i32
    %dma_wait3A_66 = arith.constant 0 : i32
    %dma_wait3A_67 = arith.constant 0 : i32
    %dma_wait3A_68 = tpu.memref_slice %arg6[%dma_wait3A_65, %dma_wait3A_66, %dma_wait3A_67] : memref<2x2x128xi32, #tpu.memory_space<vmem>> -> memref<1x2x128xi32, #tpu.memory_space<vmem>>
    %dma_wait3A_69 = tpu.memref_squeeze %dma_wait3A_68 : memref<1x2x128xi32, #tpu.memory_space<vmem>> -> memref<2x128xi32, #tpu.memory_space<vmem>>
    %dma_wait3A_70 = arith.constant 0 : i32
    %dma_wait3A_71 = arith.constant 0 : i32
    %dma_wait3A_72 = tpu.memref_slice %arg2[%mul3A_2, %dma_wait3A_70, %dma_wait3A_71] : memref<2560x2x128xi32, #tpu.memory_space<hbm>> -> memref<1x2x128xi32, #tpu.memory_space<hbm>>
    %dma_wait3A_73 = tpu.memref_squeeze %dma_wait3A_72 : memref<1x2x128xi32, #tpu.memory_space<hbm>> -> memref<2x128xi32, #tpu.memory_space<hbm>>
    %dma_wait3A_74 = arith.constant 0 : i32
    %dma_wait3A_75 = arith.constant 0 : i32
    %dma_wait3A_76 = tpu.memref_slice %arg6[%dma_wait3A_65, %dma_wait3A_74, %dma_wait3A_75] : memref<2x2x128xi32, #tpu.memory_space<vmem>> -> memref<1x2x128xi32, #tpu.memory_space<vmem>>
    %dma_wait3A_77 = tpu.memref_squeeze %dma_wait3A_76 : memref<1x2x128xi32, #tpu.memory_space<vmem>> -> memref<2x128xi32, #tpu.memory_space<vmem>>
    %dma_wait3A_78 = arith.constant 0 : i32
    %dma_wait3A_79 = arith.constant 0 : i32
    %dma_wait3A_80 = tpu.memref_slice %arg2[%mul3A_2, %dma_wait3A_78, %dma_wait3A_79] : memref<2560x2x128xi32, #tpu.memory_space<hbm>> -> memref<1x2x128xi32, #tpu.memory_space<hbm>>
    %dma_wait3A_81 = tpu.memref_squeeze %dma_wait3A_80 : memref<1x2x128xi32, #tpu.memory_space<hbm>> -> memref<2x128xi32, #tpu.memory_space<hbm>>
    tpu.wait_dma2 semaphore(%arg10 : memref<!tpu.dma_semaphore, #tpu.memory_space<semaphore_mem>>) src(%dma_wait3A_81 : memref<2x128xi32, #tpu.memory_space<hbm>>) dst(%dma_wait3A_77 : memref<2x128xi32, #tpu.memory_space<vmem>>)
    %run_scoped3A_82 = arith.constant 1 : i32
    %run_scoped3A_83 = arith.constant 0 : i32
    "tpu.region"() ({
      %run_scoped3A_90 = tpu.sem_alloc : memref<!tpu.dma_semaphore, #tpu.memory_space<semaphore_mem>>
      %dma_start3A_91 = arith.constant 0 : i32
      %dma_start3A_92 = tpu.memref_slice %arg6[%run_scoped3A_82, %run_scoped3A_83, %dma_start3A_91] : memref<2x2x128xi32, #tpu.memory_space<vmem>> -> memref<1x1x128xi32, #tpu.memory_space<vmem>>
      %dma_start3A_93 = tpu.memref_squeeze %dma_start3A_92 : memref<1x1x128xi32, #tpu.memory_space<vmem>> -> memref<128xi32, #tpu.memory_space<vmem>>
      %dma_start3A_94 = arith.constant 0 : i32
      %dma_start3A_95 = arith.constant 0 : i32
      %dma_start3A_96 = tpu.memref_slice %arg8[%dma_start3A_94, %dma_start3A_95] : memref<10240x16xf32, #tpu.memory_space<vmem_shared>> -> memref<10240x16xf32, #tpu.memory_space<vmem_shared>>
      tpu.enqueue_indirect_dma source(%arg7 : memref<128x16xf32, #tpu.memory_space<vmem>>) target(%dma_start3A_96 : memref<10240x16xf32, #tpu.memory_space<vmem_shared>>) offsets(%dma_start3A_93 : memref<128xi32, #tpu.memory_space<vmem>>) semaphore(%run_scoped3A_90 : memref<!tpu.dma_semaphore, #tpu.memory_space<semaphore_mem>>) {add = true}
      %dma_wait3A_97 = arith.constant 0 : i32
      %dma_wait3A_98 = tpu.memref_slice %arg6[%run_scoped3A_82, %run_scoped3A_83, %dma_wait3A_97] : memref<2x2x128xi32, #tpu.memory_space<vmem>> -> memref<1x1x128xi32, #tpu.memory_space<vmem>>
      %dma_wait3A_99 = tpu.memref_squeeze %dma_wait3A_98 : memref<1x1x128xi32, #tpu.memory_space<vmem>> -> memref<128xi32, #tpu.memory_space<vmem>>
      %dma_wait3A_100 = arith.constant 0 : i32
      %dma_wait3A_101 = arith.constant 0 : i32
      %dma_wait3A_102 = tpu.memref_slice %arg8[%dma_wait3A_100, %dma_wait3A_101] : memref<10240x16xf32, #tpu.memory_space<vmem_shared>> -> memref<10240x16xf32, #tpu.memory_space<vmem_shared>>
      tpu.wait_indirect_dma semaphore(%run_scoped3A_90 : memref<!tpu.dma_semaphore, #tpu.memory_space<semaphore_mem>>) src(%arg7 : memref<128x16xf32, #tpu.memory_space<vmem>>) dst(%dma_wait3A_102 : memref<10240x16xf32, #tpu.memory_space<vmem_shared>>)
      tpu.yield
    }) : () -> ()
    %barrier3A_84 = arith.constant 0 : index
    tpu.barrier barrier_id(%barrier3A_84)
    %scan3A_85 = arith.constant 0 : i32
    %scan3A_86 = arith.constant 5 : i32
    %scan3A_87 = arith.addi %scan3A_85, %scan3A_86 : i32
    %scan3A_88 = arith.constant 1 : i32
    scf.for %scan3A_90 = %scan3A_85 to %scan3A_87 step %scan3A_88  : i32 {
      %mul3A_91 = arith.constant 1 : i32
      %mul3A_92 = arith.muli %scan3A_90, %mul3A_91 : i32
      %add3A_93 = arith.constant 0 : i32
      %add3A_94 = arith.addi %add3A_93, %mul3A_92 : i32
      %mul3A_95 = arith.constant 640 : i32
      %mul3A_96 = arith.muli %arg1, %mul3A_95 : i32
      %mul3A_97 = arith.constant 128 : i32
      %mul3A_98 = arith.muli %add3A_94, %mul3A_97 : i32
      %add3A_99 = arith.addi %mul3A_96, %mul3A_98 : i32
      "tpu.region"() ({
        %run_scoped3A_100 = tpu.sem_alloc : memref<!tpu.dma_semaphore, #tpu.memory_space<semaphore_mem>>
        %dma_start3A_101 = arith.constant 0 : i32
        %dma_start3A_102 = tpu.memref_slice %arg5[%arg0, %add3A_99, %dma_start3A_101] : memref<2x10240x16xf32, #tpu.memory_space<hbm>> -> memref<1x128x16xf32, #tpu.memory_space<hbm>>
        %dma_start3A_103 = tpu.memref_squeeze %dma_start3A_102 : memref<1x128x16xf32, #tpu.memory_space<hbm>> -> memref<128x16xf32, #tpu.memory_space<hbm>>
        %dma_start3A_104 = arith.constant 0 : i32
        %dma_start3A_105 = tpu.memref_slice %arg8[%add3A_99, %dma_start3A_104] : memref<10240x16xf32, #tpu.memory_space<vmem_shared>> -> memref<128x16xf32, #tpu.memory_space<vmem_shared>>
        tpu.enqueue_dma source(%dma_start3A_105 : memref<128x16xf32, #tpu.memory_space<vmem_shared>>) target(%dma_start3A_103 : memref<128x16xf32, #tpu.memory_space<hbm>>) target_semaphore(%run_scoped3A_100 : memref<!tpu.dma_semaphore, #tpu.memory_space<semaphore_mem>>)
        %dma_wait3A_106 = arith.constant 0 : i32
        %dma_wait3A_107 = tpu.memref_slice %arg5[%arg0, %add3A_99, %dma_wait3A_106] : memref<2x10240x16xf32, #tpu.memory_space<hbm>> -> memref<1x128x16xf32, #tpu.memory_space<hbm>>
        %dma_wait3A_108 = tpu.memref_squeeze %dma_wait3A_107 : memref<1x128x16xf32, #tpu.memory_space<hbm>> -> memref<128x16xf32, #tpu.memory_space<hbm>>
        %dma_wait3A_109 = arith.constant 0 : i32
        %dma_wait3A_110 = tpu.memref_slice %arg8[%add3A_99, %dma_wait3A_109] : memref<10240x16xf32, #tpu.memory_space<vmem_shared>> -> memref<128x16xf32, #tpu.memory_space<vmem_shared>>
        tpu.wait_dma2 semaphore(%run_scoped3A_100 : memref<!tpu.dma_semaphore, #tpu.memory_space<semaphore_mem>>) src(%dma_wait3A_110 : memref<128x16xf32, #tpu.memory_space<vmem_shared>>) dst(%dma_wait3A_108 : memref<128x16xf32, #tpu.memory_space<hbm>>)
        tpu.yield
      }) : () -> ()
    }
    %scan3A_89 = arith.constant 5 : i32
    return
  }
}

#map = affine_map<(d0, d1) -> (0, 0)>
#map1 = affine_map<(d0, d1) -> (0, 0, 0)>
module attributes {stable_mosaic.version = 14 : i64} {
  func.func @agg_kernel(%arg0: i32, %arg1: i32, %arg2: memref<10240x128xf32, #tpu.memory_space<hbm>>, %arg3: memref<2560x2x128xi32, #tpu.memory_space<hbm>>, %arg4: memref<128x128xf32, #tpu.memory_space<hbm>>, %arg5: memref<2x10240x128xf32, #tpu.memory_space<hbm>>, %arg6: memref<2x2x128xi32, #tpu.memory_space<vmem>>, %arg7: memref<2x128x128xf32, #tpu.memory_space<vmem>>, %arg8: memref<10240x128xf32, #tpu.memory_space<vmem_shared>>, %arg9: memref<!tpu.dma_semaphore, #tpu.memory_space<semaphore_mem>>, %arg10: memref<!tpu.dma_semaphore, #tpu.memory_space<semaphore_mem>>) attributes {dimension_semantics = [#tpu.dimension_semantics<core_parallel>, #tpu.dimension_semantics<subcore_parallel>], iteration_bounds = array<i64: 2, 16>, scalar_prefetch = 0 : i64, scratch_operands = 5 : i64, tpu.core_type = #tpu.core_type<sc_vector_subcore>, window_params = [{transform_indices = #map}, {transform_indices = #map1}, {transform_indices = #map}, {transform_indices = #map1}]} {
    %mul3A = arith.constant 16 : i32
    %mul3A_0 = arith.muli %arg0, %mul3A : i32
    %add3A = arith.addi %mul3A_0, %arg1 : i32
    %mul3A_1 = arith.constant 80 : i32
    %mul3A_2 = arith.muli %add3A, %mul3A_1 : i32
    %scan3A = arith.constant 0 : i32
    %scan3A_3 = arith.constant 5 : i32
    %scan3A_4 = arith.addi %scan3A, %scan3A_3 : i32
    %scan3A_5 = arith.constant 1 : i32
    scf.for %scan3A_70 = %scan3A to %scan3A_4 step %scan3A_5  : i32 {
      %mul3A_71 = arith.constant 1 : i32
      %mul3A_72 = arith.muli %scan3A_70, %mul3A_71 : i32
      %add3A_73 = arith.constant 0 : i32
      %add3A_74 = arith.addi %add3A_73, %mul3A_72 : i32
      %mul3A_75 = arith.constant 640 : i32
      %mul3A_76 = arith.muli %arg1, %mul3A_75 : i32
      %mul3A_77 = arith.constant 128 : i32
      %mul3A_78 = arith.muli %add3A_74, %mul3A_77 : i32
      %add3A_79 = arith.addi %mul3A_76, %mul3A_78 : i32
      "tpu.region"() ({
        %run_scoped3A_80 = tpu.sem_alloc : memref<!tpu.dma_semaphore, #tpu.memory_space<semaphore_mem>>
        %dma_start3A_81 = arith.constant 0 : i32
        %dma_start3A_82 = tpu.memref_slice %arg8[%add3A_79, %dma_start3A_81] : memref<10240x128xf32, #tpu.memory_space<vmem_shared>> -> memref<128x128xf32, #tpu.memory_space<vmem_shared>>
        tpu.enqueue_dma source(%arg4 : memref<128x128xf32, #tpu.memory_space<hbm>>) target(%dma_start3A_82 : memref<128x128xf32, #tpu.memory_space<vmem_shared>>) target_semaphore(%run_scoped3A_80 : memref<!tpu.dma_semaphore, #tpu.memory_space<semaphore_mem>>)
        %dma_wait3A_83 = arith.constant 0 : i32
        %dma_wait3A_84 = tpu.memref_slice %arg8[%add3A_79, %dma_wait3A_83] : memref<10240x128xf32, #tpu.memory_space<vmem_shared>> -> memref<128x128xf32, #tpu.memory_space<vmem_shared>>
        tpu.wait_dma2 semaphore(%run_scoped3A_80 : memref<!tpu.dma_semaphore, #tpu.memory_space<semaphore_mem>>) src(%arg4 : memref<128x128xf32, #tpu.memory_space<hbm>>) dst(%dma_wait3A_84 : memref<128x128xf32, #tpu.memory_space<vmem_shared>>)
        tpu.yield
      }) : () -> ()
    }
    %scan3A_6 = arith.constant 5 : i32
    %barrier3A = arith.constant 0 : index
    tpu.barrier barrier_id(%barrier3A)
    %run_scoped3A = arith.constant 0 : i32
    "tpu.region"() ({
      %run_scoped3A_70 = tpu.sem_alloc : memref<!tpu.dma_semaphore, #tpu.memory_space<semaphore_mem>>
      %dma_start3A_71 = arith.constant 0 : i32
      %dma_start3A_72 = arith.constant 0 : i32
      %dma_start3A_73 = tpu.memref_slice %arg6[%run_scoped3A, %dma_start3A_71, %dma_start3A_72] : memref<2x2x128xi32, #tpu.memory_space<vmem>> -> memref<1x2x128xi32, #tpu.memory_space<vmem>>
      %dma_start3A_74 = tpu.memref_squeeze %dma_start3A_73 : memref<1x2x128xi32, #tpu.memory_space<vmem>> -> memref<2x128xi32, #tpu.memory_space<vmem>>
      %dma_start3A_75 = arith.constant 0 : i32
      %dma_start3A_76 = arith.constant 0 : i32
      %dma_start3A_77 = tpu.memref_slice %arg3[%mul3A_2, %dma_start3A_75, %dma_start3A_76] : memref<2560x2x128xi32, #tpu.memory_space<hbm>> -> memref<1x2x128xi32, #tpu.memory_space<hbm>>
      %dma_start3A_78 = tpu.memref_squeeze %dma_start3A_77 : memref<1x2x128xi32, #tpu.memory_space<hbm>> -> memref<2x128xi32, #tpu.memory_space<hbm>>
      %dma_start3A_79 = arith.constant 0 : i32
      %dma_start3A_80 = arith.constant 0 : i32
      %dma_start3A_81 = tpu.memref_slice %arg6[%run_scoped3A, %dma_start3A_79, %dma_start3A_80] : memref<2x2x128xi32, #tpu.memory_space<vmem>> -> memref<1x2x128xi32, #tpu.memory_space<vmem>>
      %dma_start3A_82 = tpu.memref_squeeze %dma_start3A_81 : memref<1x2x128xi32, #tpu.memory_space<vmem>> -> memref<2x128xi32, #tpu.memory_space<vmem>>
      %dma_start3A_83 = arith.constant 0 : i32
      %dma_start3A_84 = arith.constant 0 : i32
      %dma_start3A_85 = tpu.memref_slice %arg3[%mul3A_2, %dma_start3A_83, %dma_start3A_84] : memref<2560x2x128xi32, #tpu.memory_space<hbm>> -> memref<1x2x128xi32, #tpu.memory_space<hbm>>
      %dma_start3A_86 = tpu.memref_squeeze %dma_start3A_85 : memref<1x2x128xi32, #tpu.memory_space<hbm>> -> memref<2x128xi32, #tpu.memory_space<hbm>>
      tpu.enqueue_dma source(%dma_start3A_86 : memref<2x128xi32, #tpu.memory_space<hbm>>) target(%dma_start3A_82 : memref<2x128xi32, #tpu.memory_space<vmem>>) target_semaphore(%run_scoped3A_70 : memref<!tpu.dma_semaphore, #tpu.memory_space<semaphore_mem>>)
      %dma_wait3A_87 = arith.constant 0 : i32
      %dma_wait3A_88 = arith.constant 0 : i32
      %dma_wait3A_89 = tpu.memref_slice %arg6[%run_scoped3A, %dma_wait3A_87, %dma_wait3A_88] : memref<2x2x128xi32, #tpu.memory_space<vmem>> -> memref<1x2x128xi32, #tpu.memory_space<vmem>>
      %dma_wait3A_90 = tpu.memref_squeeze %dma_wait3A_89 : memref<1x2x128xi32, #tpu.memory_space<vmem>> -> memref<2x128xi32, #tpu.memory_space<vmem>>
      %dma_wait3A_91 = arith.constant 0 : i32
      %dma_wait3A_92 = arith.constant 0 : i32
      %dma_wait3A_93 = tpu.memref_slice %arg3[%mul3A_2, %dma_wait3A_91, %dma_wait3A_92] : memref<2560x2x128xi32, #tpu.memory_space<hbm>> -> memref<1x2x128xi32, #tpu.memory_space<hbm>>
      %dma_wait3A_94 = tpu.memref_squeeze %dma_wait3A_93 : memref<1x2x128xi32, #tpu.memory_space<hbm>> -> memref<2x128xi32, #tpu.memory_space<hbm>>
      %dma_wait3A_95 = arith.constant 0 : i32
      %dma_wait3A_96 = arith.constant 0 : i32
      %dma_wait3A_97 = tpu.memref_slice %arg6[%run_scoped3A, %dma_wait3A_95, %dma_wait3A_96] : memref<2x2x128xi32, #tpu.memory_space<vmem>> -> memref<1x2x128xi32, #tpu.memory_space<vmem>>
      %dma_wait3A_98 = tpu.memref_squeeze %dma_wait3A_97 : memref<1x2x128xi32, #tpu.memory_space<vmem>> -> memref<2x128xi32, #tpu.memory_space<vmem>>
      %dma_wait3A_99 = arith.constant 0 : i32
      %dma_wait3A_100 = arith.constant 0 : i32
      %dma_wait3A_101 = tpu.memref_slice %arg3[%mul3A_2, %dma_wait3A_99, %dma_wait3A_100] : memref<2560x2x128xi32, #tpu.memory_space<hbm>> -> memref<1x2x128xi32, #tpu.memory_space<hbm>>
      %dma_wait3A_102 = tpu.memref_squeeze %dma_wait3A_101 : memref<1x2x128xi32, #tpu.memory_space<hbm>> -> memref<2x128xi32, #tpu.memory_space<hbm>>
      tpu.wait_dma2 semaphore(%run_scoped3A_70 : memref<!tpu.dma_semaphore, #tpu.memory_space<semaphore_mem>>) src(%dma_wait3A_102 : memref<2x128xi32, #tpu.memory_space<hbm>>) dst(%dma_wait3A_98 : memref<2x128xi32, #tpu.memory_space<vmem>>)
      tpu.yield
    }) : () -> ()
    %dma_start3A = arith.constant 0 : i32
    %dma_start3A_7 = arith.constant 0 : i32
    %dma_start3A_8 = arith.constant 0 : i32
    %dma_start3A_9 = arith.constant 0 : i32
    %dma_start3A_10 = arith.constant 0 : i32
    %dma_start3A_11 = tpu.memref_slice %arg7[%dma_start3A_8, %dma_start3A_9, %dma_start3A_10] : memref<2x128x128xf32, #tpu.memory_space<vmem>> -> memref<1x128x128xf32, #tpu.memory_space<vmem>>
    %dma_start3A_12 = tpu.memref_squeeze %dma_start3A_11 : memref<1x128x128xf32, #tpu.memory_space<vmem>> -> memref<128x128xf32, #tpu.memory_space<vmem>>
    %dma_start3A_13 = arith.constant 0 : i32
    %dma_start3A_14 = tpu.memref_slice %arg6[%dma_start3A, %dma_start3A_7, %dma_start3A_13] : memref<2x2x128xi32, #tpu.memory_space<vmem>> -> memref<1x1x128xi32, #tpu.memory_space<vmem>>
    %dma_start3A_15 = tpu.memref_squeeze %dma_start3A_14 : memref<1x1x128xi32, #tpu.memory_space<vmem>> -> memref<128xi32, #tpu.memory_space<vmem>>
    %dma_start3A_16 = arith.constant 0 : i32
    %dma_start3A_17 = arith.constant 0 : i32
    %dma_start3A_18 = tpu.memref_slice %arg2[%dma_start3A_16, %dma_start3A_17] : memref<10240x128xf32, #tpu.memory_space<hbm>> -> memref<10240x128xf32, #tpu.memory_space<hbm>>
    tpu.enqueue_indirect_dma source(%dma_start3A_18 : memref<10240x128xf32, #tpu.memory_space<hbm>>) target(%dma_start3A_12 : memref<128x128xf32, #tpu.memory_space<vmem>>) offsets(%dma_start3A_15 : memref<128xi32, #tpu.memory_space<vmem>>) semaphore(%arg9 : memref<!tpu.dma_semaphore, #tpu.memory_space<semaphore_mem>>)
    %scan3A_19 = arith.constant 0 : i32
    %scan3A_20 = arith.constant 39 : i32
    %scan3A_21 = arith.addi %scan3A_19, %scan3A_20 : i32
    %scan3A_22 = arith.constant 1 : i32
    scf.for %scan3A_70 = %scan3A_19 to %scan3A_21 step %scan3A_22  : i32 {
      %mul3A_71 = arith.constant 1 : i32
      %mul3A_72 = arith.muli %scan3A_70, %mul3A_71 : i32
      %add3A_73 = arith.constant 0 : i32
      %add3A_74 = arith.addi %add3A_73, %mul3A_72 : i32
      %mul3A_75 = arith.constant 2 : i32
      %mul3A_76 = arith.muli %mul3A_75, %add3A_74 : i32
      %add3A_77 = arith.addi %mul3A_2, %mul3A_76 : i32
      %add3A_78 = arith.constant 1 : i32
      %add3A_79 = arith.addi %add3A_77, %add3A_78 : i32
      %run_scoped3A_80 = arith.constant 1 : i32
      "tpu.region"() ({
        %run_scoped3A_137 = tpu.sem_alloc : memref<!tpu.dma_semaphore, #tpu.memory_space<semaphore_mem>>
        %dma_start3A_138 = arith.constant 0 : i32
        %dma_start3A_139 = arith.constant 0 : i32
        %dma_start3A_140 = tpu.memref_slice %arg6[%run_scoped3A_80, %dma_start3A_138, %dma_start3A_139] : memref<2x2x128xi32, #tpu.memory_space<vmem>> -> memref<1x2x128xi32, #tpu.memory_space<vmem>>
        %dma_start3A_141 = tpu.memref_squeeze %dma_start3A_140 : memref<1x2x128xi32, #tpu.memory_space<vmem>> -> memref<2x128xi32, #tpu.memory_space<vmem>>
        %dma_start3A_142 = arith.constant 0 : i32
        %dma_start3A_143 = arith.constant 0 : i32
        %dma_start3A_144 = tpu.memref_slice %arg3[%add3A_79, %dma_start3A_142, %dma_start3A_143] : memref<2560x2x128xi32, #tpu.memory_space<hbm>> -> memref<1x2x128xi32, #tpu.memory_space<hbm>>
        %dma_start3A_145 = tpu.memref_squeeze %dma_start3A_144 : memref<1x2x128xi32, #tpu.memory_space<hbm>> -> memref<2x128xi32, #tpu.memory_space<hbm>>
        %dma_start3A_146 = arith.constant 0 : i32
        %dma_start3A_147 = arith.constant 0 : i32
        %dma_start3A_148 = tpu.memref_slice %arg6[%run_scoped3A_80, %dma_start3A_146, %dma_start3A_147] : memref<2x2x128xi32, #tpu.memory_space<vmem>> -> memref<1x2x128xi32, #tpu.memory_space<vmem>>
        %dma_start3A_149 = tpu.memref_squeeze %dma_start3A_148 : memref<1x2x128xi32, #tpu.memory_space<vmem>> -> memref<2x128xi32, #tpu.memory_space<vmem>>
        %dma_start3A_150 = arith.constant 0 : i32
        %dma_start3A_151 = arith.constant 0 : i32
        %dma_start3A_152 = tpu.memref_slice %arg3[%add3A_79, %dma_start3A_150, %dma_start3A_151] : memref<2560x2x128xi32, #tpu.memory_space<hbm>> -> memref<1x2x128xi32, #tpu.memory_space<hbm>>
        %dma_start3A_153 = tpu.memref_squeeze %dma_start3A_152 : memref<1x2x128xi32, #tpu.memory_space<hbm>> -> memref<2x128xi32, #tpu.memory_space<hbm>>
        tpu.enqueue_dma source(%dma_start3A_153 : memref<2x128xi32, #tpu.memory_space<hbm>>) target(%dma_start3A_149 : memref<2x128xi32, #tpu.memory_space<vmem>>) target_semaphore(%run_scoped3A_137 : memref<!tpu.dma_semaphore, #tpu.memory_space<semaphore_mem>>)
        %dma_wait3A_154 = arith.constant 0 : i32
        %dma_wait3A_155 = arith.constant 0 : i32
        %dma_wait3A_156 = tpu.memref_slice %arg6[%run_scoped3A_80, %dma_wait3A_154, %dma_wait3A_155] : memref<2x2x128xi32, #tpu.memory_space<vmem>> -> memref<1x2x128xi32, #tpu.memory_space<vmem>>
        %dma_wait3A_157 = tpu.memref_squeeze %dma_wait3A_156 : memref<1x2x128xi32, #tpu.memory_space<vmem>> -> memref<2x128xi32, #tpu.memory_space<vmem>>
        %dma_wait3A_158 = arith.constant 0 : i32
        %dma_wait3A_159 = arith.constant 0 : i32
        %dma_wait3A_160 = tpu.memref_slice %arg3[%add3A_79, %dma_wait3A_158, %dma_wait3A_159] : memref<2560x2x128xi32, #tpu.memory_space<hbm>> -> memref<1x2x128xi32, #tpu.memory_space<hbm>>
        %dma_wait3A_161 = tpu.memref_squeeze %dma_wait3A_160 : memref<1x2x128xi32, #tpu.memory_space<hbm>> -> memref<2x128xi32, #tpu.memory_space<hbm>>
        %dma_wait3A_162 = arith.constant 0 : i32
        %dma_wait3A_163 = arith.constant 0 : i32
        %dma_wait3A_164 = tpu.memref_slice %arg6[%run_scoped3A_80, %dma_wait3A_162, %dma_wait3A_163] : memref<2x2x128xi32, #tpu.memory_space<vmem>> -> memref<1x2x128xi32, #tpu.memory_space<vmem>>
        %dma_wait3A_165 = tpu.memref_squeeze %dma_wait3A_164 : memref<1x2x128xi32, #tpu.memory_space<vmem>> -> memref<2x128xi32, #tpu.memory_space<vmem>>
        %dma_wait3A_166 = arith.constant 0 : i32
        %dma_wait3A_167 = arith.constant 0 : i32
        %dma_wait3A_168 = tpu.memref_slice %arg3[%add3A_79, %dma_wait3A_166, %dma_wait3A_167] : memref<2560x2x128xi32, #tpu.memory_space<hbm>> -> memref<1x2x128xi32, #tpu.memory_space<hbm>>
        %dma_wait3A_169 = tpu.memref_squeeze %dma_wait3A_168 : memref<1x2x128xi32, #tpu.memory_space<hbm>> -> memref<2x128xi32, #tpu.memory_space<hbm>>
        tpu.wait_dma2 semaphore(%run_scoped3A_137 : memref<!tpu.dma_semaphore, #tpu.memory_space<semaphore_mem>>) src(%dma_wait3A_169 : memref<2x128xi32, #tpu.memory_space<hbm>>) dst(%dma_wait3A_165 : memref<2x128xi32, #tpu.memory_space<vmem>>)
        tpu.yield
      }) : () -> ()
      %dma_start3A_81 = arith.constant 1 : i32
      %dma_start3A_82 = arith.constant 0 : i32
      %dma_start3A_83 = arith.constant 1 : i32
      %dma_start3A_84 = arith.constant 0 : i32
      %dma_start3A_85 = arith.constant 0 : i32
      %dma_start3A_86 = tpu.memref_slice %arg7[%dma_start3A_83, %dma_start3A_84, %dma_start3A_85] : memref<2x128x128xf32, #tpu.memory_space<vmem>> -> memref<1x128x128xf32, #tpu.memory_space<vmem>>
      %dma_start3A_87 = tpu.memref_squeeze %dma_start3A_86 : memref<1x128x128xf32, #tpu.memory_space<vmem>> -> memref<128x128xf32, #tpu.memory_space<vmem>>
      %dma_start3A_88 = arith.constant 0 : i32
      %dma_start3A_89 = tpu.memref_slice %arg6[%dma_start3A_81, %dma_start3A_82, %dma_start3A_88] : memref<2x2x128xi32, #tpu.memory_space<vmem>> -> memref<1x1x128xi32, #tpu.memory_space<vmem>>
      %dma_start3A_90 = tpu.memref_squeeze %dma_start3A_89 : memref<1x1x128xi32, #tpu.memory_space<vmem>> -> memref<128xi32, #tpu.memory_space<vmem>>
      %dma_start3A_91 = arith.constant 0 : i32
      %dma_start3A_92 = arith.constant 0 : i32
      %dma_start3A_93 = tpu.memref_slice %arg2[%dma_start3A_91, %dma_start3A_92] : memref<10240x128xf32, #tpu.memory_space<hbm>> -> memref<10240x128xf32, #tpu.memory_space<hbm>>
      tpu.enqueue_indirect_dma source(%dma_start3A_93 : memref<10240x128xf32, #tpu.memory_space<hbm>>) target(%dma_start3A_87 : memref<128x128xf32, #tpu.memory_space<vmem>>) offsets(%dma_start3A_90 : memref<128xi32, #tpu.memory_space<vmem>>) semaphore(%arg10 : memref<!tpu.dma_semaphore, #tpu.memory_space<semaphore_mem>>)
      %dma_wait3A_94 = arith.constant 0 : i32
      %dma_wait3A_95 = arith.constant 0 : i32
      %dma_wait3A_96 = arith.constant 0 : i32
      %dma_wait3A_97 = tpu.memref_slice %arg7[%dma_wait3A_94, %dma_wait3A_95, %dma_wait3A_96] : memref<2x128x128xf32, #tpu.memory_space<vmem>> -> memref<1x128x128xf32, #tpu.memory_space<vmem>>
      %dma_wait3A_98 = tpu.memref_squeeze %dma_wait3A_97 : memref<1x128x128xf32, #tpu.memory_space<vmem>> -> memref<128x128xf32, #tpu.memory_space<vmem>>
      %dma_wait3A_99 = arith.constant 0 : i32
      %dma_wait3A_100 = arith.constant 0 : i32
      %dma_wait3A_101 = tpu.memref_slice %arg7[%dma_wait3A_94, %dma_wait3A_99, %dma_wait3A_100] : memref<2x128x128xf32, #tpu.memory_space<vmem>> -> memref<1x128x128xf32, #tpu.memory_space<vmem>>
      %dma_wait3A_102 = tpu.memref_squeeze %dma_wait3A_101 : memref<1x128x128xf32, #tpu.memory_space<vmem>> -> memref<128x128xf32, #tpu.memory_space<vmem>>
      tpu.wait_dma2 semaphore(%arg9 : memref<!tpu.dma_semaphore, #tpu.memory_space<semaphore_mem>>) src(%arg4 : memref<128x128xf32, #tpu.memory_space<hbm>>) dst(%dma_wait3A_102 : memref<128x128xf32, #tpu.memory_space<vmem>>)
      %run_scoped3A_103 = arith.constant 0 : i32
      %run_scoped3A_104 = arith.constant 0 : i32
      %run_scoped3A_105 = arith.constant 1 : i32
      "tpu.region"() ({
        %run_scoped3A_137 = tpu.sem_alloc : memref<!tpu.dma_semaphore, #tpu.memory_space<semaphore_mem>>
        %dma_start3A_138 = arith.constant 0 : i32
        %dma_start3A_139 = arith.constant 0 : i32
        %dma_start3A_140 = tpu.memref_slice %arg7[%run_scoped3A_103, %dma_start3A_138, %dma_start3A_139] : memref<2x128x128xf32, #tpu.memory_space<vmem>> -> memref<1x128x128xf32, #tpu.memory_space<vmem>>
        %dma_start3A_141 = tpu.memref_squeeze %dma_start3A_140 : memref<1x128x128xf32, #tpu.memory_space<vmem>> -> memref<128x128xf32, #tpu.memory_space<vmem>>
        %dma_start3A_142 = arith.constant 0 : i32
        %dma_start3A_143 = tpu.memref_slice %arg6[%run_scoped3A_104, %run_scoped3A_105, %dma_start3A_142] : memref<2x2x128xi32, #tpu.memory_space<vmem>> -> memref<1x1x128xi32, #tpu.memory_space<vmem>>
        %dma_start3A_144 = tpu.memref_squeeze %dma_start3A_143 : memref<1x1x128xi32, #tpu.memory_space<vmem>> -> memref<128xi32, #tpu.memory_space<vmem>>
        %dma_start3A_145 = arith.constant 0 : i32
        %dma_start3A_146 = arith.constant 0 : i32
        %dma_start3A_147 = tpu.memref_slice %arg8[%dma_start3A_145, %dma_start3A_146] : memref<10240x128xf32, #tpu.memory_space<vmem_shared>> -> memref<10240x128xf32, #tpu.memory_space<vmem_shared>>
        tpu.enqueue_indirect_dma source(%dma_start3A_141 : memref<128x128xf32, #tpu.memory_space<vmem>>) target(%dma_start3A_147 : memref<10240x128xf32, #tpu.memory_space<vmem_shared>>) offsets(%dma_start3A_144 : memref<128xi32, #tpu.memory_space<vmem>>) semaphore(%run_scoped3A_137 : memref<!tpu.dma_semaphore, #tpu.memory_space<semaphore_mem>>) {add = true}
        %dma_wait3A_148 = arith.constant 0 : i32
        %dma_wait3A_149 = arith.constant 0 : i32
        %dma_wait3A_150 = tpu.memref_slice %arg7[%run_scoped3A_103, %dma_wait3A_148, %dma_wait3A_149] : memref<2x128x128xf32, #tpu.memory_space<vmem>> -> memref<1x128x128xf32, #tpu.memory_space<vmem>>
        %dma_wait3A_151 = tpu.memref_squeeze %dma_wait3A_150 : memref<1x128x128xf32, #tpu.memory_space<vmem>> -> memref<128x128xf32, #tpu.memory_space<vmem>>
        %dma_wait3A_152 = arith.constant 0 : i32
        %dma_wait3A_153 = tpu.memref_slice %arg6[%run_scoped3A_104, %run_scoped3A_105, %dma_wait3A_152] : memref<2x2x128xi32, #tpu.memory_space<vmem>> -> memref<1x1x128xi32, #tpu.memory_space<vmem>>
        %dma_wait3A_154 = tpu.memref_squeeze %dma_wait3A_153 : memref<1x1x128xi32, #tpu.memory_space<vmem>> -> memref<128xi32, #tpu.memory_space<vmem>>
        %dma_wait3A_155 = arith.constant 0 : i32
        %dma_wait3A_156 = arith.constant 0 : i32
        %dma_wait3A_157 = tpu.memref_slice %arg8[%dma_wait3A_155, %dma_wait3A_156] : memref<10240x128xf32, #tpu.memory_space<vmem_shared>> -> memref<10240x128xf32, #tpu.memory_space<vmem_shared>>
        tpu.wait_indirect_dma semaphore(%run_scoped3A_137 : memref<!tpu.dma_semaphore, #tpu.memory_space<semaphore_mem>>) src(%dma_wait3A_151 : memref<128x128xf32, #tpu.memory_space<vmem>>) dst(%dma_wait3A_157 : memref<10240x128xf32, #tpu.memory_space<vmem_shared>>)
        tpu.yield
      }) : () -> ()
      %mul3A_106 = arith.constant 2 : i32
      %mul3A_107 = arith.muli %mul3A_106, %add3A_74 : i32
      %add3A_108 = arith.addi %mul3A_2, %mul3A_107 : i32
      %add3A_109 = arith.constant 2 : i32
      %add3A_110 = arith.addi %add3A_108, %add3A_109 : i32
      %run_scoped3A_111 = arith.constant 0 : i32
      "tpu.region"() ({
        %run_scoped3A_137 = tpu.sem_alloc : memref<!tpu.dma_semaphore, #tpu.memory_space<semaphore_mem>>
        %dma_start3A_138 = arith.constant 0 : i32
        %dma_start3A_139 = arith.constant 0 : i32
        %dma_start3A_140 = tpu.memref_slice %arg6[%run_scoped3A_111, %dma_start3A_138, %dma_start3A_139] : memref<2x2x128xi32, #tpu.memory_space<vmem>> -> memref<1x2x128xi32, #tpu.memory_space<vmem>>
        %dma_start3A_141 = tpu.memref_squeeze %dma_start3A_140 : memref<1x2x128xi32, #tpu.memory_space<vmem>> -> memref<2x128xi32, #tpu.memory_space<vmem>>
        %dma_start3A_142 = arith.constant 0 : i32
        %dma_start3A_143 = arith.constant 0 : i32
        %dma_start3A_144 = tpu.memref_slice %arg3[%add3A_110, %dma_start3A_142, %dma_start3A_143] : memref<2560x2x128xi32, #tpu.memory_space<hbm>> -> memref<1x2x128xi32, #tpu.memory_space<hbm>>
        %dma_start3A_145 = tpu.memref_squeeze %dma_start3A_144 : memref<1x2x128xi32, #tpu.memory_space<hbm>> -> memref<2x128xi32, #tpu.memory_space<hbm>>
        %dma_start3A_146 = arith.constant 0 : i32
        %dma_start3A_147 = arith.constant 0 : i32
        %dma_start3A_148 = tpu.memref_slice %arg6[%run_scoped3A_111, %dma_start3A_146, %dma_start3A_147] : memref<2x2x128xi32, #tpu.memory_space<vmem>> -> memref<1x2x128xi32, #tpu.memory_space<vmem>>
        %dma_start3A_149 = tpu.memref_squeeze %dma_start3A_148 : memref<1x2x128xi32, #tpu.memory_space<vmem>> -> memref<2x128xi32, #tpu.memory_space<vmem>>
        %dma_start3A_150 = arith.constant 0 : i32
        %dma_start3A_151 = arith.constant 0 : i32
        %dma_start3A_152 = tpu.memref_slice %arg3[%add3A_110, %dma_start3A_150, %dma_start3A_151] : memref<2560x2x128xi32, #tpu.memory_space<hbm>> -> memref<1x2x128xi32, #tpu.memory_space<hbm>>
        %dma_start3A_153 = tpu.memref_squeeze %dma_start3A_152 : memref<1x2x128xi32, #tpu.memory_space<hbm>> -> memref<2x128xi32, #tpu.memory_space<hbm>>
        tpu.enqueue_dma source(%dma_start3A_153 : memref<2x128xi32, #tpu.memory_space<hbm>>) target(%dma_start3A_149 : memref<2x128xi32, #tpu.memory_space<vmem>>) target_semaphore(%run_scoped3A_137 : memref<!tpu.dma_semaphore, #tpu.memory_space<semaphore_mem>>)
        %dma_wait3A_154 = arith.constant 0 : i32
        %dma_wait3A_155 = arith.constant 0 : i32
        %dma_wait3A_156 = tpu.memref_slice %arg6[%run_scoped3A_111, %dma_wait3A_154, %dma_wait3A_155] : memref<2x2x128xi32, #tpu.memory_space<vmem>> -> memref<1x2x128xi32, #tpu.memory_space<vmem>>
        %dma_wait3A_157 = tpu.memref_squeeze %dma_wait3A_156 : memref<1x2x128xi32, #tpu.memory_space<vmem>> -> memref<2x128xi32, #tpu.memory_space<vmem>>
        %dma_wait3A_158 = arith.constant 0 : i32
        %dma_wait3A_159 = arith.constant 0 : i32
        %dma_wait3A_160 = tpu.memref_slice %arg3[%add3A_110, %dma_wait3A_158, %dma_wait3A_159] : memref<2560x2x128xi32, #tpu.memory_space<hbm>> -> memref<1x2x128xi32, #tpu.memory_space<hbm>>
        %dma_wait3A_161 = tpu.memref_squeeze %dma_wait3A_160 : memref<1x2x128xi32, #tpu.memory_space<hbm>> -> memref<2x128xi32, #tpu.memory_space<hbm>>
        %dma_wait3A_162 = arith.constant 0 : i32
        %dma_wait3A_163 = arith.constant 0 : i32
        %dma_wait3A_164 = tpu.memref_slice %arg6[%run_scoped3A_111, %dma_wait3A_162, %dma_wait3A_163] : memref<2x2x128xi32, #tpu.memory_space<vmem>> -> memref<1x2x128xi32, #tpu.memory_space<vmem>>
        %dma_wait3A_165 = tpu.memref_squeeze %dma_wait3A_164 : memref<1x2x128xi32, #tpu.memory_space<vmem>> -> memref<2x128xi32, #tpu.memory_space<vmem>>
        %dma_wait3A_166 = arith.constant 0 : i32
        %dma_wait3A_167 = arith.constant 0 : i32
        %dma_wait3A_168 = tpu.memref_slice %arg3[%add3A_110, %dma_wait3A_166, %dma_wait3A_167] : memref<2560x2x128xi32, #tpu.memory_space<hbm>> -> memref<1x2x128xi32, #tpu.memory_space<hbm>>
        %dma_wait3A_169 = tpu.memref_squeeze %dma_wait3A_168 : memref<1x2x128xi32, #tpu.memory_space<hbm>> -> memref<2x128xi32, #tpu.memory_space<hbm>>
        tpu.wait_dma2 semaphore(%run_scoped3A_137 : memref<!tpu.dma_semaphore, #tpu.memory_space<semaphore_mem>>) src(%dma_wait3A_169 : memref<2x128xi32, #tpu.memory_space<hbm>>) dst(%dma_wait3A_165 : memref<2x128xi32, #tpu.memory_space<vmem>>)
        tpu.yield
      }) : () -> ()
      %dma_start3A_112 = arith.constant 0 : i32
      %dma_start3A_113 = arith.constant 0 : i32
      %dma_start3A_114 = arith.constant 0 : i32
      %dma_start3A_115 = arith.constant 0 : i32
      %dma_start3A_116 = arith.constant 0 : i32
      %dma_start3A_117 = tpu.memref_slice %arg7[%dma_start3A_114, %dma_start3A_115, %dma_start3A_116] : memref<2x128x128xf32, #tpu.memory_space<vmem>> -> memref<1x128x128xf32, #tpu.memory_space<vmem>>
      %dma_start3A_118 = tpu.memref_squeeze %dma_start3A_117 : memref<1x128x128xf32, #tpu.memory_space<vmem>> -> memref<128x128xf32, #tpu.memory_space<vmem>>
      %dma_start3A_119 = arith.constant 0 : i32
      %dma_start3A_120 = tpu.memref_slice %arg6[%dma_start3A_112, %dma_start3A_113, %dma_start3A_119] : memref<2x2x128xi32, #tpu.memory_space<vmem>> -> memref<1x1x128xi32, #tpu.memory_space<vmem>>
      %dma_start3A_121 = tpu.memref_squeeze %dma_start3A_120 : memref<1x1x128xi32, #tpu.memory_space<vmem>> -> memref<128xi32, #tpu.memory_space<vmem>>
      %dma_start3A_122 = arith.constant 0 : i32
      %dma_start3A_123 = arith.constant 0 : i32
      %dma_start3A_124 = tpu.memref_slice %arg2[%dma_start3A_122, %dma_start3A_123] : memref<10240x128xf32, #tpu.memory_space<hbm>> -> memref<10240x128xf32, #tpu.memory_space<hbm>>
      tpu.enqueue_indirect_dma source(%dma_start3A_124 : memref<10240x128xf32, #tpu.memory_space<hbm>>) target(%dma_start3A_118 : memref<128x128xf32, #tpu.memory_space<vmem>>) offsets(%dma_start3A_121 : memref<128xi32, #tpu.memory_space<vmem>>) semaphore(%arg9 : memref<!tpu.dma_semaphore, #tpu.memory_space<semaphore_mem>>)
      %dma_wait3A_125 = arith.constant 1 : i32
      %dma_wait3A_126 = arith.constant 0 : i32
      %dma_wait3A_127 = arith.constant 0 : i32
      %dma_wait3A_128 = tpu.memref_slice %arg7[%dma_wait3A_125, %dma_wait3A_126, %dma_wait3A_127] : memref<2x128x128xf32, #tpu.memory_space<vmem>> -> memref<1x128x128xf32, #tpu.memory_space<vmem>>
      %dma_wait3A_129 = tpu.memref_squeeze %dma_wait3A_128 : memref<1x128x128xf32, #tpu.memory_space<vmem>> -> memref<128x128xf32, #tpu.memory_space<vmem>>
      %dma_wait3A_130 = arith.constant 0 : i32
      %dma_wait3A_131 = arith.constant 0 : i32
      %dma_wait3A_132 = tpu.memref_slice %arg7[%dma_wait3A_125, %dma_wait3A_130, %dma_wait3A_131] : memref<2x128x128xf32, #tpu.memory_space<vmem>> -> memref<1x128x128xf32, #tpu.memory_space<vmem>>
      %dma_wait3A_133 = tpu.memref_squeeze %dma_wait3A_132 : memref<1x128x128xf32, #tpu.memory_space<vmem>> -> memref<128x128xf32, #tpu.memory_space<vmem>>
      tpu.wait_dma2 semaphore(%arg10 : memref<!tpu.dma_semaphore, #tpu.memory_space<semaphore_mem>>) src(%arg4 : memref<128x128xf32, #tpu.memory_space<hbm>>) dst(%dma_wait3A_133 : memref<128x128xf32, #tpu.memory_space<vmem>>)
      %run_scoped3A_134 = arith.constant 1 : i32
      %run_scoped3A_135 = arith.constant 1 : i32
      %run_scoped3A_136 = arith.constant 1 : i32
      "tpu.region"() ({
        %run_scoped3A_137 = tpu.sem_alloc : memref<!tpu.dma_semaphore, #tpu.memory_space<semaphore_mem>>
        %dma_start3A_138 = arith.constant 0 : i32
        %dma_start3A_139 = arith.constant 0 : i32
        %dma_start3A_140 = tpu.memref_slice %arg7[%run_scoped3A_134, %dma_start3A_138, %dma_start3A_139] : memref<2x128x128xf32, #tpu.memory_space<vmem>> -> memref<1x128x128xf32, #tpu.memory_space<vmem>>
        %dma_start3A_141 = tpu.memref_squeeze %dma_start3A_140 : memref<1x128x128xf32, #tpu.memory_space<vmem>> -> memref<128x128xf32, #tpu.memory_space<vmem>>
        %dma_start3A_142 = arith.constant 0 : i32
        %dma_start3A_143 = tpu.memref_slice %arg6[%run_scoped3A_135, %run_scoped3A_136, %dma_start3A_142] : memref<2x2x128xi32, #tpu.memory_space<vmem>> -> memref<1x1x128xi32, #tpu.memory_space<vmem>>
        %dma_start3A_144 = tpu.memref_squeeze %dma_start3A_143 : memref<1x1x128xi32, #tpu.memory_space<vmem>> -> memref<128xi32, #tpu.memory_space<vmem>>
        %dma_start3A_145 = arith.constant 0 : i32
        %dma_start3A_146 = arith.constant 0 : i32
        %dma_start3A_147 = tpu.memref_slice %arg8[%dma_start3A_145, %dma_start3A_146] : memref<10240x128xf32, #tpu.memory_space<vmem_shared>> -> memref<10240x128xf32, #tpu.memory_space<vmem_shared>>
        tpu.enqueue_indirect_dma source(%dma_start3A_141 : memref<128x128xf32, #tpu.memory_space<vmem>>) target(%dma_start3A_147 : memref<10240x128xf32, #tpu.memory_space<vmem_shared>>) offsets(%dma_start3A_144 : memref<128xi32, #tpu.memory_space<vmem>>) semaphore(%run_scoped3A_137 : memref<!tpu.dma_semaphore, #tpu.memory_space<semaphore_mem>>) {add = true}
        %dma_wait3A_148 = arith.constant 0 : i32
        %dma_wait3A_149 = arith.constant 0 : i32
        %dma_wait3A_150 = tpu.memref_slice %arg7[%run_scoped3A_134, %dma_wait3A_148, %dma_wait3A_149] : memref<2x128x128xf32, #tpu.memory_space<vmem>> -> memref<1x128x128xf32, #tpu.memory_space<vmem>>
        %dma_wait3A_151 = tpu.memref_squeeze %dma_wait3A_150 : memref<1x128x128xf32, #tpu.memory_space<vmem>> -> memref<128x128xf32, #tpu.memory_space<vmem>>
        %dma_wait3A_152 = arith.constant 0 : i32
        %dma_wait3A_153 = tpu.memref_slice %arg6[%run_scoped3A_135, %run_scoped3A_136, %dma_wait3A_152] : memref<2x2x128xi32, #tpu.memory_space<vmem>> -> memref<1x1x128xi32, #tpu.memory_space<vmem>>
        %dma_wait3A_154 = tpu.memref_squeeze %dma_wait3A_153 : memref<1x1x128xi32, #tpu.memory_space<vmem>> -> memref<128xi32, #tpu.memory_space<vmem>>
        %dma_wait3A_155 = arith.constant 0 : i32
        %dma_wait3A_156 = arith.constant 0 : i32
        %dma_wait3A_157 = tpu.memref_slice %arg8[%dma_wait3A_155, %dma_wait3A_156] : memref<10240x128xf32, #tpu.memory_space<vmem_shared>> -> memref<10240x128xf32, #tpu.memory_space<vmem_shared>>
        tpu.wait_indirect_dma semaphore(%run_scoped3A_137 : memref<!tpu.dma_semaphore, #tpu.memory_space<semaphore_mem>>) src(%dma_wait3A_151 : memref<128x128xf32, #tpu.memory_space<vmem>>) dst(%dma_wait3A_157 : memref<10240x128xf32, #tpu.memory_space<vmem_shared>>)
        tpu.yield
      }) : () -> ()
    }
    %scan3A_23 = arith.constant 39 : i32
    %add3A_24 = arith.constant 80 : i32
    %add3A_25 = arith.addi %mul3A_2, %add3A_24 : i32
    %sub3A = arith.constant 1 : i32
    %sub3A_26 = arith.subi %add3A_25, %sub3A : i32
    %run_scoped3A_27 = arith.constant 1 : i32
    "tpu.region"() ({
      %run_scoped3A_70 = tpu.sem_alloc : memref<!tpu.dma_semaphore, #tpu.memory_space<semaphore_mem>>
      %dma_start3A_71 = arith.constant 0 : i32
      %dma_start3A_72 = arith.constant 0 : i32
      %dma_start3A_73 = tpu.memref_slice %arg6[%run_scoped3A_27, %dma_start3A_71, %dma_start3A_72] : memref<2x2x128xi32, #tpu.memory_space<vmem>> -> memref<1x2x128xi32, #tpu.memory_space<vmem>>
      %dma_start3A_74 = tpu.memref_squeeze %dma_start3A_73 : memref<1x2x128xi32, #tpu.memory_space<vmem>> -> memref<2x128xi32, #tpu.memory_space<vmem>>
      %dma_start3A_75 = arith.constant 0 : i32
      %dma_start3A_76 = arith.constant 0 : i32
      %dma_start3A_77 = tpu.memref_slice %arg3[%sub3A_26, %dma_start3A_75, %dma_start3A_76] : memref<2560x2x128xi32, #tpu.memory_space<hbm>> -> memref<1x2x128xi32, #tpu.memory_space<hbm>>
      %dma_start3A_78 = tpu.memref_squeeze %dma_start3A_77 : memref<1x2x128xi32, #tpu.memory_space<hbm>> -> memref<2x128xi32, #tpu.memory_space<hbm>>
      %dma_start3A_79 = arith.constant 0 : i32
      %dma_start3A_80 = arith.constant 0 : i32
      %dma_start3A_81 = tpu.memref_slice %arg6[%run_scoped3A_27, %dma_start3A_79, %dma_start3A_80] : memref<2x2x128xi32, #tpu.memory_space<vmem>> -> memref<1x2x128xi32, #tpu.memory_space<vmem>>
      %dma_start3A_82 = tpu.memref_squeeze %dma_start3A_81 : memref<1x2x128xi32, #tpu.memory_space<vmem>> -> memref<2x128xi32, #tpu.memory_space<vmem>>
      %dma_start3A_83 = arith.constant 0 : i32
      %dma_start3A_84 = arith.constant 0 : i32
      %dma_start3A_85 = tpu.memref_slice %arg3[%sub3A_26, %dma_start3A_83, %dma_start3A_84] : memref<2560x2x128xi32, #tpu.memory_space<hbm>> -> memref<1x2x128xi32, #tpu.memory_space<hbm>>
      %dma_start3A_86 = tpu.memref_squeeze %dma_start3A_85 : memref<1x2x128xi32, #tpu.memory_space<hbm>> -> memref<2x128xi32, #tpu.memory_space<hbm>>
      tpu.enqueue_dma source(%dma_start3A_86 : memref<2x128xi32, #tpu.memory_space<hbm>>) target(%dma_start3A_82 : memref<2x128xi32, #tpu.memory_space<vmem>>) target_semaphore(%run_scoped3A_70 : memref<!tpu.dma_semaphore, #tpu.memory_space<semaphore_mem>>)
      %dma_wait3A_87 = arith.constant 0 : i32
      %dma_wait3A_88 = arith.constant 0 : i32
      %dma_wait3A_89 = tpu.memref_slice %arg6[%run_scoped3A_27, %dma_wait3A_87, %dma_wait3A_88] : memref<2x2x128xi32, #tpu.memory_space<vmem>> -> memref<1x2x128xi32, #tpu.memory_space<vmem>>
      %dma_wait3A_90 = tpu.memref_squeeze %dma_wait3A_89 : memref<1x2x128xi32, #tpu.memory_space<vmem>> -> memref<2x128xi32, #tpu.memory_space<vmem>>
      %dma_wait3A_91 = arith.constant 0 : i32
      %dma_wait3A_92 = arith.constant 0 : i32
      %dma_wait3A_93 = tpu.memref_slice %arg3[%sub3A_26, %dma_wait3A_91, %dma_wait3A_92] : memref<2560x2x128xi32, #tpu.memory_space<hbm>> -> memref<1x2x128xi32, #tpu.memory_space<hbm>>
      %dma_wait3A_94 = tpu.memref_squeeze %dma_wait3A_93 : memref<1x2x128xi32, #tpu.memory_space<hbm>> -> memref<2x128xi32, #tpu.memory_space<hbm>>
      %dma_wait3A_95 = arith.constant 0 : i32
      %dma_wait3A_96 = arith.constant 0 : i32
      %dma_wait3A_97 = tpu.memref_slice %arg6[%run_scoped3A_27, %dma_wait3A_95, %dma_wait3A_96] : memref<2x2x128xi32, #tpu.memory_space<vmem>> -> memref<1x2x128xi32, #tpu.memory_space<vmem>>
      %dma_wait3A_98 = tpu.memref_squeeze %dma_wait3A_97 : memref<1x2x128xi32, #tpu.memory_space<vmem>> -> memref<2x128xi32, #tpu.memory_space<vmem>>
      %dma_wait3A_99 = arith.constant 0 : i32
      %dma_wait3A_100 = arith.constant 0 : i32
      %dma_wait3A_101 = tpu.memref_slice %arg3[%sub3A_26, %dma_wait3A_99, %dma_wait3A_100] : memref<2560x2x128xi32, #tpu.memory_space<hbm>> -> memref<1x2x128xi32, #tpu.memory_space<hbm>>
      %dma_wait3A_102 = tpu.memref_squeeze %dma_wait3A_101 : memref<1x2x128xi32, #tpu.memory_space<hbm>> -> memref<2x128xi32, #tpu.memory_space<hbm>>
      tpu.wait_dma2 semaphore(%run_scoped3A_70 : memref<!tpu.dma_semaphore, #tpu.memory_space<semaphore_mem>>) src(%dma_wait3A_102 : memref<2x128xi32, #tpu.memory_space<hbm>>) dst(%dma_wait3A_98 : memref<2x128xi32, #tpu.memory_space<vmem>>)
      tpu.yield
    }) : () -> ()
    %dma_start3A_28 = arith.constant 1 : i32
    %dma_start3A_29 = arith.constant 0 : i32
    %dma_start3A_30 = arith.constant 1 : i32
    %dma_start3A_31 = arith.constant 0 : i32
    %dma_start3A_32 = arith.constant 0 : i32
    %dma_start3A_33 = tpu.memref_slice %arg7[%dma_start3A_30, %dma_start3A_31, %dma_start3A_32] : memref<2x128x128xf32, #tpu.memory_space<vmem>> -> memref<1x128x128xf32, #tpu.memory_space<vmem>>
    %dma_start3A_34 = tpu.memref_squeeze %dma_start3A_33 : memref<1x128x128xf32, #tpu.memory_space<vmem>> -> memref<128x128xf32, #tpu.memory_space<vmem>>
    %dma_start3A_35 = arith.constant 0 : i32
    %dma_start3A_36 = tpu.memref_slice %arg6[%dma_start3A_28, %dma_start3A_29, %dma_start3A_35] : memref<2x2x128xi32, #tpu.memory_space<vmem>> -> memref<1x1x128xi32, #tpu.memory_space<vmem>>
    %dma_start3A_37 = tpu.memref_squeeze %dma_start3A_36 : memref<1x1x128xi32, #tpu.memory_space<vmem>> -> memref<128xi32, #tpu.memory_space<vmem>>
    %dma_start3A_38 = arith.constant 0 : i32
    %dma_start3A_39 = arith.constant 0 : i32
    %dma_start3A_40 = tpu.memref_slice %arg2[%dma_start3A_38, %dma_start3A_39] : memref<10240x128xf32, #tpu.memory_space<hbm>> -> memref<10240x128xf32, #tpu.memory_space<hbm>>
    tpu.enqueue_indirect_dma source(%dma_start3A_40 : memref<10240x128xf32, #tpu.memory_space<hbm>>) target(%dma_start3A_34 : memref<128x128xf32, #tpu.memory_space<vmem>>) offsets(%dma_start3A_37 : memref<128xi32, #tpu.memory_space<vmem>>) semaphore(%arg10 : memref<!tpu.dma_semaphore, #tpu.memory_space<semaphore_mem>>)
    %dma_wait3A = arith.constant 0 : i32
    %dma_wait3A_41 = arith.constant 0 : i32
    %dma_wait3A_42 = arith.constant 0 : i32
    %dma_wait3A_43 = tpu.memref_slice %arg7[%dma_wait3A, %dma_wait3A_41, %dma_wait3A_42] : memref<2x128x128xf32, #tpu.memory_space<vmem>> -> memref<1x128x128xf32, #tpu.memory_space<vmem>>
    %dma_wait3A_44 = tpu.memref_squeeze %dma_wait3A_43 : memref<1x128x128xf32, #tpu.memory_space<vmem>> -> memref<128x128xf32, #tpu.memory_space<vmem>>
    %dma_wait3A_45 = arith.constant 0 : i32
    %dma_wait3A_46 = arith.constant 0 : i32
    %dma_wait3A_47 = tpu.memref_slice %arg7[%dma_wait3A, %dma_wait3A_45, %dma_wait3A_46] : memref<2x128x128xf32, #tpu.memory_space<vmem>> -> memref<1x128x128xf32, #tpu.memory_space<vmem>>
    %dma_wait3A_48 = tpu.memref_squeeze %dma_wait3A_47 : memref<1x128x128xf32, #tpu.memory_space<vmem>> -> memref<128x128xf32, #tpu.memory_space<vmem>>
    tpu.wait_dma2 semaphore(%arg9 : memref<!tpu.dma_semaphore, #tpu.memory_space<semaphore_mem>>) src(%arg4 : memref<128x128xf32, #tpu.memory_space<hbm>>) dst(%dma_wait3A_48 : memref<128x128xf32, #tpu.memory_space<vmem>>)
    %run_scoped3A_49 = arith.constant 0 : i32
    %run_scoped3A_50 = arith.constant 0 : i32
    %run_scoped3A_51 = arith.constant 1 : i32
    "tpu.region"() ({
      %run_scoped3A_70 = tpu.sem_alloc : memref<!tpu.dma_semaphore, #tpu.memory_space<semaphore_mem>>
      %dma_start3A_71 = arith.constant 0 : i32
      %dma_start3A_72 = arith.constant 0 : i32
      %dma_start3A_73 = tpu.memref_slice %arg7[%run_scoped3A_49, %dma_start3A_71, %dma_start3A_72] : memref<2x128x128xf32, #tpu.memory_space<vmem>> -> memref<1x128x128xf32, #tpu.memory_space<vmem>>
      %dma_start3A_74 = tpu.memref_squeeze %dma_start3A_73 : memref<1x128x128xf32, #tpu.memory_space<vmem>> -> memref<128x128xf32, #tpu.memory_space<vmem>>
      %dma_start3A_75 = arith.constant 0 : i32
      %dma_start3A_76 = tpu.memref_slice %arg6[%run_scoped3A_50, %run_scoped3A_51, %dma_start3A_75] : memref<2x2x128xi32, #tpu.memory_space<vmem>> -> memref<1x1x128xi32, #tpu.memory_space<vmem>>
      %dma_start3A_77 = tpu.memref_squeeze %dma_start3A_76 : memref<1x1x128xi32, #tpu.memory_space<vmem>> -> memref<128xi32, #tpu.memory_space<vmem>>
      %dma_start3A_78 = arith.constant 0 : i32
      %dma_start3A_79 = arith.constant 0 : i32
      %dma_start3A_80 = tpu.memref_slice %arg8[%dma_start3A_78, %dma_start3A_79] : memref<10240x128xf32, #tpu.memory_space<vmem_shared>> -> memref<10240x128xf32, #tpu.memory_space<vmem_shared>>
      tpu.enqueue_indirect_dma source(%dma_start3A_74 : memref<128x128xf32, #tpu.memory_space<vmem>>) target(%dma_start3A_80 : memref<10240x128xf32, #tpu.memory_space<vmem_shared>>) offsets(%dma_start3A_77 : memref<128xi32, #tpu.memory_space<vmem>>) semaphore(%run_scoped3A_70 : memref<!tpu.dma_semaphore, #tpu.memory_space<semaphore_mem>>) {add = true}
      %dma_wait3A_81 = arith.constant 0 : i32
      %dma_wait3A_82 = arith.constant 0 : i32
      %dma_wait3A_83 = tpu.memref_slice %arg7[%run_scoped3A_49, %dma_wait3A_81, %dma_wait3A_82] : memref<2x128x128xf32, #tpu.memory_space<vmem>> -> memref<1x128x128xf32, #tpu.memory_space<vmem>>
      %dma_wait3A_84 = tpu.memref_squeeze %dma_wait3A_83 : memref<1x128x128xf32, #tpu.memory_space<vmem>> -> memref<128x128xf32, #tpu.memory_space<vmem>>
      %dma_wait3A_85 = arith.constant 0 : i32
      %dma_wait3A_86 = tpu.memref_slice %arg6[%run_scoped3A_50, %run_scoped3A_51, %dma_wait3A_85] : memref<2x2x128xi32, #tpu.memory_space<vmem>> -> memref<1x1x128xi32, #tpu.memory_space<vmem>>
      %dma_wait3A_87 = tpu.memref_squeeze %dma_wait3A_86 : memref<1x1x128xi32, #tpu.memory_space<vmem>> -> memref<128xi32, #tpu.memory_space<vmem>>
      %dma_wait3A_88 = arith.constant 0 : i32
      %dma_wait3A_89 = arith.constant 0 : i32
      %dma_wait3A_90 = tpu.memref_slice %arg8[%dma_wait3A_88, %dma_wait3A_89] : memref<10240x128xf32, #tpu.memory_space<vmem_shared>> -> memref<10240x128xf32, #tpu.memory_space<vmem_shared>>
      tpu.wait_indirect_dma semaphore(%run_scoped3A_70 : memref<!tpu.dma_semaphore, #tpu.memory_space<semaphore_mem>>) src(%dma_wait3A_84 : memref<128x128xf32, #tpu.memory_space<vmem>>) dst(%dma_wait3A_90 : memref<10240x128xf32, #tpu.memory_space<vmem_shared>>)
      tpu.yield
    }) : () -> ()
    %dma_wait3A_52 = arith.constant 1 : i32
    %dma_wait3A_53 = arith.constant 0 : i32
    %dma_wait3A_54 = arith.constant 0 : i32
    %dma_wait3A_55 = tpu.memref_slice %arg7[%dma_wait3A_52, %dma_wait3A_53, %dma_wait3A_54] : memref<2x128x128xf32, #tpu.memory_space<vmem>> -> memref<1x128x128xf32, #tpu.memory_space<vmem>>
    %dma_wait3A_56 = tpu.memref_squeeze %dma_wait3A_55 : memref<1x128x128xf32, #tpu.memory_space<vmem>> -> memref<128x128xf32, #tpu.memory_space<vmem>>
    %dma_wait3A_57 = arith.constant 0 : i32
    %dma_wait3A_58 = arith.constant 0 : i32
    %dma_wait3A_59 = tpu.memref_slice %arg7[%dma_wait3A_52, %dma_wait3A_57, %dma_wait3A_58] : memref<2x128x128xf32, #tpu.memory_space<vmem>> -> memref<1x128x128xf32, #tpu.memory_space<vmem>>
    %dma_wait3A_60 = tpu.memref_squeeze %dma_wait3A_59 : memref<1x128x128xf32, #tpu.memory_space<vmem>> -> memref<128x128xf32, #tpu.memory_space<vmem>>
    tpu.wait_dma2 semaphore(%arg10 : memref<!tpu.dma_semaphore, #tpu.memory_space<semaphore_mem>>) src(%arg4 : memref<128x128xf32, #tpu.memory_space<hbm>>) dst(%dma_wait3A_60 : memref<128x128xf32, #tpu.memory_space<vmem>>)
    %run_scoped3A_61 = arith.constant 1 : i32
    %run_scoped3A_62 = arith.constant 1 : i32
    %run_scoped3A_63 = arith.constant 1 : i32
    "tpu.region"() ({
      %run_scoped3A_70 = tpu.sem_alloc : memref<!tpu.dma_semaphore, #tpu.memory_space<semaphore_mem>>
      %dma_start3A_71 = arith.constant 0 : i32
      %dma_start3A_72 = arith.constant 0 : i32
      %dma_start3A_73 = tpu.memref_slice %arg7[%run_scoped3A_61, %dma_start3A_71, %dma_start3A_72] : memref<2x128x128xf32, #tpu.memory_space<vmem>> -> memref<1x128x128xf32, #tpu.memory_space<vmem>>
      %dma_start3A_74 = tpu.memref_squeeze %dma_start3A_73 : memref<1x128x128xf32, #tpu.memory_space<vmem>> -> memref<128x128xf32, #tpu.memory_space<vmem>>
      %dma_start3A_75 = arith.constant 0 : i32
      %dma_start3A_76 = tpu.memref_slice %arg6[%run_scoped3A_62, %run_scoped3A_63, %dma_start3A_75] : memref<2x2x128xi32, #tpu.memory_space<vmem>> -> memref<1x1x128xi32, #tpu.memory_space<vmem>>
      %dma_start3A_77 = tpu.memref_squeeze %dma_start3A_76 : memref<1x1x128xi32, #tpu.memory_space<vmem>> -> memref<128xi32, #tpu.memory_space<vmem>>
      %dma_start3A_78 = arith.constant 0 : i32
      %dma_start3A_79 = arith.constant 0 : i32
      %dma_start3A_80 = tpu.memref_slice %arg8[%dma_start3A_78, %dma_start3A_79] : memref<10240x128xf32, #tpu.memory_space<vmem_shared>> -> memref<10240x128xf32, #tpu.memory_space<vmem_shared>>
      tpu.enqueue_indirect_dma source(%dma_start3A_74 : memref<128x128xf32, #tpu.memory_space<vmem>>) target(%dma_start3A_80 : memref<10240x128xf32, #tpu.memory_space<vmem_shared>>) offsets(%dma_start3A_77 : memref<128xi32, #tpu.memory_space<vmem>>) semaphore(%run_scoped3A_70 : memref<!tpu.dma_semaphore, #tpu.memory_space<semaphore_mem>>) {add = true}
      %dma_wait3A_81 = arith.constant 0 : i32
      %dma_wait3A_82 = arith.constant 0 : i32
      %dma_wait3A_83 = tpu.memref_slice %arg7[%run_scoped3A_61, %dma_wait3A_81, %dma_wait3A_82] : memref<2x128x128xf32, #tpu.memory_space<vmem>> -> memref<1x128x128xf32, #tpu.memory_space<vmem>>
      %dma_wait3A_84 = tpu.memref_squeeze %dma_wait3A_83 : memref<1x128x128xf32, #tpu.memory_space<vmem>> -> memref<128x128xf32, #tpu.memory_space<vmem>>
      %dma_wait3A_85 = arith.constant 0 : i32
      %dma_wait3A_86 = tpu.memref_slice %arg6[%run_scoped3A_62, %run_scoped3A_63, %dma_wait3A_85] : memref<2x2x128xi32, #tpu.memory_space<vmem>> -> memref<1x1x128xi32, #tpu.memory_space<vmem>>
      %dma_wait3A_87 = tpu.memref_squeeze %dma_wait3A_86 : memref<1x1x128xi32, #tpu.memory_space<vmem>> -> memref<128xi32, #tpu.memory_space<vmem>>
      %dma_wait3A_88 = arith.constant 0 : i32
      %dma_wait3A_89 = arith.constant 0 : i32
      %dma_wait3A_90 = tpu.memref_slice %arg8[%dma_wait3A_88, %dma_wait3A_89] : memref<10240x128xf32, #tpu.memory_space<vmem_shared>> -> memref<10240x128xf32, #tpu.memory_space<vmem_shared>>
      tpu.wait_indirect_dma semaphore(%run_scoped3A_70 : memref<!tpu.dma_semaphore, #tpu.memory_space<semaphore_mem>>) src(%dma_wait3A_84 : memref<128x128xf32, #tpu.memory_space<vmem>>) dst(%dma_wait3A_90 : memref<10240x128xf32, #tpu.memory_space<vmem_shared>>)
      tpu.yield
    }) : () -> ()
    %barrier3A_64 = arith.constant 0 : index
    tpu.barrier barrier_id(%barrier3A_64)
    %scan3A_65 = arith.constant 0 : i32
    %scan3A_66 = arith.constant 5 : i32
    %scan3A_67 = arith.addi %scan3A_65, %scan3A_66 : i32
    %scan3A_68 = arith.constant 1 : i32
    scf.for %scan3A_70 = %scan3A_65 to %scan3A_67 step %scan3A_68  : i32 {
      %mul3A_71 = arith.constant 1 : i32
      %mul3A_72 = arith.muli %scan3A_70, %mul3A_71 : i32
      %add3A_73 = arith.constant 0 : i32
      %add3A_74 = arith.addi %add3A_73, %mul3A_72 : i32
      %mul3A_75 = arith.constant 640 : i32
      %mul3A_76 = arith.muli %arg1, %mul3A_75 : i32
      %mul3A_77 = arith.constant 128 : i32
      %mul3A_78 = arith.muli %add3A_74, %mul3A_77 : i32
      %add3A_79 = arith.addi %mul3A_76, %mul3A_78 : i32
      "tpu.region"() ({
        %run_scoped3A_80 = tpu.sem_alloc : memref<!tpu.dma_semaphore, #tpu.memory_space<semaphore_mem>>
        %dma_start3A_81 = arith.constant 0 : i32
        %dma_start3A_82 = tpu.memref_slice %arg5[%arg0, %add3A_79, %dma_start3A_81] : memref<2x10240x128xf32, #tpu.memory_space<hbm>> -> memref<1x128x128xf32, #tpu.memory_space<hbm>>
        %dma_start3A_83 = tpu.memref_squeeze %dma_start3A_82 : memref<1x128x128xf32, #tpu.memory_space<hbm>> -> memref<128x128xf32, #tpu.memory_space<hbm>>
        %dma_start3A_84 = arith.constant 0 : i32
        %dma_start3A_85 = tpu.memref_slice %arg8[%add3A_79, %dma_start3A_84] : memref<10240x128xf32, #tpu.memory_space<vmem_shared>> -> memref<128x128xf32, #tpu.memory_space<vmem_shared>>
        tpu.enqueue_dma source(%dma_start3A_85 : memref<128x128xf32, #tpu.memory_space<vmem_shared>>) target(%dma_start3A_83 : memref<128x128xf32, #tpu.memory_space<hbm>>) target_semaphore(%run_scoped3A_80 : memref<!tpu.dma_semaphore, #tpu.memory_space<semaphore_mem>>)
        %dma_wait3A_86 = arith.constant 0 : i32
        %dma_wait3A_87 = tpu.memref_slice %arg5[%arg0, %add3A_79, %dma_wait3A_86] : memref<2x10240x128xf32, #tpu.memory_space<hbm>> -> memref<1x128x128xf32, #tpu.memory_space<hbm>>
        %dma_wait3A_88 = tpu.memref_squeeze %dma_wait3A_87 : memref<1x128x128xf32, #tpu.memory_space<hbm>> -> memref<128x128xf32, #tpu.memory_space<hbm>>
        %dma_wait3A_89 = arith.constant 0 : i32
        %dma_wait3A_90 = tpu.memref_slice %arg8[%add3A_79, %dma_wait3A_89] : memref<10240x128xf32, #tpu.memory_space<vmem_shared>> -> memref<128x128xf32, #tpu.memory_space<vmem_shared>>
        tpu.wait_dma2 semaphore(%run_scoped3A_80 : memref<!tpu.dma_semaphore, #tpu.memory_space<semaphore_mem>>) src(%dma_wait3A_90 : memref<128x128xf32, #tpu.memory_space<vmem_shared>>) dst(%dma_wait3A_88 : memref<128x128xf32, #tpu.memory_space<hbm>>)
        tpu.yield
      }) : () -> ()
    }
    %scan3A_69 = arith.constant 5 : i32
    return
  }
}

module attributes {stable_mosaic.version = 14 : i64} {
  func.func @body(%arg0: i32, %arg1: memref<512x16xf32, #tpu.memory_space<vmem>>, %arg2: memref<512x16xf32, #tpu.memory_space<vmem>>, %arg3: memref<512x128xf32, #tpu.memory_space<vmem>>, %arg4: memref<512x1xf32, #tpu.memory_space<vmem>>, %arg5: memref<512x128xf32, #tpu.memory_space<vmem>>) attributes {dimension_semantics = [#tpu.dimension_semantics<arbitrary>], iteration_bounds = array<i64: 20>, scalar_prefetch = 0 : i64, scratch_operands = 0 : i64, tpu.core_type = #tpu.core_type<tc>, window_params = [{transform_indices = @transform_0, window_bounds = array<i64: 512, 16>}, {transform_indices = @transform_1, window_bounds = array<i64: 512, 16>}, {transform_indices = @transform_2, window_bounds = array<i64: 512, 128>}, {transform_indices = @transform_3, window_bounds = array<i64: 512, 1>}, {transform_indices = @transform_4, window_bounds = array<i64: 512, 128>}]} {
    %get3A = arith.constant 0 : index
    %get3A_0 = arith.constant 0 : index
    %get3A_1 = vector.load %arg1[%get3A, %get3A_0] : memref<512x16xf32, #tpu.memory_space<vmem>>, vector<512x1xf32>
    %get3A_2 = arith.constant 0 : index
    %get3A_3 = arith.constant 0 : index
    %get3A_4 = vector.load %arg2[%get3A_2, %get3A_3] : memref<512x16xf32, #tpu.memory_space<vmem>>, vector<512x1xf32>
    %add3A = arith.addf %get3A_1, %get3A_4 : vector<512x1xf32>
    %add3A_5 = arith.constant 1.000000e+00 : f32
    %add3A_6 = vector.broadcast %add3A_5 : f32 to vector<512x1xf32>
    %add3A_7 = arith.addf %add3A, %add3A_6 : vector<512x1xf32>
    %rsqrt3A = math.rsqrt %add3A_7 : vector<512x1xf32>
    %get3A_8 = arith.constant 0 : index
    %get3A_9 = arith.constant 0 : index
    %get3A_10 = vector.load %arg4[%get3A_8, %get3A_9] : memref<512x1xf32, #tpu.memory_space<vmem>>, vector<512x1xf32>
    %gt3A = arith.constant 0.000000e+00 : f32
    %gt3A_11 = vector.broadcast %gt3A : f32 to vector<512x1xf32>
    %gt3A_12 = arith.cmpf ogt, %get3A_10, %gt3A_11 : vector<512x1xf32>
    %jit3A = arith.constant 0.216395348 : f32
    %jit3A_13 = arith.constant 1.000000e+00 : f32
    %broadcast_in_dim3A = vector.broadcast %jit3A : f32 to vector<512x1xf32>
    %broadcast_in_dim3A_14 = vector.broadcast %jit3A_13 : f32 to vector<512x1xf32>
    %select_n3A = arith.select %gt3A_12, %broadcast_in_dim3A, %broadcast_in_dim3A_14 : vector<512x1xi1>, vector<512x1xf32>
    %gt3A_15 = arith.constant 0.000000e+00 : f32
    %gt3A_16 = vector.broadcast %gt3A_15 : f32 to vector<512x1xf32>
    %gt3A_17 = arith.cmpf ogt, %get3A_10, %gt3A_16 : vector<512x1xf32>
    %jit3A_18 = arith.constant 0.0418023281 : f32
    %jit3A_19 = arith.constant 0.000000e+00 : f32
    %broadcast_in_dim3A_20 = vector.broadcast %jit3A_18 : f32 to vector<512x1xf32>
    %broadcast_in_dim3A_21 = vector.broadcast %jit3A_19 : f32 to vector<512x1xf32>
    %select_n3A_22 = arith.select %gt3A_17, %broadcast_in_dim3A_20, %broadcast_in_dim3A_21 : vector<512x1xi1>, vector<512x1xf32>
    %get3A_23 = arith.constant 0 : index
    %get3A_24 = arith.constant 0 : index
    %get3A_25 = vector.load %arg3[%get3A_23, %get3A_24] : memref<512x128xf32, #tpu.memory_space<vmem>>, vector<512x128xf32>
    %mul3A = vector.broadcast %select_n3A : vector<512x1xf32> to vector<512x128xf32>
    %mul3A_26 = arith.mulf %mul3A, %get3A_25 : vector<512x128xf32>
    %add3A_27 = vector.broadcast %select_n3A_22 : vector<512x1xf32> to vector<512x128xf32>
    %add3A_28 = arith.addf %mul3A_26, %add3A_27 : vector<512x128xf32>
    %mul3A_29 = vector.broadcast %rsqrt3A : vector<512x1xf32> to vector<512x128xf32>
    %mul3A_30 = arith.mulf %mul3A_29, %add3A_28 : vector<512x128xf32>
    %mul3A_31 = arith.constant 512 : i32
    %mul3A_32 = arith.muli %arg0, %mul3A_31 : i32
    %iota3A = tpu.iota {dimensions = array<i32: 0>} : vector<512x128xi32>
    %add3A_33 = vector.broadcast %mul3A_32 : i32 to vector<512x128xi32>
    %add3A_34 = arith.addi %add3A_33, %iota3A : vector<512x128xi32>
    %lt3A = arith.constant 10000 : i32
    %lt3A_35 = vector.broadcast %lt3A : i32 to vector<512x128xi32>
    %lt3A_36 = arith.cmpi slt, %add3A_34, %lt3A_35 : vector<512x128xi32>
    %jit3A_37 = arith.constant 0.000000e+00 : f32
    %broadcast_in_dim3A_38 = vector.broadcast %jit3A_37 : f32 to vector<512x128xf32>
    %select_n3A_39 = arith.select %lt3A_36, %mul3A_30, %broadcast_in_dim3A_38 : vector<512x128xi1>, vector<512x128xf32>
    %swap3A = arith.constant 0 : index
    %swap3A_40 = arith.constant 0 : index
    %swap3A_41 = vector.load %arg5[%swap3A, %swap3A_40] : memref<512x128xf32, #tpu.memory_space<vmem>>, vector<512x128xf32>
    tpu.vector_store %arg5[%swap3A, %swap3A_40], %select_n3A_39 {strides = array<i32>} : memref<512x128xf32, #tpu.memory_space<vmem>>, vector<512x128xf32>,
    return
  }
  func.func @transform_0(%arg0: i32) -> (i32, i32) {
    %c0_i32 = arith.constant 0 : i32
    %c0_i32_0 = arith.constant 0 : i32
    return %arg0, %c0_i32 : i32, i32
  }
  func.func @transform_1(%arg0: i32) -> (i32, i32) {
    %c0_i32 = arith.constant 0 : i32
    %c0_i32_0 = arith.constant 0 : i32
    return %arg0, %c0_i32 : i32, i32
  }
  func.func @transform_2(%arg0: i32) -> (i32, i32) {
    %c0_i32 = arith.constant 0 : i32
    %c0_i32_0 = arith.constant 0 : i32
    return %arg0, %c0_i32 : i32, i32
  }
  func.func @transform_3(%arg0: i32) -> (i32, i32) {
    %c0_i32 = arith.constant 0 : i32
    %c0_i32_0 = arith.constant 0 : i32
    return %arg0, %c0_i32 : i32, i32
  }
  func.func @transform_4(%arg0: i32) -> (i32, i32) {
    %c0_i32 = arith.constant 0 : i32
    %c0_i32_0 = arith.constant 0 : i32
    return %arg0, %c0_i32 : i32, i32
  }
}

module attributes {stable_mosaic.version = 14 : i64} {
  func.func @body(%arg0: i32, %arg1: memref<512x16xf32, #tpu.memory_space<vmem>>, %arg2: memref<512x16xf32, #tpu.memory_space<vmem>>, %arg3: memref<512x128xf32, #tpu.memory_space<vmem>>, %arg4: memref<512x128xf32, #tpu.memory_space<vmem>>, %arg5: memref<512x128xf32, #tpu.memory_space<vmem>>, %arg6: memref<128x128xf32, #tpu.memory_space<vmem>>, %arg7: memref<1x128xf32, #tpu.memory_space<vmem>>, %arg8: memref<128x128xf32, #tpu.memory_space<vmem>>, %arg9: memref<512x128xf32, #tpu.memory_space<vmem>>) attributes {dimension_semantics = [#tpu.dimension_semantics<arbitrary>], iteration_bounds = array<i64: 20>, scalar_prefetch = 0 : i64, scratch_operands = 0 : i64, tpu.core_type = #tpu.core_type<tc>, window_params = [{transform_indices = @transform_0, window_bounds = array<i64: 512, 16>}, {transform_indices = @transform_1, window_bounds = array<i64: 512, 16>}, {transform_indices = @transform_2, window_bounds = array<i64: 512, 128>}, {transform_indices = @transform_3, window_bounds = array<i64: 512, 128>}, {transform_indices = @transform_4, window_bounds = array<i64: 512, 128>}, {pipeline_mode = #tpu.pipeline_mode<synchronous>, transform_indices = @transform_5, window_bounds = array<i64: 128, 128>}, {pipeline_mode = #tpu.pipeline_mode<synchronous>, transform_indices = @transform_6, window_bounds = array<i64: 1, 128>}, {pipeline_mode = #tpu.pipeline_mode<synchronous>, transform_indices = @transform_7, window_bounds = array<i64: 128, 128>}, {transform_indices = @transform_8, window_bounds = array<i64: 512, 128>}]} {
    %get3A = arith.constant 0 : index
    %get3A_0 = arith.constant 0 : index
    %get3A_1 = vector.load %arg1[%get3A, %get3A_0] : memref<512x16xf32, #tpu.memory_space<vmem>>, vector<512x1xf32>
    %get3A_2 = arith.constant 0 : index
    %get3A_3 = arith.constant 0 : index
    %get3A_4 = vector.load %arg2[%get3A_2, %get3A_3] : memref<512x16xf32, #tpu.memory_space<vmem>>, vector<512x1xf32>
    %add3A = arith.addf %get3A_1, %get3A_4 : vector<512x1xf32>
    %add3A_5 = arith.constant 1.000000e+00 : f32
    %add3A_6 = vector.broadcast %add3A_5 : f32 to vector<512x1xf32>
    %add3A_7 = arith.addf %add3A, %add3A_6 : vector<512x1xf32>
    %rsqrt3A = math.rsqrt %add3A_7 : vector<512x1xf32>
    %get3A_8 = arith.constant 0 : index
    %get3A_9 = arith.constant 0 : index
    %get3A_10 = vector.load %arg3[%get3A_8, %get3A_9] : memref<512x128xf32, #tpu.memory_space<vmem>>, vector<512x128xf32>
    %get3A_11 = arith.constant 0 : index
    %get3A_12 = arith.constant 0 : index
    %get3A_13 = vector.load %arg4[%get3A_11, %get3A_12] : memref<512x128xf32, #tpu.memory_space<vmem>>, vector<512x128xf32>
    %add3A_14 = arith.addf %get3A_10, %get3A_13 : vector<512x128xf32>
    %get3A_15 = arith.constant 0 : index
    %get3A_16 = arith.constant 0 : index
    %get3A_17 = vector.load %arg5[%get3A_15, %get3A_16] : memref<512x128xf32, #tpu.memory_space<vmem>>, vector<512x128xf32>
    %add3A_18 = arith.addf %add3A_14, %get3A_17 : vector<512x128xf32>
    %mul3A = vector.broadcast %rsqrt3A : vector<512x1xf32> to vector<512x128xf32>
    %mul3A_19 = arith.mulf %mul3A, %add3A_18 : vector<512x128xf32>
    %get3A_20 = arith.constant 0 : index
    %get3A_21 = arith.constant 0 : index
    %get3A_22 = vector.load %arg6[%get3A_20, %get3A_21] : memref<128x128xf32, #tpu.memory_space<vmem>>, vector<128x128xf32>
    %dot_general3A = arith.constant dense<0.000000e+00> : vector<512x128xf32>
    %dot_general3A_23 = tpu.matmul %mul3A_19, %get3A_22, %dot_general3A {dimension_numbers = #tpu.dot_dimension_numbers<[1], [1], [0], [0], [0, 0, 1, 0], [], []>, transpose_lhs_hint = false} : vector<512x128xf32>, vector<128x128xf32>, vector<512x128xf32> -> vector<512x128xf32>
    %get3A_24 = arith.constant 0 : index
    %get3A_25 = arith.constant 0 : index
    %get3A_26 = vector.load %arg7[%get3A_24, %get3A_25] : memref<1x128xf32, #tpu.memory_space<vmem>>, vector<1x128xf32>
    %add3A_27 = vector.broadcast %get3A_26 : vector<1x128xf32> to vector<512x128xf32>
    %add3A_28 = arith.addf %dot_general3A_23, %add3A_27 : vector<512x128xf32>
    %max3A = arith.constant 0.000000e+00 : f32
    %max3A_29 = vector.broadcast %max3A : f32 to vector<512x128xf32>
    %max3A_30 = arith.maximumf %add3A_28, %max3A_29 : vector<512x128xf32>
    %get3A_31 = arith.constant 0 : index
    %get3A_32 = arith.constant 0 : index
    %get3A_33 = vector.load %arg8[%get3A_31, %get3A_32] : memref<128x128xf32, #tpu.memory_space<vmem>>, vector<128x128xf32>
    %dot_general3A_34 = arith.constant dense<0.000000e+00> : vector<512x128xf32>
    %dot_general3A_35 = tpu.matmul %max3A_30, %get3A_33, %dot_general3A_34 {dimension_numbers = #tpu.dot_dimension_numbers<[1], [1], [0], [0], [0, 0, 1, 0], [], []>, transpose_lhs_hint = false} : vector<512x128xf32>, vector<128x128xf32>, vector<512x128xf32> -> vector<512x128xf32>
    %mul3A_36 = arith.constant 512 : i32
    %mul3A_37 = arith.muli %arg0, %mul3A_36 : i32
    %iota3A = tpu.iota {dimensions = array<i32: 0>} : vector<512x128xi32>
    %add3A_38 = vector.broadcast %mul3A_37 : i32 to vector<512x128xi32>
    %add3A_39 = arith.addi %add3A_38, %iota3A : vector<512x128xi32>
    %lt3A = arith.constant 10000 : i32
    %lt3A_40 = vector.broadcast %lt3A : i32 to vector<512x128xi32>
    %lt3A_41 = arith.cmpi slt, %add3A_39, %lt3A_40 : vector<512x128xi32>
    %mul3A_42 = vector.broadcast %rsqrt3A : vector<512x1xf32> to vector<512x128xf32>
    %mul3A_43 = arith.mulf %mul3A_42, %dot_general3A_35 : vector<512x128xf32>
    %jit3A = arith.constant 0.000000e+00 : f32
    %broadcast_in_dim3A = vector.broadcast %jit3A : f32 to vector<512x128xf32>
    %select_n3A = arith.select %lt3A_41, %mul3A_43, %broadcast_in_dim3A : vector<512x128xi1>, vector<512x128xf32>
    %swap3A = arith.constant 0 : index
    %swap3A_44 = arith.constant 0 : index
    %swap3A_45 = vector.load %arg9[%swap3A, %swap3A_44] : memref<512x128xf32, #tpu.memory_space<vmem>>, vector<512x128xf32>
    tpu.vector_store %arg9[%swap3A, %swap3A_44], %select_n3A {strides = array<i32>} : memref<512x128xf32, #tpu.memory_space<vmem>>, vector<512x128xf32>,
    return
  }
  func.func @transform_0(%arg0: i32) -> (i32, i32) {
    %c0_i32 = arith.constant 0 : i32
    %c0_i32_0 = arith.constant 0 : i32
    return %arg0, %c0_i32 : i32, i32
  }
  func.func @transform_1(%arg0: i32) -> (i32, i32) {
    %c0_i32 = arith.constant 0 : i32
    %c0_i32_0 = arith.constant 0 : i32
    return %arg0, %c0_i32 : i32, i32
  }
  func.func @transform_2(%arg0: i32) -> (i32, i32) {
    %c0_i32 = arith.constant 0 : i32
    %c0_i32_0 = arith.constant 0 : i32
    return %arg0, %c0_i32 : i32, i32
  }
  func.func @transform_3(%arg0: i32) -> (i32, i32) {
    %c0_i32 = arith.constant 0 : i32
    %c0_i32_0 = arith.constant 0 : i32
    return %arg0, %c0_i32 : i32, i32
  }
  func.func @transform_4(%arg0: i32) -> (i32, i32) {
    %c0_i32 = arith.constant 0 : i32
    %c0_i32_0 = arith.constant 0 : i32
    return %arg0, %c0_i32 : i32, i32
  }
  func.func @transform_5(%arg0: i32) -> (i32, i32) {
    %c0_i32 = arith.constant 0 : i32
    %c0_i32_0 = arith.constant 0 : i32
    %c0_i32_1 = arith.constant 0 : i32
    return %c0_i32, %c0_i32_0 : i32, i32
  }
  func.func @transform_6(%arg0: i32) -> (i32, i32) {
    %c0_i32 = arith.constant 0 : i32
    %c0_i32_0 = arith.constant 0 : i32
    %c0_i32_1 = arith.constant 0 : i32
    return %c0_i32, %c0_i32_0 : i32, i32
  }
  func.func @transform_7(%arg0: i32) -> (i32, i32) {
    %c0_i32 = arith.constant 0 : i32
    %c0_i32_0 = arith.constant 0 : i32
    %c0_i32_1 = arith.constant 0 : i32
    return %c0_i32, %c0_i32_0 : i32, i32
  }
  func.func @transform_8(%arg0: i32) -> (i32, i32) {
    %c0_i32 = arith.constant 0 : i32
    %c0_i32_0 = arith.constant 0 : i32
    return %arg0, %c0_i32 : i32, i32
  }
}

module attributes {stable_mosaic.version = 14 : i64} {
  func.func @body(%arg0: i32, %arg1: memref<512x16xf32, #tpu.memory_space<vmem>>, %arg2: memref<512x16xf32, #tpu.memory_space<vmem>>, %arg3: memref<512x128xf32, #tpu.memory_space<vmem>>, %arg4: memref<512x128xf32, #tpu.memory_space<vmem>>, %arg5: memref<512x128xf32, #tpu.memory_space<vmem>>, %arg6: memref<1x128xf32, #tpu.memory_space<vmem>>, %arg7: memref<512x128xf32, #tpu.memory_space<vmem>>) attributes {dimension_semantics = [#tpu.dimension_semantics<arbitrary>], iteration_bounds = array<i64: 20>, scalar_prefetch = 0 : i64, scratch_operands = 0 : i64, tpu.core_type = #tpu.core_type<tc>, window_params = [{transform_indices = @transform_0, window_bounds = array<i64: 512, 16>}, {transform_indices = @transform_1, window_bounds = array<i64: 512, 16>}, {transform_indices = @transform_2, window_bounds = array<i64: 512, 128>}, {transform_indices = @transform_3, window_bounds = array<i64: 512, 128>}, {transform_indices = @transform_4, window_bounds = array<i64: 512, 128>}, {pipeline_mode = #tpu.pipeline_mode<synchronous>, transform_indices = @transform_5, window_bounds = array<i64: 1, 128>}, {transform_indices = @transform_6, window_bounds = array<i64: 512, 128>}]} {
    %get3A = arith.constant 0 : index
    %get3A_0 = arith.constant 0 : index
    %get3A_1 = vector.load %arg1[%get3A, %get3A_0] : memref<512x16xf32, #tpu.memory_space<vmem>>, vector<512x1xf32>
    %get3A_2 = arith.constant 0 : index
    %get3A_3 = arith.constant 0 : index
    %get3A_4 = vector.load %arg2[%get3A_2, %get3A_3] : memref<512x16xf32, #tpu.memory_space<vmem>>, vector<512x1xf32>
    %add3A = arith.addf %get3A_1, %get3A_4 : vector<512x1xf32>
    %add3A_5 = arith.constant 1.000000e+00 : f32
    %add3A_6 = vector.broadcast %add3A_5 : f32 to vector<512x1xf32>
    %add3A_7 = arith.addf %add3A, %add3A_6 : vector<512x1xf32>
    %rsqrt3A = math.rsqrt %add3A_7 : vector<512x1xf32>
    %get3A_8 = arith.constant 0 : index
    %get3A_9 = arith.constant 0 : index
    %get3A_10 = vector.load %arg3[%get3A_8, %get3A_9] : memref<512x128xf32, #tpu.memory_space<vmem>>, vector<512x128xf32>
    %get3A_11 = arith.constant 0 : index
    %get3A_12 = arith.constant 0 : index
    %get3A_13 = vector.load %arg4[%get3A_11, %get3A_12] : memref<512x128xf32, #tpu.memory_space<vmem>>, vector<512x128xf32>
    %add3A_14 = arith.addf %get3A_10, %get3A_13 : vector<512x128xf32>
    %get3A_15 = arith.constant 0 : index
    %get3A_16 = arith.constant 0 : index
    %get3A_17 = vector.load %arg5[%get3A_15, %get3A_16] : memref<512x128xf32, #tpu.memory_space<vmem>>, vector<512x128xf32>
    %add3A_18 = arith.addf %add3A_14, %get3A_17 : vector<512x128xf32>
    %mul3A = vector.broadcast %rsqrt3A : vector<512x1xf32> to vector<512x128xf32>
    %mul3A_19 = arith.mulf %mul3A, %add3A_18 : vector<512x128xf32>
    %get3A_20 = arith.constant 0 : index
    %get3A_21 = arith.constant 0 : index
    %get3A_22 = vector.load %arg6[%get3A_20, %get3A_21] : memref<1x128xf32, #tpu.memory_space<vmem>>, vector<1x128xf32>
    %add3A_23 = vector.broadcast %get3A_22 : vector<1x128xf32> to vector<512x128xf32>
    %add3A_24 = arith.addf %mul3A_19, %add3A_23 : vector<512x128xf32>
    %swap3A = arith.constant 0 : index
    %swap3A_25 = arith.constant 0 : index
    %swap3A_26 = vector.load %arg7[%swap3A, %swap3A_25] : memref<512x128xf32, #tpu.memory_space<vmem>>, vector<512x128xf32>
    tpu.vector_store %arg7[%swap3A, %swap3A_25], %add3A_24 {strides = array<i32>} : memref<512x128xf32, #tpu.memory_space<vmem>>, vector<512x128xf32>,
    return
  }
  func.func @transform_0(%arg0: i32) -> (i32, i32) {
    %c0_i32 = arith.constant 0 : i32
    %c0_i32_0 = arith.constant 0 : i32
    return %arg0, %c0_i32 : i32, i32
  }
  func.func @transform_1(%arg0: i32) -> (i32, i32) {
    %c0_i32 = arith.constant 0 : i32
    %c0_i32_0 = arith.constant 0 : i32
    return %arg0, %c0_i32 : i32, i32
  }
  func.func @transform_2(%arg0: i32) -> (i32, i32) {
    %c0_i32 = arith.constant 0 : i32
    %c0_i32_0 = arith.constant 0 : i32
    return %arg0, %c0_i32 : i32, i32
  }
  func.func @transform_3(%arg0: i32) -> (i32, i32) {
    %c0_i32 = arith.constant 0 : i32
    %c0_i32_0 = arith.constant 0 : i32
    return %arg0, %c0_i32 : i32, i32
  }
  func.func @transform_4(%arg0: i32) -> (i32, i32) {
    %c0_i32 = arith.constant 0 : i32
    %c0_i32_0 = arith.constant 0 : i32
    return %arg0, %c0_i32 : i32, i32
  }
  func.func @transform_5(%arg0: i32) -> (i32, i32) {
    %c0_i32 = arith.constant 0 : i32
    %c0_i32_0 = arith.constant 0 : i32
    %c0_i32_1 = arith.constant 0 : i32
    return %c0_i32, %c0_i32_0 : i32, i32
  }
  func.func @transform_6(%arg0: i32) -> (i32, i32) {
    %c0_i32 = arith.constant 0 : i32
    %c0_i32_0 = arith.constant 0 : i32
    return %arg0, %c0_i32 : i32, i32
  }
}

</mosaic_0001>

<sc_bundles>
// kernel: kernel.11.cloned.1.call-start
scs
__scs_entry_jumppad:
0x0: {  	(pc) =	sbr.rel $0x88, $3  }
0x1: {  	(tag) =	ssettag $0x0;
	lr =	simm.s32 $0x1  }
0x2: {  	[smem:$0x3F9A] =	sst lr;
	_ =	strace $0xD0000000  }
0x3: {  	_ = 	snop  }
0x4: {  	_ = 	snop  }
0x5: {  	_ = 	snop  }
0x6: {  	_ = 	snop  }
0x7: {  	_ = 	snop  }
__scs_overlays_trampoline_lowered:
0x8: {  	[smem:$0x3FA9] =	sst s0  }
0x9: {  	[smem:$0x3FAA] =	sst s1  }
0xa: {  	[smem:$0x3FAB] =	sst s2  }
0xb: {  	[smem:$0x3FAC] =	sst s3  }
0xc: {  	[smem:$0x3FAD] =	sst s4  }
0xd: {  	[smem:$0x3FAE] =	sst s5  }
0xe: {  	[smem:$0x3FAF] =	sst s6  }
0xf: {  	[smem:$0x3FB0] =	sst s7  }
0x10: {  	[smem:$0x3FB1] =	sst s8  }
0x11: {  	[smem:$0x3FB2] =	sst s9;
	s0 =	simm.s32 @!p0 $0x0  }
0x12: {  	s1 =	sld [smem:$0x3F98];
	s0 =	simm.s32 @p0 $0x1  }
0x13: {  	[smem:$0x3FB3] =	sst s0;
	s0 =	simm.s32 @!p1 $0x0  }
0x14: {  	s2 =	sld [smem:$0x3F97];
	s0 =	simm.s32 @p1 $0x1  }
0x15: {  	[smem:$0x3FB4] =	sst s0;
	s0 =	simm.s32 @!p2 $0x0  }
0x16: {  	s3 =	sld [smem:$0x3FDB];
	s0 =	simm.s32 @p2 $0x1  }
0x17: {  	s4 =	simm.s32 $0x1BF5;
	[smem:$0x3FB6] =	sst s0  }
0x18: {  	s0 =	sld [smem:$0x3F99];
	_ =	swait.ge [sflag:s4], $0x0  }
0x19: {  	s7 =	sld [smem:$0x3F9A]  }
0x1a: {  	s8 =	sadd.s32 $0xFFFFE003, lr  }
0x1b: {  	s9 =	sadd.s32 $0xFFFFFEF7, lr;
	s5 =	simm.s32 $0xFFFFFFFF;
	p2 =	slt.u32 s8, $0xFFFFF086  }
0x1c: {  	p1 =	slt.u32 s9, $0xF7A;
	s5 =	simm.s32 @!p2 $0x0  }
0x1d: {  	s5 =	simm.s32 @p1 $0x1;
	p0 =	seq.s32 s7, s2  }
0x1e: {  	s7 =	smul.u32 @!p0 $0xF7A, s2;
	p2 =	seq.s32 @!p0 s5, $0x0  }
0x1f: {  	s9 =	smul.u32 $0xF7A, s1;
	s8 =	simm.s32 @!p0 $0x1BF5;
	p2 =	por !p2, p0  }
0x20: {  	[sflag:s8] =	ssyncset.s32 @!p0 $0xFFFFF086;
	s6 =	sadd.s32 @!p0 s3, s7;
	s7 =	simm.s32 @!p0 $0x108  }
0x21: {  	s3 =	sadd.s32 s3, s9;
	s6 =	sadd.s32 @!p0 $0x88, s6;
	s7 =	simm.s32 @p2 $0x1082  }
0x22: {  	[simem:s7], [sflag:s8] =	dma.local @!p0 [hbm:s6], $0xF7A  }
0x23: {  	s9 =	sor.u32 $0xD0000000, s2;
	s6 =	simm.s32 $0x108;
	_ =	swait.ge @!p0 [sflag:s8], $0x0  }
0x24: {  	s3 =	sadd.s32 $0x88, s3;
	s6 =	simm.s32 @!p1 $0x1082;
	[sflag:s4] =	ssyncset.s32 $0xFFFFF086  }
0x25: {  	[simem:s6], [sflag:s4] =	dma.local [hbm:s3], $0xF7A  }
0x26: {  	[smem:$0x3F9A] =	sst s1;
	(tag) =	ssettag s2;
	_ =	strace s9  }
0x27: {  	s1 =	sld [smem:$0x3FAA]  }
0x28: {  	s2 =	sld [smem:$0x3FAB]  }
0x29: {  	s4 =	sld [smem:$0x3FAD]  }
0x2a: {  	p0 =	seq.s32 s5, $0x0;
	s5 =	sld [smem:$0x3FAE]  }
0x2b: {  	s6 =	sld [smem:$0x3FAF]  }
0x2c: {  	s7 =	sld [smem:$0x3FB0]  }
0x2d: {  	s3 =	simm.s32 $0x108;
	s8 =	sld [smem:$0x3FB1]  }
0x2e: {  	s3 =	simm.s32 @!p0 $0x1082;
	s9 =	sld [smem:$0x3FB2]  }
0x2f: {  	lr =	sadd.s32 s0, s3;
	s0 =	sld [smem:$0x3FA9]  }
0x30: {  	s3 =	sld [smem:$0x3FAC]  }
0x31: {  	[smem:$0x3FB5] =	sst s10  }
0x32: {  	s10 =	sld [smem:$0x3FB3];
	_ =	sdelay $0x3  }
0x33: {  	p0 =	seq.s32 s10, $0x1;
	s10 =	sld [smem:$0x3FB5];
	_ =	sdelay $0x3  }
0x34: {  	[smem:$0x3FB5] =	sst s10  }
0x35: {  	s10 =	sld [smem:$0x3FB4];
	_ =	sdelay $0x3  }
0x36: {  	p1 =	seq.s32 s10, $0x1;
	s10 =	sld [smem:$0x3FB5];
	_ =	sdelay $0x3  }
0x37: {  	[smem:$0x3FB5] =	sst s10  }
0x38: {  	s10 =	sld [smem:$0x3FB6]  }
0x39: {  	_ = 	snop;
	(pc) =	sbr.ind lr, $3  }
0x3a: {  	_ = 	snop  }
0x3b: {  	_ = 	snop  }
0x3c: {  	p2 =	seq.s32 s10, $0x1;
	s10 =	sld [smem:$0x3FB5]  }
0x3d: {  	_ =	shalt  }
0x3e: {  	_ =	shalt  }
0x3f: {  	_ =	shalt  }
0x40: {  	_ =	shalt  }
0x41: {  	_ =	shalt  }
0x42: {  	_ =	shalt  }
0x43: {  	_ =	shalt  }
0x44: {  	_ =	shalt  }
0x45: {  	_ =	shalt  }
0x46: {  	_ =	shalt  }
0x47: {  	_ =	shalt  }
0x48: {  	_ =	shalt  }
0x49: {  	_ =	shalt  }
0x4a: {  	_ =	shalt  }
0x4b: {  	_ =	shalt  }
0x4c: {  	_ =	shalt  }
0x4d: {  	_ =	shalt  }
0x4e: {  	_ =	shalt  }
0x4f: {  	_ =	shalt  }
0x50: {  	_ =	shalt  }
0x51: {  	_ =	shalt  }
0x52: {  	_ =	shalt  }
0x53: {  	_ =	shalt  }
0x54: {  	_ =	shalt  }
0x55: {  	_ =	shalt  }
0x56: {  	_ =	shalt  }
0x57: {  	_ =	shalt  }
0x58: {  	_ =	shalt  }
0x59: {  	_ =	shalt  }
0x5a: {  	_ =	shalt  }
0x5b: {  	_ =	shalt  }
0x5c: {  	_ =	shalt  }
0x5d: {  	_ =	shalt  }
0x5e: {  	_ =	shalt  }
0x5f: {  	_ =	shalt  }
0x60: {  	_ =	shalt  }
0x61: {  	_ =	shalt  }
0x62: {  	_ =	shalt  }
0x63: {  	_ =	shalt  }
0x64: {  	_ =	shalt  }
0x65: {  	_ =	shalt  }
0x66: {  	_ =	shalt  }
0x67: {  	_ =	shalt  }
0x68: {  	_ =	shalt  }
0x69: {  	_ =	shalt  }
0x6a: {  	_ =	shalt  }
0x6b: {  	_ =	shalt  }
0x6c: {  	_ =	shalt  }
0x6d: {  	_ =	shalt  }
0x6e: {  	_ =	shalt  }
0x6f: {  	_ =	shalt  }
0x70: {  	_ =	shalt  }
0x71: {  	_ =	shalt  }
0x72: {  	_ =	shalt  }
0x73: {  	_ =	shalt  }
0x74: {  	_ =	shalt  }
0x75: {  	_ =	shalt  }
0x76: {  	_ =	shalt  }
0x77: {  	_ =	shalt  }
0x78: {  	_ =	shalt  }
0x79: {  	_ =	shalt  }
0x7a: {  	_ =	shalt  }
0x7b: {  	_ =	shalt  }
0x7c: {  	_ =	shalt  }
0x7d: {  	_ =	shalt  }
0x7e: {  	_ =	shalt  }
0x7f: {  	_ =	shalt  }
0x80: {  	_ =	shalt  }
0x81: {  	_ =	shalt  }
0x82: {  	_ =	shalt  }
0x83: {  	_ =	shalt  }
0x84: {  	_ =	shalt  }
0x85: {  	_ =	shalt  }
0x86: {  	_ =	shalt  }
0x87: {  	_ =	shalt  }
.Lfunc_end0:
.L_simem_size_0:
called_computation.1_lowered:
.L_overlay_start_0:
0x88: {  	s2 =	sld [smem:$0x3FD9]  }
0x89: {  	s3 =	sld [smem:$0x3FFE];
	_ =	sdelay $0x1  }
0x8a: {  	s1 =	srdreg.scid  }
0x8b: {  	s0 =	sand.u32 $0x1, s1  }
0x8c: {  	s17 =	sshll.u32 s0, $0xA;
	s2 =	sadd.s32 s3, s2  }
0x8d: {  	s2 =	sadd.s32 s2, s17  }
0x8e: {  	[smem:$0x3FC1] =	sst s2  }
0x8f: {  	_ = 	snop  }
0x90: {  	s2 =	sld [smem:$0x3FD0];
	(tm) =	ssettm $0x1  }
0x91: {  	s18 =	sld [smem:$0x3FFB];
	_ =	sdelay $0x3  }
0x92: {  	_ =	strace s18  }
0x93: {  	s3 =	sld [smem:$0x3FFC];
	_ =	sdelay $0x3  }
0x94: {  	_ =	strace s3  }
0x95: {  	s3 =	sld [smem:$0x3FFD];
	_ =	sdelay $0x3  }
0x96: {  	_ =	strace s3  }
0x97: {  	_ =	strace $0x8FFFFFFF  }
0x98: {  	s19 =	sld [smem:$0x3FDB];
	_ =	sdelay $0x1  }
0x99: {  	s4 =	simm.s32 $_scs_section_size  }
0x9a: {  	s5 =	simm.s32 $_size__tile_overlayer_lowered;
	s6 =	simm.s32 $_tile_overlayer_lowered  }
0x9b: {  	s22 =	simm.s32 $0x1BFF;
	s21 =	sshll.u32 s6, $0x1;
	s3 =	sadd.s32 s4, s19  }
0x9c: {  	s7 =	simm.s32 $0x0;
	s20 =	sshll.u32 s5, $0x1;
	s5 =	sadd.s32 s21, s3  }
0x9d: {  	[timem:s7], [sflag:s22] =	dma.local [hbm:s5], s20  }
0x9e: {  	_ =	swait.ge [sflag:s22], s20  }
0x9f: {  	s4 =	ssub.s32 $0x0, s20;
	[sflag:s22] =	ssyncset.done $0x0  }
0xa0: {  	[sflag:s22] =	ssyncadd.s32 s4;
	_ =	sdelay $0x1  }
0xa1: {  	s23 =	simm.s32 $0x1B8B  }
0xa2: {  	_ =	swait.ge [sflag:s23], $0x1  }
0xa3: {  	[sflag:s23] =	ssyncset.done $0x0  }
0xa4: {  	s25 =	simm.s32 $0x1B8E;
	s24 =	sld [smem:$0x3FFE];
	[sflag:s23] =	ssyncadd.s32 $0xFFFFFFFF  }
0xa5: {  	s26 =	simm.s32 $execute0_lowered;
	[smem:$0x3FD2] =	sst s25  }
0xa6: {  	s5 =	sshll.u32 s26, $0x1;
	_ =	strace $0x80000049;
	[dreg:$0x1] =	wrdreg $0xFFFFFFFF  }
0xa7: {  	s28 =	simm.s32 $_size_execute0_lowered;
	s3 =	sadd.s32 s3, s5;
	[dreg:$0x0] =	wrdreg $0x0  }
0xa8: {  	s5 =	sshll.u32 s28, $0x1;
	[dreg:$0x2] =	wrdreg s3  }
0xa9: {  	[dreg:$0x3] =	wrdreg s5  }
0xaa: {  	[dreg:$0x4] =	wrdreg $0xC0  }
0xab: {  	_ =	task [dreg:s7], $0x5FFFF  }
0xac: {  	[dreg:$0x1] =	wrdreg $0xFFFFFFFF  }
0xad: {  	[dreg:$0x0] =	wrdreg $0x60  }
0xae: {  	[dreg:$0x2] =	wrdreg s24  }
0xaf: {  	[dreg:$0x3] =	wrdreg s2  }
0xb0: {  	[dreg:$0x4] =	wrdreg $0x82000  }
0xb1: {  	[dreg:$0x5] =	wrdreg $0x9  }
0xb2: {  	_ =	task.clear_ibuf [dreg:s7], $0x6FFFF;
	_ =	strace $0x90000049  }
0xb3: {  	s29 =	simm.s32 $0x9;
	_ =	strace $0x8000004B  }
0xb4: {  	_ =	swait.ge [sflag:s29], $0x1  }
0xb5: {  	[sflag:s29] =	ssyncadd.s32 $0xFFFFFFFF  }
0xb6: {  	_ =	strace $0x9000004B  }
0xb7: {  	_ =	sfence  }
0xb8: {  	s30 =	sld [smem:$0x0];
	_ =	sdelay $0x2  }
0xb9: {  	s31 =	sshll.u32 s1, $0xD;
	s1 =	sshrl.u32 s1, $0x2  }
0xba: {  	s3 =	sand.u32 $0x4000, s31;
	s1 =	sadd.s32 s1, s30  }
0xbb: {  	s0 =	sor.u32 s3, s0;
	s1 =	sshll.u32 s1, $0x11  }
0xbc: {  	s0 =	sor.u32 s1, s0  }
0xbd: {  	s0 =	sadd.s32 $0x8F2B, s0  }
0xbe: {  	[sflag:s0] =	ssyncadd.remote.s32 $0x1  }
0xbf: {  	_ =	sfence.sel $0xFFFF  }
0xc0: {  	[dreg:$0x0] =	wrdreg $0xFFFFFFFF;
	(pc) =	sbr.abs _section_cstart, $3  }
0xc1: {  	[dreg:$0x1] =	wrdreg $0xFFFFFFFF  }
0xc2: {  	_ =	task.clear_ibuf [dreg:s7], $0x2FFFF;
	_ =	strace $0x9FFFFFFF  }
0xc3: {  	(tm) =	ssettm $0x7FFFFFFF  }
tec
execute0_lowered:
.L_overlay_start_1:
0x0: {  	(tag) =	ssettag $0x1  }
0x1: {  	s0 =	rddreg [dreg:$0x0]  }
0x2: {  	s3 =	rddreg [dreg:$0x1]  }
0x3: {  	s1 =	rddreg [dreg:$0x2]  }
0x4: {  	s2 =	simm.s32 $0x0;
	s4 =	srdreg.scid;
	s21 =	stileid.u32  }
0x5: {  	s28 =	simm.s32 $0x200;
	s29 =	simm.s32 $0x100;
	s30 =	simm.s32 $0x4200  }
0x6: {  	s31 =	simm.s32 $0x1;
	[smem:$0x7FF] =	sst s2;
	s6 =	smul.u32 $0x50000, s21  }
0x7: {  	s8 =	sand.u32 $0x1, s4;
	s4 =	sadd.s32 $0x2A00, s0;
	s23 =	smul.u32 $0x14000, s21  }
0x8: {  	s12 =	sshll.u32 s21, $0x6;
	_ =	strace $0x8000004A;
	s14 =	smul.u32 $0x140000, s8  }
0x9: {  	s5 =	sshll.u32 s8, $0x4;
	s9 =	ssub.s32 $0x2, s8;
	s8 =	smul.u32 $0xA000, s8  }
0xa: {  	s7 =	sor.u32 s21, s5;
	s5 =	sadd.s32 $0x2AA00, s0;
	s0 =	sadd.s32 $0x7BA00, s0  }
0xb: {  	s11 =	sshrl.u32 s9, $0x1;
	s6 =	sshrl.u32 s6, $0x2;
	s26 =	sadd.s32 $0x4000, s23  }
0xc: {  	s16 =	sadd.s32 $0x8000, s23;
	s17 =	sadd.s32 $0xC000, s23;
	s10 =	smul.u32 $0x5000, s7  }
0xd: {  	s9 =	ssub.s32 s9, s11;
	s6 =	sadd.s32 s6, s1;
	s13 =	smul.u32 $0xA00, s7  }
0xe: {  	s7 =	sor.u32 $0x1C03, s12;
	s24 =	sadd.s32 s14, s23;
	s20 =	sadd.s32 s14, s26  }
0xf: {  	s22 =	sadd.s32 s14, s16;
	s11 =	sadd.s32 $0x10000, s23;
	s15 =	sadd.s32 s14, s17  }
0x10: {  	s12 =	sshrl.u32 s24, $0x3;
	s9 =	smax.u32 s9, $0x1;
	s19 =	sadd.s32 $0x8000, s6  }
0x11: {  	s14 =	sadd.s32 s14, s11;
	s15 =	sshrl.u32 s15, $0x3;
	s11 =	sadd.s32 s11, s1  }
0x12: {  	s10 =	sshrl.u32 s10, $0x3;
	s13 =	sadd.s32 s3, s13;
	s25 =	sadd.s32 s0, s12  }
0x13: {  	[dreg:$0x7] =	wrdreg s9;
	s9 =	sadd.s32 $0x4000, s6;
	s12 =	sshrl.u32 s20, $0x3  }
0x14: {  	s20 =	sadd.s32 $0xC000, s6;
	s18 =	sshrl.u32 s14, $0x3;
	s24 =	sadd.s32 s0, s15  }
0x15: {  	s14 =	smov.u32 s6;
	s19 =	sshrl.u32 s19, $0x3;
	[dreg:$0x4] =	wrdreg s13  }
0x16: {  	s10 =	sadd.s32 s3, s10;
	[dreg:$0x6] =	wrdreg s25;
	s12 =	sadd.s32 s0, s12  }
0x17: {  	s13 =	sshrl.u32 s22, $0x3;
	[dreg:$0xa] =	wrdreg s24;
	s15 =	sadd.s32 s0, s18  }
0x18: {  	s25 =	sadd.s32 $0x10000, s6;
	s3 =	sadd.s32 s8, s3;
	s24 =	sadd.s32 s17, s1  }
0x19: {  	s17 =	simm.s32 $0x3;
	s18 =	sshrl.u32 s9, $0x3;
	s20 =	sshrl.u32 s20, $0x3  }
0x1a: {  	s8 =	simm.s32 $0x0;
	s10 =	sadd.s32 $0x9E0, s10;
	[dreg:$0x8] =	wrdreg s12  }
0x1b: {  	s23 =	sadd.s32 s0, s13;
	s24 =	sshrl.u32 s24, $0x3;
	[dreg:$0x5] =	wrdreg s10  }
0x1c: {  	s0 =	simm.s32 $0x2;
	[dreg:$0x9] =	wrdreg s23;
	s10 =	sadd.s32 s26, s1  }
0x1d: {  	s26 =	smul.u32 $0xA00, s21;
	s23 =	sadd.s32 s16, s1;
	s21 =	sshrl.u32 s25, $0x3  }
0x1e: {  	s25 =	sshrl.u32 s11, $0x3;
	s22 =	sshrl.u32 s10, $0x3;
	s23 =	sshrl.u32 s23, $0x3  }
0x1f: {  	s16 =	sadd.s32 s26, s3;
	s26 =	simm.s32 $0x80;
	s3 =	simm.s32 $0x180  }
.LBB2_1:
0x20: {  	s9 =	sshrl.u32 s14, $0x3  }
0x21: {  	[spmem:s9], [sflag:s7] =	dma.local [hbm:s5], $0x800  }
0x22: {  	_ =	swait.ge [sflag:s17], $0x800  }
0x23: {  	[sflag:s17] =	ssyncset.done $0x0  }
0x24: {  	[sflag:s17] =	ssyncadd.s32 $0xFFFFF800  }
0x25: {  	[spmem:s18], [sflag:s7] =	dma.local [hbm:s5], $0x800  }
0x26: {  	_ =	swait.ge [sflag:s17], $0x800  }
0x27: {  	[sflag:s17] =	ssyncset.done $0x0  }
0x28: {  	[sflag:s17] =	ssyncadd.s32 $0xFFFFF800  }
0x29: {  	[spmem:s19], [sflag:s7] =	dma.local [hbm:s5], $0x800  }
0x2a: {  	_ =	swait.ge [sflag:s17], $0x800  }
0x2b: {  	[sflag:s17] =	ssyncset.done $0x0  }
0x2c: {  	[sflag:s17] =	ssyncadd.s32 $0xFFFFF800  }
0x2d: {  	[spmem:s20], [sflag:s7] =	dma.local [hbm:s5], $0x800  }
0x2e: {  	_ =	swait.ge [sflag:s17], $0x800  }
0x2f: {  	[sflag:s17] =	ssyncset.done $0x0  }
0x30: {  	[sflag:s17] =	ssyncadd.s32 $0xFFFFF800  }
0x31: {  	[spmem:s21], [sflag:s7] =	dma.local [hbm:s5], $0x800  }
0x32: {  	_ =	swait.ge [sflag:s17], $0x800  }
0x33: {  	[sflag:s17] =	ssyncset.done $0x0  }
0x34: {  	[sflag:s17] =	ssyncadd.s32 $0xFFFFF800  }
0x35: {  	[bflag:$0x0] =	sbarrier.arrive $0xFFFF  }
0x36: {  	s6 =	rddreg [dreg:$0x4]  }
0x37: {  	[tilespmem:s2], [sflag:$0x3] =	stream.linear.gather [hbm4b:s6+s2], $0x100, $0x38;
	[tilespmem:$0x1C200] =	vst v63  }
0x38: {  	_ =	swait.ge [sflag:s17], $0x100  }
0x39: {  	[sflag:s17] =	ssyncset.done $0x0  }
0x3a: {  	s10 =	sadd.s32 $0xFFFFF640, s16;
	[sflag:s17] =	ssyncadd.s32 $0xFFFFFF00  }
0x3b: {  	[tilespmem:s28], [sflag:$0x1] =	stream.indirect.gather [hbm4b:s4+s26], $0x80, s2, s26, $0xb8;
	[tilespmem:$0x1C200] =	vst v63  }
0x3c: {  	s11 =	sadd.s32 $0x9E0, s10  }
0x3d: {  	[tilespmem:s29], [sflag:$0x3] =	stream.linear.gather [hbm4b:s11+s2], $0x100, $0x38;
	[tilespmem:$0x1C200] =	vst v63  }
0x3e: {  	_ =	swait.ge [sflag:s17], $0x100  }
0x3f: {  	[sflag:s17] =	ssyncset.done $0x0  }
0x40: {  	[sflag:s17] =	ssyncadd.s32 $0xFFFFFF00  }
0x41: {  	[tilespmem:s30], [sflag:$0x2] =	stream.indirect.gather [hbm4b:s4+s26], $0x80, s29, s26, $0xb8;
	[tilespmem:$0x1C200] =	vst v63  }
0x42: {  	_ =	swait.ge [sflag:s31], $0x4000  }
0x43: {  	[sflag:s31] =	ssyncset.done $0x0  }
0x44: {  	[sflag:s31] =	ssyncadd.s32 $0xFFFFC000  }
0x45: {  	[spmem:s1] =	stream.indirect.scatter.add.f32 [tilespmem:s28], [sflag:$0x3], $0x80, s26, s26, $0xb8;
	[tilespmem:$0x1C200] =	vst v63  }
0x46: {  	_ =	swait.ge [sflag:s17], $0x4000  }
0x47: {  	[sflag:s17] =	ssyncset.done $0x0  }
0x48: {  	s10 =	sadd.s32 $0xA00, s10;
	[sflag:s17] =	ssyncadd.s32 $0xFFFFC000  }
0x49: {  	[tilespmem:s2], [sflag:$0x3] =	stream.linear.gather [hbm4b:s10+s2], $0x100, $0x38;
	[tilespmem:$0x1C200] =	vst v63  }
0x4a: {  	_ =	swait.ge [sflag:s17], $0x100  }
0x4b: {  	[sflag:s17] =	ssyncset.done $0x0  }
0x4c: {  	[sflag:s17] =	ssyncadd.s32 $0xFFFFFF00  }
0x4d: {  	[tilespmem:s28], [sflag:$0x1] =	stream.indirect.gather [hbm4b:s4+s26], $0x80, s2, s26, $0xb8;
	[tilespmem:$0x1C200] =	vst v63  }
0x4e: {  	_ =	swait.ge [sflag:s0], $0x4000  }
0x4f: {  	[sflag:s0] =	ssyncset.done $0x0  }
0x50: {  	[sflag:s0] =	ssyncadd.s32 $0xFFFFC000  }
0x51: {  	[spmem:s1] =	stream.indirect.scatter.add.f32 [tilespmem:s30], [sflag:$0x3], $0x80, s3, s26, $0xb8;
	[tilespmem:$0x1C200] =	vst v63  }
0x52: {  	_ =	swait.ge [sflag:s17], $0x4000  }
0x53: {  	s11 =	simm.s32 $0xFFFFF6C0;
	s10 =	sadd.s32 $0xFFFFF680, s16;
	[sflag:s17] =	ssyncset.done $0x0  }
.LBB2_2:
0x54: {  	s12 =	sadd.s32 $0x9E0, s10  }
0x55: {  	[sflag:s17] =	ssyncadd.s32 $0xFFFFC000;
	s13 =	smov.u32 s11;
	s6 =	sadd.s32 $0x40, s11  }
0x56: {  	[tilespmem:s29], [sflag:$0x3] =	stream.linear.gather [hbm4b:s12+s2], $0x100, $0x38;
	[tilespmem:$0x1C200] =	vst v63  }
0x57: {  	p0 =	sne.s32 s11, $0xFFFFFFC0;
	_ =	swait.ge [sflag:s17], $0x100  }
0x58: {  	[sflag:s17] =	ssyncset.done $0x0  }
0x59: {  	[sflag:s17] =	ssyncadd.s32 $0xFFFFFF00  }
0x5a: {  	[tilespmem:s30], [sflag:$0x2] =	stream.indirect.gather [hbm4b:s4+s26], $0x80, s29, s26, $0xb8;
	[tilespmem:$0x1C200] =	vst v63  }
0x5b: {  	_ =	swait.ge [sflag:s31], $0x4000  }
0x5c: {  	[sflag:s31] =	ssyncset.done $0x0  }
0x5d: {  	[sflag:s31] =	ssyncadd.s32 $0xFFFFC000  }
0x5e: {  	[spmem:s1] =	stream.indirect.scatter.add.f32 [tilespmem:s28], [sflag:$0x3], $0x80, s26, s26, $0xb8;
	[tilespmem:$0x1C200] =	vst v63  }
0x5f: {  	_ =	swait.ge [sflag:s17], $0x4000  }
0x60: {  	[sflag:s17] =	ssyncset.done $0x0  }
0x61: {  	s10 =	sadd.s32 $0xA00, s10;
	[sflag:s17] =	ssyncadd.s32 $0xFFFFC000  }
0x62: {  	[tilespmem:s2], [sflag:$0x3] =	stream.linear.gather [hbm4b:s10+s2], $0x100, $0x38;
	[tilespmem:$0x1C200] =	vst v63  }
0x63: {  	_ =	swait.ge [sflag:s17], $0x100  }
0x64: {  	[sflag:s17] =	ssyncset.done $0x0  }
0x65: {  	[sflag:s17] =	ssyncadd.s32 $0xFFFFFF00  }
0x66: {  	[tilespmem:s28], [sflag:$0x1] =	stream.indirect.gather [hbm4b:s4+s26], $0x80, s2, s26, $0xb8;
	[tilespmem:$0x1C200] =	vst v63  }
0x67: {  	_ =	swait.ge [sflag:s0], $0x4000  }
.Ltmp0:
0x68: {  	[sflag:s0] =	ssyncset.done $0x0;
	(pc) =	sbr.rel @p0 .LBB2_2-.Ltmp0, $4  }
0x69: {  	[sflag:s0] =	ssyncadd.s32 $0xFFFFC000  }
0x6a: {  	[spmem:s1] =	stream.indirect.scatter.add.f32 [tilespmem:s30], [sflag:$0x3], $0x80, s3, s26, $0xb8;
	[tilespmem:$0x1C200] =	vst v63  }
0x6b: {  	_ =	swait.ge [sflag:s17], $0x4000  }
0x6c: {  	s11 =	smov.u32 s6;
	s10 =	sadd.s32 s13, s16;
	[sflag:s17] =	ssyncset.done $0x0  }
0x6d: {  	s6 =	sadd.s32 $0x9E0, s10;
	[sflag:s17] =	ssyncadd.s32 $0xFFFFC000  }
0x6e: {  	[tilespmem:s29], [sflag:$0x3] =	stream.linear.gather [hbm4b:s6+s2], $0x100, $0x38;
	[tilespmem:$0x1C200] =	vst v63  }
0x6f: {  	_ =	swait.ge [sflag:s17], $0x100  }
0x70: {  	[sflag:s17] =	ssyncset.done $0x0  }
0x71: {  	[sflag:s17] =	ssyncadd.s32 $0xFFFFFF00  }
0x72: {  	[tilespmem:s30], [sflag:$0x2] =	stream.indirect.gather [hbm4b:s4+s26], $0x80, s29, s26, $0xb8;
	[tilespmem:$0x1C200] =	vst v63  }
0x73: {  	_ =	swait.ge [sflag:s31], $0x4000  }
0x74: {  	[sflag:s31] =	ssyncset.done $0x0  }
0x75: {  	[sflag:s31] =	ssyncadd.s32 $0xFFFFC000  }
0x76: {  	[spmem:s1] =	stream.indirect.scatter.add.f32 [tilespmem:s28], [sflag:$0x3], $0x80, s26, s26, $0xb8;
	[tilespmem:$0x1C200] =	vst v63  }
0x77: {  	_ =	swait.ge [sflag:s17], $0x4000  }
0x78: {  	[sflag:s17] =	ssyncset.done $0x0  }
0x79: {  	s11 =	sadd.s32 $0xA00, s10;
	[sflag:s17] =	ssyncadd.s32 $0xFFFFC000  }
0x7a: {  	[tilespmem:s2], [sflag:$0x3] =	stream.linear.gather [hbm4b:s11+s2], $0x100, $0x38;
	[tilespmem:$0x1C200] =	vst v63  }
0x7b: {  	_ =	swait.ge [sflag:s17], $0x100  }
0x7c: {  	[sflag:s17] =	ssyncset.done $0x0  }
0x7d: {  	[sflag:s17] =	ssyncadd.s32 $0xFFFFFF00  }
0x7e: {  	[tilespmem:s28], [sflag:$0x1] =	stream.indirect.gather [hbm4b:s4+s26], $0x80, s2, s26, $0xb8;
	[tilespmem:$0x1C200] =	vst v63  }
0x7f: {  	_ =	swait.ge [sflag:s0], $0x4000  }
0x80: {  	[sflag:s0] =	ssyncset.done $0x0  }
0x81: {  	[sflag:s0] =	ssyncadd.s32 $0xFFFFC000  }
0x82: {  	[spmem:s1] =	stream.indirect.scatter.add.f32 [tilespmem:s30], [sflag:$0x3], $0x80, s3, s26, $0xb8;
	[tilespmem:$0x1C200] =	vst v63  }
0x83: {  	_ =	swait.ge [sflag:s17], $0x4000  }
0x84: {  	[sflag:s17] =	ssyncset.done $0x0  }
0x85: {  	s12 =	rddreg [dreg:$0x5];
	[sflag:s17] =	ssyncadd.s32 $0xFFFFC000  }
0x86: {  	[tilespmem:s29], [sflag:$0x3] =	stream.linear.gather [hbm4b:s12+s2], $0x100, $0x38;
	[tilespmem:$0x1C200] =	vst v63  }
0x87: {  	_ =	swait.ge [sflag:s17], $0x100  }
0x88: {  	[sflag:s17] =	ssyncset.done $0x0  }
0x89: {  	[sflag:s17] =	ssyncadd.s32 $0xFFFFFF00  }
0x8a: {  	[tilespmem:s30], [sflag:$0x2] =	stream.indirect.gather [hbm4b:s4+s26], $0x80, s29, s26, $0xb8;
	[tilespmem:$0x1C200] =	vst v63  }
0x8b: {  	_ =	swait.ge [sflag:s31], $0x4000  }
0x8c: {  	[sflag:s31] =	ssyncset.done $0x0  }
0x8d: {  	[sflag:s31] =	ssyncadd.s32 $0xFFFFC000  }
0x8e: {  	[spmem:s1] =	stream.indirect.scatter.add.f32 [tilespmem:s28], [sflag:$0x3], $0x80, s26, s26, $0xb8;
	[tilespmem:$0x1C200] =	vst v63  }
0x8f: {  	_ =	swait.ge [sflag:s17], $0x4000  }
0x90: {  	[sflag:s17] =	ssyncset.done $0x0  }
0x91: {  	[sflag:s17] =	ssyncadd.s32 $0xFFFFC000  }
0x92: {  	_ =	swait.ge [sflag:s0], $0x4000  }
0x93: {  	[sflag:s0] =	ssyncset.done $0x0  }
0x94: {  	[sflag:s0] =	ssyncadd.s32 $0xFFFFC000  }
0x95: {  	[spmem:s1] =	stream.indirect.scatter.add.f32 [tilespmem:s30], [sflag:$0x3], $0x80, s3, s26, $0xb8;
	[tilespmem:$0x1C200] =	vst v63  }
0x96: {  	_ =	swait.ge [sflag:s17], $0x4000  }
0x97: {  	[sflag:s17] =	ssyncset.done $0x0  }
0x98: {  	[sflag:s17] =	ssyncadd.s32 $0xFFFFC000  }
0x99: {  	[bflag:$0x0] =	sbarrier.arrive $0xFFFF  }
0x9a: {  	s13 =	rddreg [dreg:$0x6]  }
0x9b: {  	[hbm:s13], [sflag:s7] =	dma.local [spmem:s9], $0x800  }
0x9c: {  	_ =	swait.ge [sflag:s17], $0x800  }
0x9d: {  	[sflag:s17] =	ssyncset.done $0x0  }
0x9e: {  	s10 =	rddreg [dreg:$0x8];
	[sflag:s17] =	ssyncadd.s32 $0xFFFFF800  }
0x9f: {  	[hbm:s10], [sflag:s7] =	dma.local [spmem:s22], $0x800  }
0xa0: {  	_ =	swait.ge [sflag:s17], $0x800  }
0xa1: {  	[sflag:s17] =	ssyncset.done $0x0  }
0xa2: {  	s11 =	rddreg [dreg:$0x9];
	[sflag:s17] =	ssyncadd.s32 $0xFFFFF800  }
0xa3: {  	[hbm:s11], [sflag:s7] =	dma.local [spmem:s23], $0x800  }
0xa4: {  	_ =	swait.ge [sflag:s17], $0x800  }
0xa5: {  	[sflag:s17] =	ssyncset.done $0x0  }
0xa6: {  	s12 =	rddreg [dreg:$0xa];
	[sflag:s17] =	ssyncadd.s32 $0xFFFFF800  }
0xa7: {  	[hbm:s12], [sflag:s7] =	dma.local [spmem:s24], $0x800  }
0xa8: {  	_ =	swait.ge [sflag:s17], $0x800  }
0xa9: {  	[sflag:s17] =	ssyncset.done $0x0  }
0xaa: {  	[sflag:s17] =	ssyncadd.s32 $0xFFFFF800  }
0xab: {  	[hbm:s15], [sflag:s7] =	dma.local [spmem:s25], $0x800  }
0xac: {  	_ =	swait.ge [sflag:s17], $0x800  }
0xad: {  	s8 =	sadd.s32 $0x1, s8;
	s13 =	rddreg [dreg:$0x7]  }
0xae: {  	p0 =	sne.s32 s8, s13  }
.Ltmp1:
0xaf: {  	_ = 	snop;
	(pc) =	sbr.rel @p0 .LBB2_1-.Ltmp1, $3  }
0xb0: {  	_ =	sdelay $0x1  }
0xb1: {  	[sflag:s17] =	ssyncset.done $0x0  }
0xb2: {  	[sflag:s17] =	ssyncadd.s32 $0xFFFFF800  }
0xb3: {  	_ =	sfence.sel $0x180000  }
0xb4: {  	[bflag:$0x0] =	sbarrier.arrive $0xFFFF  }
0xb5: {  	_ =	strace $0x9000004A  }
0xb6: {  	s0 =	stileid.u32;
	[bflag:$0x2] =	sbarrier.arrive $0xFFFF  }
0xb7: {  	p0 =	sne.s32 s0, $0x0;
	s0 =	rddreg [dreg:$0x3]  }
0xb8: {  	s0 =	sadd.s32 @!p0 $0x100000, s0  }
0xb9: {  	[sflag:s0] =	ssyncadd.tile.s32 @!p0 $0x1;
	_ =	shalt  }
.Lfunc_end2:
_tile_overlayer_lowered:
.L_overlay_start_2:
0xba: {  	(tag) =	ssettag $0x2  }
0xbb: {  	s0 =	rddreg [dreg:$0x0];
	s2 =	stileid.u32  }
0xbc: {  	s1 =	rddreg [dreg:$0x1];
	p0 =	sne.s32 s2, $0x0  }
0xbd: {  	s3 =	rddreg [dreg:$0x2];
	[bflag:$0x3] =	sbarrier.arrive $0xFFFF;
	s2 =	simm.s32 @!p0 $0x1C03  }
0xbe: {  	[timem:s3], [sflag:s2] =	dma.local @!p0 [hbm:s0], s1  }
0xbf: {  	s0 =	simm.s32 @!p0 $0x3  }
0xc0: {  	_ =	swait.ge @!p0 [sflag:s0], s1  }
0xc1: {  	s1 =	ssub.s32 @!p0 $0x0, s1;
	[sflag:s0] =	ssyncset.done @!p0 $0x0  }
0xc2: {  	[sflag:s0] =	ssyncadd.s32 @!p0 s1  }
0xc3: {  	[bflag:$0x3] =	sbarrier.arrive $0xFFFF  }
0xc4: {  	_ =	shalt  }

// kernel: kernel.14.cloned.1.call-start
scs
__scs_entry_jumppad:
0x0: {  	(pc) =	sbr.rel $0x88, $3  }
0x1: {  	(tag) =	ssettag $0x0;
	lr =	simm.s32 $0x1  }
0x2: {  	[smem:$0x3F9A] =	sst lr;
	_ =	strace $0xD0000000  }
0x3: {  	_ = 	snop  }
0x4: {  	_ = 	snop  }
0x5: {  	_ = 	snop  }
0x6: {  	_ = 	snop  }
0x7: {  	_ = 	snop  }
__scs_overlays_trampoline_lowered:
0x8: {  	[smem:$0x3FA9] =	sst s0  }
0x9: {  	[smem:$0x3FAA] =	sst s1  }
0xa: {  	[smem:$0x3FAB] =	sst s2  }
0xb: {  	[smem:$0x3FAC] =	sst s3  }
0xc: {  	[smem:$0x3FAD] =	sst s4  }
0xd: {  	[smem:$0x3FAE] =	sst s5  }
0xe: {  	[smem:$0x3FAF] =	sst s6  }
0xf: {  	[smem:$0x3FB0] =	sst s7  }
0x10: {  	[smem:$0x3FB1] =	sst s8  }
0x11: {  	[smem:$0x3FB2] =	sst s9;
	s0 =	simm.s32 @!p0 $0x0  }
0x12: {  	s1 =	sld [smem:$0x3F98];
	s0 =	simm.s32 @p0 $0x1  }
0x13: {  	[smem:$0x3FB3] =	sst s0;
	s0 =	simm.s32 @!p1 $0x0  }
0x14: {  	s2 =	sld [smem:$0x3F97];
	s0 =	simm.s32 @p1 $0x1  }
0x15: {  	[smem:$0x3FB4] =	sst s0;
	s0 =	simm.s32 @!p2 $0x0  }
0x16: {  	s3 =	sld [smem:$0x3FDB];
	s0 =	simm.s32 @p2 $0x1  }
0x17: {  	s4 =	simm.s32 $0x1BF5;
	[smem:$0x3FB6] =	sst s0  }
0x18: {  	s0 =	sld [smem:$0x3F99];
	_ =	swait.ge [sflag:s4], $0x0  }
0x19: {  	s7 =	sld [smem:$0x3F9A]  }
0x1a: {  	s8 =	sadd.s32 $0xFFFFE003, lr  }
0x1b: {  	s9 =	sadd.s32 $0xFFFFFEF7, lr;
	s5 =	simm.s32 $0xFFFFFFFF;
	p2 =	slt.u32 s8, $0xFFFFF086  }
0x1c: {  	p1 =	slt.u32 s9, $0xF7A;
	s5 =	simm.s32 @!p2 $0x0  }
0x1d: {  	s5 =	simm.s32 @p1 $0x1;
	p0 =	seq.s32 s7, s2  }
0x1e: {  	s7 =	smul.u32 @!p0 $0xF7A, s2;
	p2 =	seq.s32 @!p0 s5, $0x0  }
0x1f: {  	s9 =	smul.u32 $0xF7A, s1;
	s8 =	simm.s32 @!p0 $0x1BF5;
	p2 =	por !p2, p0  }
0x20: {  	[sflag:s8] =	ssyncset.s32 @!p0 $0xFFFFF086;
	s6 =	sadd.s32 @!p0 s3, s7;
	s7 =	simm.s32 @!p0 $0x108  }
0x21: {  	s3 =	sadd.s32 s3, s9;
	s6 =	sadd.s32 @!p0 $0x88, s6;
	s7 =	simm.s32 @p2 $0x1082  }
0x22: {  	[simem:s7], [sflag:s8] =	dma.local @!p0 [hbm:s6], $0xF7A  }
0x23: {  	s9 =	sor.u32 $0xD0000000, s2;
	s6 =	simm.s32 $0x108;
	_ =	swait.ge @!p0 [sflag:s8], $0x0  }
0x24: {  	s3 =	sadd.s32 $0x88, s3;
	s6 =	simm.s32 @!p1 $0x1082;
	[sflag:s4] =	ssyncset.s32 $0xFFFFF086  }
0x25: {  	[simem:s6], [sflag:s4] =	dma.local [hbm:s3], $0xF7A  }
0x26: {  	[smem:$0x3F9A] =	sst s1;
	(tag) =	ssettag s2;
	_ =	strace s9  }
0x27: {  	s1 =	sld [smem:$0x3FAA]  }
0x28: {  	s2 =	sld [smem:$0x3FAB]  }
0x29: {  	s4 =	sld [smem:$0x3FAD]  }
0x2a: {  	p0 =	seq.s32 s5, $0x0;
	s5 =	sld [smem:$0x3FAE]  }
0x2b: {  	s6 =	sld [smem:$0x3FAF]  }
0x2c: {  	s7 =	sld [smem:$0x3FB0]  }
0x2d: {  	s3 =	simm.s32 $0x108;
	s8 =	sld [smem:$0x3FB1]  }
0x2e: {  	s3 =	simm.s32 @!p0 $0x1082;
	s9 =	sld [smem:$0x3FB2]  }
0x2f: {  	lr =	sadd.s32 s0, s3;
	s0 =	sld [smem:$0x3FA9]  }
0x30: {  	s3 =	sld [smem:$0x3FAC]  }
0x31: {  	[smem:$0x3FB5] =	sst s10  }
0x32: {  	s10 =	sld [smem:$0x3FB3];
	_ =	sdelay $0x3  }
0x33: {  	p0 =	seq.s32 s10, $0x1;
	s10 =	sld [smem:$0x3FB5];
	_ =	sdelay $0x3  }
0x34: {  	[smem:$0x3FB5] =	sst s10  }
0x35: {  	s10 =	sld [smem:$0x3FB4];
	_ =	sdelay $0x3  }
0x36: {  	p1 =	seq.s32 s10, $0x1;
	s10 =	sld [smem:$0x3FB5];
	_ =	sdelay $0x3  }
0x37: {  	[smem:$0x3FB5] =	sst s10  }
0x38: {  	s10 =	sld [smem:$0x3FB6]  }
0x39: {  	_ = 	snop;
	(pc) =	sbr.ind lr, $3  }
0x3a: {  	_ = 	snop  }
0x3b: {  	_ = 	snop  }
0x3c: {  	p2 =	seq.s32 s10, $0x1;
	s10 =	sld [smem:$0x3FB5]  }
0x3d: {  	_ =	shalt  }
0x3e: {  	_ =	shalt  }
0x3f: {  	_ =	shalt  }
0x40: {  	_ =	shalt  }
0x41: {  	_ =	shalt  }
0x42: {  	_ =	shalt  }
0x43: {  	_ =	shalt  }
0x44: {  	_ =	shalt  }
0x45: {  	_ =	shalt  }
0x46: {  	_ =	shalt  }
0x47: {  	_ =	shalt  }
0x48: {  	_ =	shalt  }
0x49: {  	_ =	shalt  }
0x4a: {  	_ =	shalt  }
0x4b: {  	_ =	shalt  }
0x4c: {  	_ =	shalt  }
0x4d: {  	_ =	shalt  }
0x4e: {  	_ =	shalt  }
0x4f: {  	_ =	shalt  }
0x50: {  	_ =	shalt  }
0x51: {  	_ =	shalt  }
0x52: {  	_ =	shalt  }
0x53: {  	_ =	shalt  }
0x54: {  	_ =	shalt  }
0x55: {  	_ =	shalt  }
0x56: {  	_ =	shalt  }
0x57: {  	_ =	shalt  }
0x58: {  	_ =	shalt  }
0x59: {  	_ =	shalt  }
0x5a: {  	_ =	shalt  }
0x5b: {  	_ =	shalt  }
0x5c: {  	_ =	shalt  }
0x5d: {  	_ =	shalt  }
0x5e: {  	_ =	shalt  }
0x5f: {  	_ =	shalt  }
0x60: {  	_ =	shalt  }
0x61: {  	_ =	shalt  }
0x62: {  	_ =	shalt  }
0x63: {  	_ =	shalt  }
0x64: {  	_ =	shalt  }
0x65: {  	_ =	shalt  }
0x66: {  	_ =	shalt  }
0x67: {  	_ =	shalt  }
0x68: {  	_ =	shalt  }
0x69: {  	_ =	shalt  }
0x6a: {  	_ =	shalt  }
0x6b: {  	_ =	shalt  }
0x6c: {  	_ =	shalt  }
0x6d: {  	_ =	shalt  }
0x6e: {  	_ =	shalt  }
0x6f: {  	_ =	shalt  }
0x70: {  	_ =	shalt  }
0x71: {  	_ =	shalt  }
0x72: {  	_ =	shalt  }
0x73: {  	_ =	shalt  }
0x74: {  	_ =	shalt  }
0x75: {  	_ =	shalt  }
0x76: {  	_ =	shalt  }
0x77: {  	_ =	shalt  }
0x78: {  	_ =	shalt  }
0x79: {  	_ =	shalt  }
0x7a: {  	_ =	shalt  }
0x7b: {  	_ =	shalt  }
0x7c: {  	_ =	shalt  }
0x7d: {  	_ =	shalt  }
0x7e: {  	_ =	shalt  }
0x7f: {  	_ =	shalt  }
0x80: {  	_ =	shalt  }
0x81: {  	_ =	shalt  }
0x82: {  	_ =	shalt  }
0x83: {  	_ =	shalt  }
0x84: {  	_ =	shalt  }
0x85: {  	_ =	shalt  }
0x86: {  	_ =	shalt  }
0x87: {  	_ =	shalt  }
.Lfunc_end0:
.L_simem_size_0:
called_computation.2_lowered:
.L_overlay_start_0:
0x88: {  	s2 =	sld [smem:$0x3FD9]  }
0x89: {  	s3 =	sld [smem:$0x3FFE];
	_ =	sdelay $0x1  }
0x8a: {  	s1 =	srdreg.scid  }
0x8b: {  	s0 =	sand.u32 $0x1, s1  }
0x8c: {  	s17 =	sshll.u32 s0, $0xA;
	s2 =	sadd.s32 s3, s2  }
0x8d: {  	s2 =	sadd.s32 s2, s17  }
0x8e: {  	[smem:$0x3FC1] =	sst s2  }
0x8f: {  	_ = 	snop  }
0x90: {  	s2 =	sld [smem:$0x3FD0];
	(tm) =	ssettm $0x1  }
0x91: {  	s18 =	sld [smem:$0x3FFB];
	_ =	sdelay $0x3  }
0x92: {  	_ =	strace s18  }
0x93: {  	s3 =	sld [smem:$0x3FFC];
	_ =	sdelay $0x3  }
0x94: {  	_ =	strace s3  }
0x95: {  	s3 =	sld [smem:$0x3FFD];
	_ =	sdelay $0x3  }
0x96: {  	_ =	strace s3  }
0x97: {  	_ =	strace $0x8FFFFFFF  }
0x98: {  	s19 =	sld [smem:$0x3FDB];
	_ =	sdelay $0x1  }
0x99: {  	s4 =	simm.s32 $_scs_section_size  }
0x9a: {  	s5 =	simm.s32 $_size__tile_overlayer_lowered;
	s6 =	simm.s32 $_tile_overlayer_lowered  }
0x9b: {  	s22 =	simm.s32 $0x1BFF;
	s21 =	sshll.u32 s6, $0x1;
	s3 =	sadd.s32 s4, s19  }
0x9c: {  	s7 =	simm.s32 $0x0;
	s20 =	sshll.u32 s5, $0x1;
	s5 =	sadd.s32 s21, s3  }
0x9d: {  	[timem:s7], [sflag:s22] =	dma.local [hbm:s5], s20  }
0x9e: {  	_ =	swait.ge [sflag:s22], s20  }
0x9f: {  	s4 =	ssub.s32 $0x0, s20;
	[sflag:s22] =	ssyncset.done $0x0  }
0xa0: {  	[sflag:s22] =	ssyncadd.s32 s4;
	_ =	sdelay $0x1  }
0xa1: {  	s23 =	simm.s32 $0x1B8B  }
0xa2: {  	_ =	swait.ge [sflag:s23], $0x1  }
0xa3: {  	[sflag:s23] =	ssyncset.done $0x0  }
0xa4: {  	s25 =	simm.s32 $0x1B8E;
	s24 =	sld [smem:$0x3FFE];
	[sflag:s23] =	ssyncadd.s32 $0xFFFFFFFF  }
0xa5: {  	s26 =	simm.s32 $execute0_lowered;
	[smem:$0x3FD2] =	sst s25  }
0xa6: {  	s5 =	sshll.u32 s26, $0x1;
	_ =	strace $0x8000004C;
	[dreg:$0x1] =	wrdreg $0xFFFFFFFF  }
0xa7: {  	s28 =	simm.s32 $_size_execute0_lowered;
	s3 =	sadd.s32 s3, s5;
	[dreg:$0x0] =	wrdreg $0x0  }
0xa8: {  	s5 =	sshll.u32 s28, $0x1;
	[dreg:$0x2] =	wrdreg s3  }
0xa9: {  	[dreg:$0x3] =	wrdreg s5  }
0xaa: {  	[dreg:$0x4] =	wrdreg $0xC0  }
0xab: {  	_ =	task [dreg:s7], $0x5FFFF  }
0xac: {  	[dreg:$0x1] =	wrdreg $0xFFFFFFFF  }
0xad: {  	[dreg:$0x0] =	wrdreg $0x60  }
0xae: {  	[dreg:$0x2] =	wrdreg s24  }
0xaf: {  	[dreg:$0x3] =	wrdreg s2  }
0xb0: {  	[dreg:$0x4] =	wrdreg $0x82000  }
0xb1: {  	[dreg:$0x5] =	wrdreg $0x9  }
0xb2: {  	_ =	task.clear_ibuf [dreg:s7], $0x6FFFF;
	_ =	strace $0x9000004C  }
0xb3: {  	s29 =	simm.s32 $0x9;
	_ =	strace $0x8000004E  }
0xb4: {  	_ =	swait.ge [sflag:s29], $0x1  }
0xb5: {  	[sflag:s29] =	ssyncadd.s32 $0xFFFFFFFF  }
0xb6: {  	_ =	strace $0x9000004E  }
0xb7: {  	_ =	sfence  }
0xb8: {  	s30 =	sld [smem:$0x0];
	_ =	sdelay $0x2  }
0xb9: {  	s31 =	sshll.u32 s1, $0xD;
	s1 =	sshrl.u32 s1, $0x2  }
0xba: {  	s3 =	sand.u32 $0x4000, s31;
	s1 =	sadd.s32 s1, s30  }
0xbb: {  	s0 =	sor.u32 s3, s0;
	s1 =	sshll.u32 s1, $0x11  }
0xbc: {  	s0 =	sor.u32 s1, s0  }
0xbd: {  	s0 =	sadd.s32 $0x8F2B, s0  }
0xbe: {  	[sflag:s0] =	ssyncadd.remote.s32 $0x1  }
0xbf: {  	_ =	sfence.sel $0xFFFF  }
0xc0: {  	[dreg:$0x0] =	wrdreg $0xFFFFFFFF;
	(pc) =	sbr.abs _section_cstart, $3  }
0xc1: {  	[dreg:$0x1] =	wrdreg $0xFFFFFFFF  }
0xc2: {  	_ =	task.clear_ibuf [dreg:s7], $0x2FFFF;
	_ =	strace $0x9FFFFFFF  }
0xc3: {  	(tm) =	ssettm $0x7FFFFFFF  }
tec
execute0_lowered:
.L_overlay_start_1:
0x0: {  	(tag) =	ssettag $0x1  }
0x1: {  	s0 =	rddreg [dreg:$0x0]  }
0x2: {  	s3 =	rddreg [dreg:$0x1]  }
0x3: {  	s1 =	rddreg [dreg:$0x2]  }
0x4: {  	s2 =	simm.s32 $0x0;
	s4 =	srdreg.scid;
	s21 =	stileid.u32  }
0x5: {  	s28 =	simm.s32 $0x200;
	s29 =	simm.s32 $0x100;
	s30 =	simm.s32 $0x4200  }
0x6: {  	s31 =	simm.s32 $0x1;
	[smem:$0x7FF] =	sst s2;
	s6 =	smul.u32 $0x50000, s21  }
0x7: {  	s8 =	sand.u32 $0x1, s4;
	s4 =	sadd.s32 $0x2A00, s0;
	s23 =	smul.u32 $0x14000, s21  }
0x8: {  	s12 =	sshll.u32 s21, $0x6;
	_ =	strace $0x8000004D;
	s14 =	smul.u32 $0x140000, s8  }
0x9: {  	s5 =	sshll.u32 s8, $0x4;
	s9 =	ssub.s32 $0x2, s8;
	s8 =	smul.u32 $0xA000, s8  }
0xa: {  	s7 =	sor.u32 s21, s5;
	s5 =	sadd.s32 $0x2AA00, s0;
	s0 =	sadd.s32 $0x2B200, s0  }
0xb: {  	s11 =	sshrl.u32 s9, $0x1;
	s6 =	sshrl.u32 s6, $0x2;
	s26 =	sadd.s32 $0x4000, s23  }
0xc: {  	s16 =	sadd.s32 $0x8000, s23;
	s17 =	sadd.s32 $0xC000, s23;
	s10 =	smul.u32 $0x5000, s7  }
0xd: {  	s9 =	ssub.s32 s9, s11;
	s6 =	sadd.s32 s6, s1;
	s13 =	smul.u32 $0xA00, s7  }
0xe: {  	s7 =	sor.u32 $0x1C03, s12;
	s24 =	sadd.s32 s14, s23;
	s20 =	sadd.s32 s14, s26  }
0xf: {  	s22 =	sadd.s32 s14, s16;
	s11 =	sadd.s32 $0x10000, s23;
	s15 =	sadd.s32 s14, s17  }
0x10: {  	s12 =	sshrl.u32 s24, $0x3;
	s9 =	smax.u32 s9, $0x1;
	s19 =	sadd.s32 $0x8000, s6  }
0x11: {  	s14 =	sadd.s32 s14, s11;
	s15 =	sshrl.u32 s15, $0x3;
	s11 =	sadd.s32 s11, s1  }
0x12: {  	s10 =	sshrl.u32 s10, $0x3;
	s13 =	sadd.s32 s3, s13;
	s25 =	sadd.s32 s0, s12  }
0x13: {  	[dreg:$0x7] =	wrdreg s9;
	s9 =	sadd.s32 $0x4000, s6;
	s12 =	sshrl.u32 s20, $0x3  }
0x14: {  	s20 =	sadd.s32 $0xC000, s6;
	s18 =	sshrl.u32 s14, $0x3;
	s24 =	sadd.s32 s0, s15  }
0x15: {  	s14 =	smov.u32 s6;
	s19 =	sshrl.u32 s19, $0x3;
	[dreg:$0x4] =	wrdreg s13  }
0x16: {  	s10 =	sadd.s32 s3, s10;
	[dreg:$0x6] =	wrdreg s25;
	s12 =	sadd.s32 s0, s12  }
0x17: {  	s13 =	sshrl.u32 s22, $0x3;
	[dreg:$0xa] =	wrdreg s24;
	s15 =	sadd.s32 s0, s18  }
0x18: {  	s25 =	sadd.s32 $0x10000, s6;
	s3 =	sadd.s32 s8, s3;
	s24 =	sadd.s32 s17, s1  }
0x19: {  	s17 =	simm.s32 $0x3;
	s18 =	sshrl.u32 s9, $0x3;
	s20 =	sshrl.u32 s20, $0x3  }
0x1a: {  	s8 =	simm.s32 $0x0;
	s10 =	sadd.s32 $0x9E0, s10;
	[dreg:$0x8] =	wrdreg s12  }
0x1b: {  	s23 =	sadd.s32 s0, s13;
	s24 =	sshrl.u32 s24, $0x3;
	[dreg:$0x5] =	wrdreg s10  }
0x1c: {  	s0 =	simm.s32 $0x2;
	[dreg:$0x9] =	wrdreg s23;
	s10 =	sadd.s32 s26, s1  }
0x1d: {  	s26 =	smul.u32 $0xA00, s21;
	s23 =	sadd.s32 s16, s1;
	s21 =	sshrl.u32 s25, $0x3  }
0x1e: {  	s25 =	sshrl.u32 s11, $0x3;
	s22 =	sshrl.u32 s10, $0x3;
	s23 =	sshrl.u32 s23, $0x3  }
0x1f: {  	s16 =	sadd.s32 s26, s3;
	s26 =	simm.s32 $0x80;
	s3 =	simm.s32 $0x180  }
.LBB2_1:
0x20: {  	s9 =	sshrl.u32 s14, $0x3  }
0x21: {  	[spmem:s9], [sflag:s7] =	dma.local [hbm:s5], $0x800  }
0x22: {  	_ =	swait.ge [sflag:s17], $0x800  }
0x23: {  	[sflag:s17] =	ssyncset.done $0x0  }
0x24: {  	[sflag:s17] =	ssyncadd.s32 $0xFFFFF800  }
0x25: {  	[spmem:s18], [sflag:s7] =	dma.local [hbm:s5], $0x800  }
0x26: {  	_ =	swait.ge [sflag:s17], $0x800  }
0x27: {  	[sflag:s17] =	ssyncset.done $0x0  }
0x28: {  	[sflag:s17] =	ssyncadd.s32 $0xFFFFF800  }
0x29: {  	[spmem:s19], [sflag:s7] =	dma.local [hbm:s5], $0x800  }
0x2a: {  	_ =	swait.ge [sflag:s17], $0x800  }
0x2b: {  	[sflag:s17] =	ssyncset.done $0x0  }
0x2c: {  	[sflag:s17] =	ssyncadd.s32 $0xFFFFF800  }
0x2d: {  	[spmem:s20], [sflag:s7] =	dma.local [hbm:s5], $0x800  }
0x2e: {  	_ =	swait.ge [sflag:s17], $0x800  }
0x2f: {  	[sflag:s17] =	ssyncset.done $0x0  }
0x30: {  	[sflag:s17] =	ssyncadd.s32 $0xFFFFF800  }
0x31: {  	[spmem:s21], [sflag:s7] =	dma.local [hbm:s5], $0x800  }
0x32: {  	_ =	swait.ge [sflag:s17], $0x800  }
0x33: {  	[sflag:s17] =	ssyncset.done $0x0  }
0x34: {  	[sflag:s17] =	ssyncadd.s32 $0xFFFFF800  }
0x35: {  	[bflag:$0x0] =	sbarrier.arrive $0xFFFF  }
0x36: {  	s6 =	rddreg [dreg:$0x4]  }
0x37: {  	[tilespmem:s2], [sflag:$0x3] =	stream.linear.gather [hbm4b:s6+s2], $0x100, $0x38;
	[tilespmem:$0x1C200] =	vst v63  }
0x38: {  	_ =	swait.ge [sflag:s17], $0x100  }
0x39: {  	[sflag:s17] =	ssyncset.done $0x0  }
0x3a: {  	s10 =	sadd.s32 $0xFFFFF640, s16;
	[sflag:s17] =	ssyncadd.s32 $0xFFFFFF00  }
0x3b: {  	[tilespmem:s28], [sflag:$0x1] =	stream.indirect.gather [hbm4b:s4+s26], $0x80, s2, s26, $0xb8;
	[tilespmem:$0x1C200] =	vst v63  }
0x3c: {  	s11 =	sadd.s32 $0x9E0, s10  }
0x3d: {  	[tilespmem:s29], [sflag:$0x3] =	stream.linear.gather [hbm4b:s11+s2], $0x100, $0x38;
	[tilespmem:$0x1C200] =	vst v63  }
0x3e: {  	_ =	swait.ge [sflag:s17], $0x100  }
0x3f: {  	[sflag:s17] =	ssyncset.done $0x0  }
0x40: {  	[sflag:s17] =	ssyncadd.s32 $0xFFFFFF00  }
0x41: {  	[tilespmem:s30], [sflag:$0x2] =	stream.indirect.gather [hbm4b:s4+s26], $0x80, s29, s26, $0xb8;
	[tilespmem:$0x1C200] =	vst v63  }
0x42: {  	_ =	swait.ge [sflag:s31], $0x4000  }
0x43: {  	[sflag:s31] =	ssyncset.done $0x0  }
0x44: {  	[sflag:s31] =	ssyncadd.s32 $0xFFFFC000  }
0x45: {  	[spmem:s1] =	stream.indirect.scatter.add.f32 [tilespmem:s28], [sflag:$0x3], $0x80, s26, s26, $0xb8;
	[tilespmem:$0x1C200] =	vst v63  }
0x46: {  	_ =	swait.ge [sflag:s17], $0x4000  }
0x47: {  	[sflag:s17] =	ssyncset.done $0x0  }
0x48: {  	s10 =	sadd.s32 $0xA00, s10;
	[sflag:s17] =	ssyncadd.s32 $0xFFFFC000  }
0x49: {  	[tilespmem:s2], [sflag:$0x3] =	stream.linear.gather [hbm4b:s10+s2], $0x100, $0x38;
	[tilespmem:$0x1C200] =	vst v63  }
0x4a: {  	_ =	swait.ge [sflag:s17], $0x100  }
0x4b: {  	[sflag:s17] =	ssyncset.done $0x0  }
0x4c: {  	[sflag:s17] =	ssyncadd.s32 $0xFFFFFF00  }
0x4d: {  	[tilespmem:s28], [sflag:$0x1] =	stream.indirect.gather [hbm4b:s4+s26], $0x80, s2, s26, $0xb8;
	[tilespmem:$0x1C200] =	vst v63  }
0x4e: {  	_ =	swait.ge [sflag:s0], $0x4000  }
0x4f: {  	[sflag:s0] =	ssyncset.done $0x0  }
0x50: {  	[sflag:s0] =	ssyncadd.s32 $0xFFFFC000  }
0x51: {  	[spmem:s1] =	stream.indirect.scatter.add.f32 [tilespmem:s30], [sflag:$0x3], $0x80, s3, s26, $0xb8;
	[tilespmem:$0x1C200] =	vst v63  }
0x52: {  	_ =	swait.ge [sflag:s17], $0x4000  }
0x53: {  	s11 =	simm.s32 $0xFFFFF6C0;
	s10 =	sadd.s32 $0xFFFFF680, s16;
	[sflag:s17] =	ssyncset.done $0x0  }
.LBB2_2:
0x54: {  	s12 =	sadd.s32 $0x9E0, s10  }
0x55: {  	[sflag:s17] =	ssyncadd.s32 $0xFFFFC000;
	s13 =	smov.u32 s11;
	s6 =	sadd.s32 $0x40, s11  }
0x56: {  	[tilespmem:s29], [sflag:$0x3] =	stream.linear.gather [hbm4b:s12+s2], $0x100, $0x38;
	[tilespmem:$0x1C200] =	vst v63  }
0x57: {  	p0 =	sne.s32 s11, $0xFFFFFFC0;
	_ =	swait.ge [sflag:s17], $0x100  }
0x58: {  	[sflag:s17] =	ssyncset.done $0x0  }
0x59: {  	[sflag:s17] =	ssyncadd.s32 $0xFFFFFF00  }
0x5a: {  	[tilespmem:s30], [sflag:$0x2] =	stream.indirect.gather [hbm4b:s4+s26], $0x80, s29, s26, $0xb8;
	[tilespmem:$0x1C200] =	vst v63  }
0x5b: {  	_ =	swait.ge [sflag:s31], $0x4000  }
0x5c: {  	[sflag:s31] =	ssyncset.done $0x0  }
0x5d: {  	[sflag:s31] =	ssyncadd.s32 $0xFFFFC000  }
0x5e: {  	[spmem:s1] =	stream.indirect.scatter.add.f32 [tilespmem:s28], [sflag:$0x3], $0x80, s26, s26, $0xb8;
	[tilespmem:$0x1C200] =	vst v63  }
0x5f: {  	_ =	swait.ge [sflag:s17], $0x4000  }
0x60: {  	[sflag:s17] =	ssyncset.done $0x0  }
0x61: {  	s10 =	sadd.s32 $0xA00, s10;
	[sflag:s17] =	ssyncadd.s32 $0xFFFFC000  }
0x62: {  	[tilespmem:s2], [sflag:$0x3] =	stream.linear.gather [hbm4b:s10+s2], $0x100, $0x38;
	[tilespmem:$0x1C200] =	vst v63  }
0x63: {  	_ =	swait.ge [sflag:s17], $0x100  }
0x64: {  	[sflag:s17] =	ssyncset.done $0x0  }
0x65: {  	[sflag:s17] =	ssyncadd.s32 $0xFFFFFF00  }
0x66: {  	[tilespmem:s28], [sflag:$0x1] =	stream.indirect.gather [hbm4b:s4+s26], $0x80, s2, s26, $0xb8;
	[tilespmem:$0x1C200] =	vst v63  }
0x67: {  	_ =	swait.ge [sflag:s0], $0x4000  }
.Ltmp0:
0x68: {  	[sflag:s0] =	ssyncset.done $0x0;
	(pc) =	sbr.rel @p0 .LBB2_2-.Ltmp0, $4  }
0x69: {  	[sflag:s0] =	ssyncadd.s32 $0xFFFFC000  }
0x6a: {  	[spmem:s1] =	stream.indirect.scatter.add.f32 [tilespmem:s30], [sflag:$0x3], $0x80, s3, s26, $0xb8;
	[tilespmem:$0x1C200] =	vst v63  }
0x6b: {  	_ =	swait.ge [sflag:s17], $0x4000  }
0x6c: {  	s11 =	smov.u32 s6;
	s10 =	sadd.s32 s13, s16;
	[sflag:s17] =	ssyncset.done $0x0  }
0x6d: {  	s6 =	sadd.s32 $0x9E0, s10;
	[sflag:s17] =	ssyncadd.s32 $0xFFFFC000  }
0x6e: {  	[tilespmem:s29], [sflag:$0x3] =	stream.linear.gather [hbm4b:s6+s2], $0x100, $0x38;
	[tilespmem:$0x1C200] =	vst v63  }
0x6f: {  	_ =	swait.ge [sflag:s17], $0x100  }
0x70: {  	[sflag:s17] =	ssyncset.done $0x0  }
0x71: {  	[sflag:s17] =	ssyncadd.s32 $0xFFFFFF00  }
0x72: {  	[tilespmem:s30], [sflag:$0x2] =	stream.indirect.gather [hbm4b:s4+s26], $0x80, s29, s26, $0xb8;
	[tilespmem:$0x1C200] =	vst v63  }
0x73: {  	_ =	swait.ge [sflag:s31], $0x4000  }
0x74: {  	[sflag:s31] =	ssyncset.done $0x0  }
0x75: {  	[sflag:s31] =	ssyncadd.s32 $0xFFFFC000  }
0x76: {  	[spmem:s1] =	stream.indirect.scatter.add.f32 [tilespmem:s28], [sflag:$0x3], $0x80, s26, s26, $0xb8;
	[tilespmem:$0x1C200] =	vst v63  }
0x77: {  	_ =	swait.ge [sflag:s17], $0x4000  }
0x78: {  	[sflag:s17] =	ssyncset.done $0x0  }
0x79: {  	s11 =	sadd.s32 $0xA00, s10;
	[sflag:s17] =	ssyncadd.s32 $0xFFFFC000  }
0x7a: {  	[tilespmem:s2], [sflag:$0x3] =	stream.linear.gather [hbm4b:s11+s2], $0x100, $0x38;
	[tilespmem:$0x1C200] =	vst v63  }
0x7b: {  	_ =	swait.ge [sflag:s17], $0x100  }
0x7c: {  	[sflag:s17] =	ssyncset.done $0x0  }
0x7d: {  	[sflag:s17] =	ssyncadd.s32 $0xFFFFFF00  }
0x7e: {  	[tilespmem:s28], [sflag:$0x1] =	stream.indirect.gather [hbm4b:s4+s26], $0x80, s2, s26, $0xb8;
	[tilespmem:$0x1C200] =	vst v63  }
0x7f: {  	_ =	swait.ge [sflag:s0], $0x4000  }
0x80: {  	[sflag:s0] =	ssyncset.done $0x0  }
0x81: {  	[sflag:s0] =	ssyncadd.s32 $0xFFFFC000  }
0x82: {  	[spmem:s1] =	stream.indirect.scatter.add.f32 [tilespmem:s30], [sflag:$0x3], $0x80, s3, s26, $0xb8;
	[tilespmem:$0x1C200] =	vst v63  }
0x83: {  	_ =	swait.ge [sflag:s17], $0x4000  }
0x84: {  	[sflag:s17] =	ssyncset.done $0x0  }
0x85: {  	s12 =	rddreg [dreg:$0x5];
	[sflag:s17] =	ssyncadd.s32 $0xFFFFC000  }
0x86: {  	[tilespmem:s29], [sflag:$0x3] =	stream.linear.gather [hbm4b:s12+s2], $0x100, $0x38;
	[tilespmem:$0x1C200] =	vst v63  }
0x87: {  	_ =	swait.ge [sflag:s17], $0x100  }
0x88: {  	[sflag:s17] =	ssyncset.done $0x0  }
0x89: {  	[sflag:s17] =	ssyncadd.s32 $0xFFFFFF00  }
0x8a: {  	[tilespmem:s30], [sflag:$0x2] =	stream.indirect.gather [hbm4b:s4+s26], $0x80, s29, s26, $0xb8;
	[tilespmem:$0x1C200] =	vst v63  }
0x8b: {  	_ =	swait.ge [sflag:s31], $0x4000  }
0x8c: {  	[sflag:s31] =	ssyncset.done $0x0  }
0x8d: {  	[sflag:s31] =	ssyncadd.s32 $0xFFFFC000  }
0x8e: {  	[spmem:s1] =	stream.indirect.scatter.add.f32 [tilespmem:s28], [sflag:$0x3], $0x80, s26, s26, $0xb8;
	[tilespmem:$0x1C200] =	vst v63  }
0x8f: {  	_ =	swait.ge [sflag:s17], $0x4000  }
0x90: {  	[sflag:s17] =	ssyncset.done $0x0  }
0x91: {  	[sflag:s17] =	ssyncadd.s32 $0xFFFFC000  }
0x92: {  	_ =	swait.ge [sflag:s0], $0x4000  }
0x93: {  	[sflag:s0] =	ssyncset.done $0x0  }
0x94: {  	[sflag:s0] =	ssyncadd.s32 $0xFFFFC000  }
0x95: {  	[spmem:s1] =	stream.indirect.scatter.add.f32 [tilespmem:s30], [sflag:$0x3], $0x80, s3, s26, $0xb8;
	[tilespmem:$0x1C200] =	vst v63  }
0x96: {  	_ =	swait.ge [sflag:s17], $0x4000  }
0x97: {  	[sflag:s17] =	ssyncset.done $0x0  }
0x98: {  	[sflag:s17] =	ssyncadd.s32 $0xFFFFC000  }
0x99: {  	[bflag:$0x0] =	sbarrier.arrive $0xFFFF  }
0x9a: {  	s13 =	rddreg [dreg:$0x6]  }
0x9b: {  	[hbm:s13], [sflag:s7] =	dma.local [spmem:s9], $0x800  }
0x9c: {  	_ =	swait.ge [sflag:s17], $0x800  }
0x9d: {  	[sflag:s17] =	ssyncset.done $0x0  }
0x9e: {  	s10 =	rddreg [dreg:$0x8];
	[sflag:s17] =	ssyncadd.s32 $0xFFFFF800  }
0x9f: {  	[hbm:s10], [sflag:s7] =	dma.local [spmem:s22], $0x800  }
0xa0: {  	_ =	swait.ge [sflag:s17], $0x800  }
0xa1: {  	[sflag:s17] =	ssyncset.done $0x0  }
0xa2: {  	s11 =	rddreg [dreg:$0x9];
	[sflag:s17] =	ssyncadd.s32 $0xFFFFF800  }
0xa3: {  	[hbm:s11], [sflag:s7] =	dma.local [spmem:s23], $0x800  }
0xa4: {  	_ =	swait.ge [sflag:s17], $0x800  }
0xa5: {  	[sflag:s17] =	ssyncset.done $0x0  }
0xa6: {  	s12 =	rddreg [dreg:$0xa];
	[sflag:s17] =	ssyncadd.s32 $0xFFFFF800  }
0xa7: {  	[hbm:s12], [sflag:s7] =	dma.local [spmem:s24], $0x800  }
0xa8: {  	_ =	swait.ge [sflag:s17], $0x800  }
0xa9: {  	[sflag:s17] =	ssyncset.done $0x0  }
0xaa: {  	[sflag:s17] =	ssyncadd.s32 $0xFFFFF800  }
0xab: {  	[hbm:s15], [sflag:s7] =	dma.local [spmem:s25], $0x800  }
0xac: {  	_ =	swait.ge [sflag:s17], $0x800  }
0xad: {  	s8 =	sadd.s32 $0x1, s8;
	s13 =	rddreg [dreg:$0x7]  }
0xae: {  	p0 =	sne.s32 s8, s13  }
.Ltmp1:
0xaf: {  	_ = 	snop;
	(pc) =	sbr.rel @p0 .LBB2_1-.Ltmp1, $3  }
0xb0: {  	_ =	sdelay $0x1  }
0xb1: {  	[sflag:s17] =	ssyncset.done $0x0  }
0xb2: {  	[sflag:s17] =	ssyncadd.s32 $0xFFFFF800  }
0xb3: {  	_ =	sfence.sel $0x180000  }
0xb4: {  	[bflag:$0x0] =	sbarrier.arrive $0xFFFF  }
0xb5: {  	_ =	strace $0x9000004D  }
0xb6: {  	s0 =	stileid.u32;
	[bflag:$0x2] =	sbarrier.arrive $0xFFFF  }
0xb7: {  	p0 =	sne.s32 s0, $0x0;
	s0 =	rddreg [dreg:$0x3]  }
0xb8: {  	s0 =	sadd.s32 @!p0 $0x100000, s0  }
0xb9: {  	[sflag:s0] =	ssyncadd.tile.s32 @!p0 $0x1;
	_ =	shalt  }
.Lfunc_end2:
_tile_overlayer_lowered:
.L_overlay_start_2:
0xba: {  	(tag) =	ssettag $0x2  }
0xbb: {  	s0 =	rddreg [dreg:$0x0];
	s2 =	stileid.u32  }
0xbc: {  	s1 =	rddreg [dreg:$0x1];
	p0 =	sne.s32 s2, $0x0  }
0xbd: {  	s3 =	rddreg [dreg:$0x2];
	[bflag:$0x3] =	sbarrier.arrive $0xFFFF;
	s2 =	simm.s32 @!p0 $0x1C03  }
0xbe: {  	[timem:s3], [sflag:s2] =	dma.local @!p0 [hbm:s0], s1  }
0xbf: {  	s0 =	simm.s32 @!p0 $0x3  }
0xc0: {  	_ =	swait.ge @!p0 [sflag:s0], s1  }
0xc1: {  	s1 =	ssub.s32 @!p0 $0x0, s1;
	[sflag:s0] =	ssyncset.done @!p0 $0x0  }
0xc2: {  	[sflag:s0] =	ssyncadd.s32 @!p0 s1  }
0xc3: {  	[bflag:$0x3] =	sbarrier.arrive $0xFFFF  }
0xc4: {  	_ =	shalt  }

// kernel: kernel.8.cloned.1.call-start
scs
__scs_entry_jumppad:
0x0: {  	(pc) =	sbr.rel $0x88, $3  }
0x1: {  	(tag) =	ssettag $0x0;
	lr =	simm.s32 $0x1  }
0x2: {  	[smem:$0x3F9A] =	sst lr;
	_ =	strace $0xD0000000  }
0x3: {  	_ = 	snop  }
0x4: {  	_ = 	snop  }
0x5: {  	_ = 	snop  }
0x6: {  	_ = 	snop  }
0x7: {  	_ = 	snop  }
__scs_overlays_trampoline_lowered:
0x8: {  	[smem:$0x3FA9] =	sst s0  }
0x9: {  	[smem:$0x3FAA] =	sst s1  }
0xa: {  	[smem:$0x3FAB] =	sst s2  }
0xb: {  	[smem:$0x3FAC] =	sst s3  }
0xc: {  	[smem:$0x3FAD] =	sst s4  }
0xd: {  	[smem:$0x3FAE] =	sst s5  }
0xe: {  	[smem:$0x3FAF] =	sst s6  }
0xf: {  	[smem:$0x3FB0] =	sst s7  }
0x10: {  	[smem:$0x3FB1] =	sst s8  }
0x11: {  	[smem:$0x3FB2] =	sst s9;
	s0 =	simm.s32 @!p0 $0x0  }
0x12: {  	s1 =	sld [smem:$0x3F98];
	s0 =	simm.s32 @p0 $0x1  }
0x13: {  	[smem:$0x3FB3] =	sst s0;
	s0 =	simm.s32 @!p1 $0x0  }
0x14: {  	s2 =	sld [smem:$0x3F97];
	s0 =	simm.s32 @p1 $0x1  }
0x15: {  	[smem:$0x3FB4] =	sst s0;
	s0 =	simm.s32 @!p2 $0x0  }
0x16: {  	s3 =	sld [smem:$0x3FDB];
	s0 =	simm.s32 @p2 $0x1  }
0x17: {  	s4 =	simm.s32 $0x1BF5;
	[smem:$0x3FB6] =	sst s0  }
0x18: {  	s0 =	sld [smem:$0x3F99];
	_ =	swait.ge [sflag:s4], $0x0  }
0x19: {  	s7 =	sld [smem:$0x3F9A]  }
0x1a: {  	s8 =	sadd.s32 $0xFFFFE003, lr  }
0x1b: {  	s9 =	sadd.s32 $0xFFFFFEF7, lr;
	s5 =	simm.s32 $0xFFFFFFFF;
	p2 =	slt.u32 s8, $0xFFFFF086  }
0x1c: {  	p1 =	slt.u32 s9, $0xF7A;
	s5 =	simm.s32 @!p2 $0x0  }
0x1d: {  	s5 =	simm.s32 @p1 $0x1;
	p0 =	seq.s32 s7, s2  }
0x1e: {  	s7 =	smul.u32 @!p0 $0xF7A, s2;
	p2 =	seq.s32 @!p0 s5, $0x0  }
0x1f: {  	s9 =	smul.u32 $0xF7A, s1;
	s8 =	simm.s32 @!p0 $0x1BF5;
	p2 =	por !p2, p0  }
0x20: {  	[sflag:s8] =	ssyncset.s32 @!p0 $0xFFFFF086;
	s6 =	sadd.s32 @!p0 s3, s7;
	s7 =	simm.s32 @!p0 $0x108  }
0x21: {  	s3 =	sadd.s32 s3, s9;
	s6 =	sadd.s32 @!p0 $0x88, s6;
	s7 =	simm.s32 @p2 $0x1082  }
0x22: {  	[simem:s7], [sflag:s8] =	dma.local @!p0 [hbm:s6], $0xF7A  }
0x23: {  	s9 =	sor.u32 $0xD0000000, s2;
	s6 =	simm.s32 $0x108;
	_ =	swait.ge @!p0 [sflag:s8], $0x0  }
0x24: {  	s3 =	sadd.s32 $0x88, s3;
	s6 =	simm.s32 @!p1 $0x1082;
	[sflag:s4] =	ssyncset.s32 $0xFFFFF086  }
0x25: {  	[simem:s6], [sflag:s4] =	dma.local [hbm:s3], $0xF7A  }
0x26: {  	[smem:$0x3F9A] =	sst s1;
	(tag) =	ssettag s2;
	_ =	strace s9  }
0x27: {  	s1 =	sld [smem:$0x3FAA]  }
0x28: {  	s2 =	sld [smem:$0x3FAB]  }
0x29: {  	s4 =	sld [smem:$0x3FAD]  }
0x2a: {  	p0 =	seq.s32 s5, $0x0;
	s5 =	sld [smem:$0x3FAE]  }
0x2b: {  	s6 =	sld [smem:$0x3FAF]  }
0x2c: {  	s7 =	sld [smem:$0x3FB0]  }
0x2d: {  	s3 =	simm.s32 $0x108;
	s8 =	sld [smem:$0x3FB1]  }
0x2e: {  	s3 =	simm.s32 @!p0 $0x1082;
	s9 =	sld [smem:$0x3FB2]  }
0x2f: {  	lr =	sadd.s32 s0, s3;
	s0 =	sld [smem:$0x3FA9]  }
0x30: {  	s3 =	sld [smem:$0x3FAC]  }
0x31: {  	[smem:$0x3FB5] =	sst s10  }
0x32: {  	s10 =	sld [smem:$0x3FB3];
	_ =	sdelay $0x3  }
0x33: {  	p0 =	seq.s32 s10, $0x1;
	s10 =	sld [smem:$0x3FB5];
	_ =	sdelay $0x3  }
0x34: {  	[smem:$0x3FB5] =	sst s10  }
0x35: {  	s10 =	sld [smem:$0x3FB4];
	_ =	sdelay $0x3  }
0x36: {  	p1 =	seq.s32 s10, $0x1;
	s10 =	sld [smem:$0x3FB5];
	_ =	sdelay $0x3  }
0x37: {  	[smem:$0x3FB5] =	sst s10  }
0x38: {  	s10 =	sld [smem:$0x3FB6]  }
0x39: {  	_ = 	snop;
	(pc) =	sbr.ind lr, $3  }
0x3a: {  	_ = 	snop  }
0x3b: {  	_ = 	snop  }
0x3c: {  	p2 =	seq.s32 s10, $0x1;
	s10 =	sld [smem:$0x3FB5]  }
0x3d: {  	_ =	shalt  }
0x3e: {  	_ =	shalt  }
0x3f: {  	_ =	shalt  }
0x40: {  	_ =	shalt  }
0x41: {  	_ =	shalt  }
0x42: {  	_ =	shalt  }
0x43: {  	_ =	shalt  }
0x44: {  	_ =	shalt  }
0x45: {  	_ =	shalt  }
0x46: {  	_ =	shalt  }
0x47: {  	_ =	shalt  }
0x48: {  	_ =	shalt  }
0x49: {  	_ =	shalt  }
0x4a: {  	_ =	shalt  }
0x4b: {  	_ =	shalt  }
0x4c: {  	_ =	shalt  }
0x4d: {  	_ =	shalt  }
0x4e: {  	_ =	shalt  }
0x4f: {  	_ =	shalt  }
0x50: {  	_ =	shalt  }
0x51: {  	_ =	shalt  }
0x52: {  	_ =	shalt  }
0x53: {  	_ =	shalt  }
0x54: {  	_ =	shalt  }
0x55: {  	_ =	shalt  }
0x56: {  	_ =	shalt  }
0x57: {  	_ =	shalt  }
0x58: {  	_ =	shalt  }
0x59: {  	_ =	shalt  }
0x5a: {  	_ =	shalt  }
0x5b: {  	_ =	shalt  }
0x5c: {  	_ =	shalt  }
0x5d: {  	_ =	shalt  }
0x5e: {  	_ =	shalt  }
0x5f: {  	_ =	shalt  }
0x60: {  	_ =	shalt  }
0x61: {  	_ =	shalt  }
0x62: {  	_ =	shalt  }
0x63: {  	_ =	shalt  }
0x64: {  	_ =	shalt  }
0x65: {  	_ =	shalt  }
0x66: {  	_ =	shalt  }
0x67: {  	_ =	shalt  }
0x68: {  	_ =	shalt  }
0x69: {  	_ =	shalt  }
0x6a: {  	_ =	shalt  }
0x6b: {  	_ =	shalt  }
0x6c: {  	_ =	shalt  }
0x6d: {  	_ =	shalt  }
0x6e: {  	_ =	shalt  }
0x6f: {  	_ =	shalt  }
0x70: {  	_ =	shalt  }
0x71: {  	_ =	shalt  }
0x72: {  	_ =	shalt  }
0x73: {  	_ =	shalt  }
0x74: {  	_ =	shalt  }
0x75: {  	_ =	shalt  }
0x76: {  	_ =	shalt  }
0x77: {  	_ =	shalt  }
0x78: {  	_ =	shalt  }
0x79: {  	_ =	shalt  }
0x7a: {  	_ =	shalt  }
0x7b: {  	_ =	shalt  }
0x7c: {  	_ =	shalt  }
0x7d: {  	_ =	shalt  }
0x7e: {  	_ =	shalt  }
0x7f: {  	_ =	shalt  }
0x80: {  	_ =	shalt  }
0x81: {  	_ =	shalt  }
0x82: {  	_ =	shalt  }
0x83: {  	_ =	shalt  }
0x84: {  	_ =	shalt  }
0x85: {  	_ =	shalt  }
0x86: {  	_ =	shalt  }
0x87: {  	_ =	shalt  }
.Lfunc_end0:
.L_simem_size_0:
called_computation_lowered:
.L_overlay_start_0:
0x88: {  	s2 =	sld [smem:$0x3FD9]  }
0x89: {  	s3 =	sld [smem:$0x3FFE];
	_ =	sdelay $0x1  }
0x8a: {  	s1 =	srdreg.scid  }
0x8b: {  	s0 =	sand.u32 $0x1, s1  }
0x8c: {  	s17 =	sshll.u32 s0, $0xA;
	s2 =	sadd.s32 s3, s2  }
0x8d: {  	s2 =	sadd.s32 s2, s17  }
0x8e: {  	[smem:$0x3FC1] =	sst s2  }
0x8f: {  	_ = 	snop  }
0x90: {  	s2 =	sld [smem:$0x3FD0];
	(tm) =	ssettm $0x1  }
0x91: {  	s18 =	sld [smem:$0x3FFB];
	_ =	sdelay $0x3  }
0x92: {  	_ =	strace s18  }
0x93: {  	s3 =	sld [smem:$0x3FFC];
	_ =	sdelay $0x3  }
0x94: {  	_ =	strace s3  }
0x95: {  	s3 =	sld [smem:$0x3FFD];
	_ =	sdelay $0x3  }
0x96: {  	_ =	strace s3  }
0x97: {  	_ =	strace $0x8FFFFFFF  }
0x98: {  	s19 =	sld [smem:$0x3FDB];
	_ =	sdelay $0x1  }
0x99: {  	s4 =	simm.s32 $_scs_section_size  }
0x9a: {  	s5 =	simm.s32 $_size__tile_overlayer_lowered;
	s6 =	simm.s32 $_tile_overlayer_lowered  }
0x9b: {  	s22 =	simm.s32 $0x1BFF;
	s21 =	sshll.u32 s6, $0x1;
	s3 =	sadd.s32 s4, s19  }
0x9c: {  	s7 =	simm.s32 $0x0;
	s20 =	sshll.u32 s5, $0x1;
	s5 =	sadd.s32 s21, s3  }
0x9d: {  	[timem:s7], [sflag:s22] =	dma.local [hbm:s5], s20  }
0x9e: {  	_ =	swait.ge [sflag:s22], s20  }
0x9f: {  	s4 =	ssub.s32 $0x0, s20;
	[sflag:s22] =	ssyncset.done $0x0  }
0xa0: {  	[sflag:s22] =	ssyncadd.s32 s4;
	_ =	sdelay $0x1  }
0xa1: {  	s23 =	simm.s32 $0x1B8B  }
0xa2: {  	_ =	swait.ge [sflag:s23], $0x1  }
0xa3: {  	[sflag:s23] =	ssyncset.done $0x0  }
0xa4: {  	s25 =	simm.s32 $0x1B8E;
	s24 =	sld [smem:$0x3FFE];
	[sflag:s23] =	ssyncadd.s32 $0xFFFFFFFF  }
0xa5: {  	s26 =	simm.s32 $execute0_lowered;
	[smem:$0x3FD2] =	sst s25  }
0xa6: {  	s5 =	sshll.u32 s26, $0x1;
	_ =	strace $0x80000046;
	[dreg:$0x1] =	wrdreg $0xFFFFFFFF  }
0xa7: {  	s28 =	simm.s32 $_size_execute0_lowered;
	s3 =	sadd.s32 s3, s5;
	[dreg:$0x0] =	wrdreg $0x0  }
0xa8: {  	s5 =	sshll.u32 s28, $0x1;
	[dreg:$0x2] =	wrdreg s3  }
0xa9: {  	[dreg:$0x3] =	wrdreg s5  }
0xaa: {  	[dreg:$0x4] =	wrdreg $0xC0  }
0xab: {  	_ =	task [dreg:s7], $0x5FFFF  }
0xac: {  	[dreg:$0x1] =	wrdreg $0xFFFFFFFF  }
0xad: {  	[dreg:$0x0] =	wrdreg $0x60  }
0xae: {  	[dreg:$0x2] =	wrdreg s2  }
0xaf: {  	[dreg:$0x3] =	wrdreg s24  }
0xb0: {  	[dreg:$0x4] =	wrdreg $0x42000  }
0xb1: {  	[dreg:$0x5] =	wrdreg $0x9  }
0xb2: {  	_ =	task.clear_ibuf [dreg:s7], $0x6FFFF;
	_ =	strace $0x90000046  }
0xb3: {  	s29 =	simm.s32 $0x9;
	_ =	strace $0x80000048  }
0xb4: {  	_ =	swait.ge [sflag:s29], $0x1  }
0xb5: {  	[sflag:s29] =	ssyncadd.s32 $0xFFFFFFFF  }
0xb6: {  	_ =	strace $0x90000048  }
0xb7: {  	_ =	sfence  }
0xb8: {  	s30 =	sld [smem:$0x0];
	_ =	sdelay $0x2  }
0xb9: {  	s31 =	sshll.u32 s1, $0xD;
	s1 =	sshrl.u32 s1, $0x2  }
0xba: {  	s3 =	sand.u32 $0x4000, s31;
	s1 =	sadd.s32 s1, s30  }
0xbb: {  	s0 =	sor.u32 s3, s0;
	s1 =	sshll.u32 s1, $0x11  }
0xbc: {  	s0 =	sor.u32 s1, s0  }
0xbd: {  	s0 =	sadd.s32 $0x8F2B, s0  }
0xbe: {  	[sflag:s0] =	ssyncadd.remote.s32 $0x1  }
0xbf: {  	_ =	sfence.sel $0xFFFF  }
0xc0: {  	[dreg:$0x0] =	wrdreg $0xFFFFFFFF;
	(pc) =	sbr.abs _section_cstart, $3  }
0xc1: {  	[dreg:$0x1] =	wrdreg $0xFFFFFFFF  }
0xc2: {  	_ =	task.clear_ibuf [dreg:s7], $0x2FFFF;
	_ =	strace $0x9FFFFFFF  }
0xc3: {  	(tm) =	ssettm $0x7FFFFFFF  }
tec
execute0_lowered:
.L_overlay_start_1:
0x0: {  	(tag) =	ssettag $0x1  }
0x1: {  	s0 =	rddreg [dreg:$0x0]  }
0x2: {  	s2 =	rddreg [dreg:$0x1]  }
0x3: {  	s1 =	rddreg [dreg:$0x2];
	s4 =	srdreg.scid;
	s3 =	simm.s32 $0x0  }
0x4: {  	s22 =	stileid.u32;
	s28 =	simm.s32 $0x100;
	s29 =	simm.s32 $0x80  }
0x5: {  	s30 =	simm.s32 $0x2;
	s31 =	simm.s32 $0x0;
	s4 =	sand.u32 $0x1, s4  }
0x6: {  	[smem:$0x7FF] =	sst s3;
	s7 =	smul.u32 $0x50000, s22;
	s20 =	sadd.s32 $0x3200, s2  }
0x7: {  	s14 =	smul.u32 $0x14000, s22;
	s5 =	sshll.u32 s4, $0x4;
	_ =	strace $0x80000047  }
0x8: {  	[dreg:$0x4] =	wrdreg s20;
	s8 =	ssub.s32 $0x2, s4;
	s13 =	smul.u32 $0x140000, s4  }
0x9: {  	s4 =	smul.u32 $0xA000, s4;
	s6 =	sor.u32 s22, s5;
	s5 =	sadd.s32 $0x2A00, s2  }
0xa: {  	s10 =	sshrl.u32 s8, $0x1;
	s2 =	sadd.s32 $0x3A00, s2;
	s7 =	sshrl.u32 s7, $0x2  }
0xb: {  	s15 =	sadd.s32 $0x8000, s14;
	s16 =	sadd.s32 $0xC000, s14;
	s9 =	smul.u32 $0x5000, s6  }
0xc: {  	s10 =	ssub.s32 s8, s10;
	s21 =	smul.u32 $0xA00, s6;
	s6 =	sadd.s32 s7, s1  }
0xd: {  	s24 =	sadd.s32 s13, s14;
	s12 =	sadd.s32 s13, s15;
	s17 =	sadd.s32 s13, s16  }
0xe: {  	s25 =	sshrl.u32 s24, $0x3;
	s26 =	smax.u32 s10, $0x1;
	s18 =	sadd.s32 $0x4000, s6  }
0xf: {  	s19 =	sadd.s32 $0x8000, s6;
	s20 =	sadd.s32 $0xC000, s6;
	s12 =	sshrl.u32 s12, $0x3  }
0x10: {  	s10 =	sadd.s32 $0x10000, s14;
	s24 =	sadd.s32 s16, s1;
	s16 =	simm.s32 $0x200  }
0x11: {  	s9 =	sshrl.u32 s9, $0x3;
	s8 =	sadd.s32 s0, s21;
	[dreg:$0x8] =	wrdreg s26  }
0x12: {  	s21 =	sadd.s32 $0x10000, s6;
	s12 =	sadd.s32 s2, s12;
	s26 =	sadd.s32 s10, s1  }
0x13: {  	s18 =	sshrl.u32 s18, $0x3;
	s19 =	sshrl.u32 s19, $0x3;
	s20 =	sshrl.u32 s20, $0x3  }
0x14: {  	s24 =	sshrl.u32 s24, $0x3;
	s23 =	sadd.s32 s0, s9;
	[dreg:$0x5] =	wrdreg s8  }
0x15: {  	s8 =	sadd.s32 $0x4000, s14;
	s9 =	sshrl.u32 s17, $0x3;
	s14 =	sadd.s32 s13, s10  }
0x16: {  	s0 =	sadd.s32 s4, s0;
	s17 =	simm.s32 $0x3;
	s21 =	sshrl.u32 s21, $0x3  }
0x17: {  	s7 =	sadd.s32 $0x9E0, s23;
	s11 =	sadd.s32 s13, s8;
	s23 =	sadd.s32 s15, s1  }
0x18: {  	s13 =	sadd.s32 s2, s9;
	s14 =	sshrl.u32 s14, $0x3;
	[dreg:$0x6] =	wrdreg s7  }
0x19: {  	s7 =	sadd.s32 s2, s25;
	s11 =	sshrl.u32 s11, $0x3;
	s25 =	smul.u32 $0xA00, s22  }
0x1a: {  	s14 =	sadd.s32 s2, s14;
	s23 =	sshrl.u32 s23, $0x3;
	[dreg:$0x7] =	wrdreg s7  }
0x1b: {  	s11 =	sadd.s32 s2, s11;
	s7 =	sadd.s32 s8, s1;
	s15 =	sadd.s32 s25, s0  }
0x1c: {  	s22 =	sshrl.u32 s7, $0x3;
	s25 =	sshrl.u32 s26, $0x3;
	s26 =	simm.s32 $0x1  }
.LBB2_1:
0x1d: {  	s0 =	rddreg [dreg:$0x4]  }
0x1e: {  	[tilespmem:s16], [sflag:$0x3] =	stream.linear.gather [hbm4b:s0+s3], $0x4000, $0x38;
	[tilespmem:$0x6A00] =	vst v63  }
0x1f: {  	s9 =	stileid.u32;
	_ =	swait.ge [sflag:s17], $0x4000  }
0x20: {  	s0 =	sshll.u32 s9, $0x6;
	[sflag:s17] =	ssyncset.done $0x0  }
0x21: {  	s2 =	sshrl.u32 s6, $0x3;
	s0 =	sor.u32 $0x1C03, s0;
	[sflag:s17] =	ssyncadd.s32 $0xFFFFC000  }
0x22: {  	[spmem:s2], [sflag:s0] =	dma.local [hbm:s5], $0x800  }
0x23: {  	_ =	swait.ge [sflag:s17], $0x800  }
0x24: {  	[sflag:s17] =	ssyncset.done $0x0  }
0x25: {  	[sflag:s17] =	ssyncadd.s32 $0xFFFFF800  }
0x26: {  	[spmem:s18], [sflag:s0] =	dma.local [hbm:s5], $0x800  }
0x27: {  	_ =	swait.ge [sflag:s17], $0x800  }
0x28: {  	[sflag:s17] =	ssyncset.done $0x0  }
0x29: {  	[sflag:s17] =	ssyncadd.s32 $0xFFFFF800  }
0x2a: {  	[spmem:s19], [sflag:s0] =	dma.local [hbm:s5], $0x800  }
0x2b: {  	_ =	swait.ge [sflag:s17], $0x800  }
0x2c: {  	[sflag:s17] =	ssyncset.done $0x0  }
0x2d: {  	[sflag:s17] =	ssyncadd.s32 $0xFFFFF800  }
0x2e: {  	[spmem:s20], [sflag:s0] =	dma.local [hbm:s5], $0x800  }
0x2f: {  	_ =	swait.ge [sflag:s17], $0x800  }
0x30: {  	[sflag:s17] =	ssyncset.done $0x0  }
0x31: {  	[sflag:s17] =	ssyncadd.s32 $0xFFFFF800  }
0x32: {  	[spmem:s21], [sflag:s0] =	dma.local [hbm:s5], $0x800  }
0x33: {  	_ =	swait.ge [sflag:s17], $0x800  }
0x34: {  	[sflag:s17] =	ssyncset.done $0x0  }
0x35: {  	[sflag:s17] =	ssyncadd.s32 $0xFFFFF800  }
0x36: {  	[bflag:$0x0] =	sbarrier.arrive $0xFFFF  }
0x37: {  	s4 =	rddreg [dreg:$0x5]  }
0x38: {  	[tilespmem:s3], [sflag:$0x1] =	stream.linear.gather [hbm4b:s4+s3], $0x100, $0x38;
	[tilespmem:$0x6A00] =	vst v63  }
0x39: {  	_ =	swait.ge [sflag:s26], $0x100  }
0x3a: {  	s10 =	sadd.s32 $0xFFFFF640, s15;
	[sflag:s26] =	ssyncset.done $0x0  }
0x3b: {  	s7 =	sadd.s32 $0x9E0, s10;
	[sflag:s26] =	ssyncadd.s32 $0xFFFFFF00  }
0x3c: {  	[tilespmem:s28], [sflag:$0x2] =	stream.linear.gather [hbm4b:s7+s3], $0x100, $0x38;
	[tilespmem:$0x6A00] =	vst v63  }
0x3d: {  	_ = 	snop  }
0x3e: {  	[spmem:s1] =	stream.indirect.scatter.add.f32 [tilespmem:s16], [sflag:$0x3], $0x10, s3, s29, $0xb8;
	[tilespmem:$0x6A00] =	vst v63  }
0x3f: {  	_ =	swait.ge [sflag:s17], $0x800  }
0x40: {  	[sflag:s17] =	ssyncset.done $0x0  }
0x41: {  	[sflag:s17] =	ssyncadd.s32 $0xFFFFF800  }
0x42: {  	_ =	swait.ge [sflag:s30], $0x100  }
0x43: {  	[sflag:s30] =	ssyncset.done $0x0  }
0x44: {  	s4 =	sadd.s32 $0xA00, s10;
	[sflag:s30] =	ssyncadd.s32 $0xFFFFFF00  }
0x45: {  	[tilespmem:s3], [sflag:$0x1] =	stream.linear.gather [hbm4b:s4+s3], $0x100, $0x38;
	[tilespmem:$0x6A00] =	vst v63  }
0x46: {  	_ = 	snop  }
0x47: {  	[spmem:s1] =	stream.indirect.scatter.add.f32 [tilespmem:s16], [sflag:$0x3], $0x10, s28, s29, $0xb8;
	[tilespmem:$0x6A00] =	vst v63  }
0x48: {  	_ =	swait.ge [sflag:s17], $0x800  }
0x49: {  	[sflag:s17] =	ssyncset.done $0x0  }
0x4a: {  	[sflag:s17] =	ssyncadd.s32 $0xFFFFF800  }
0x4b: {  	_ =	swait.ge [sflag:s26], $0x100  }
0x4c: {  	s7 =	simm.s32 $0xFFFFF6C0;
	s4 =	sadd.s32 $0xFFFFF680, s15;
	[sflag:s26] =	ssyncset.done $0x0  }
.LBB2_2:
0x4d: {  	s8 =	sadd.s32 $0x9E0, s4  }
0x4e: {  	[sflag:s26] =	ssyncadd.s32 $0xFFFFFF00;
	s9 =	smov.u32 s7;
	s10 =	sadd.s32 $0x40, s7  }
0x4f: {  	[tilespmem:s28], [sflag:$0x2] =	stream.linear.gather [hbm4b:s8+s3], $0x100, $0x38;
	[tilespmem:$0x6A00] =	vst v63  }
0x50: {  	p0 =	sne.s32 s7, $0xFFFFFFC0  }
0x51: {  	[spmem:s1] =	stream.indirect.scatter.add.f32 [tilespmem:s16], [sflag:$0x3], $0x10, s3, s29, $0xb8;
	[tilespmem:$0x6A00] =	vst v63  }
0x52: {  	_ =	swait.ge [sflag:s17], $0x800  }
0x53: {  	[sflag:s17] =	ssyncset.done $0x0  }
0x54: {  	[sflag:s17] =	ssyncadd.s32 $0xFFFFF800  }
0x55: {  	_ =	swait.ge [sflag:s30], $0x100  }
0x56: {  	[sflag:s30] =	ssyncset.done $0x0  }
0x57: {  	s4 =	sadd.s32 $0xA00, s4;
	[sflag:s30] =	ssyncadd.s32 $0xFFFFFF00  }
0x58: {  	[tilespmem:s3], [sflag:$0x1] =	stream.linear.gather [hbm4b:s4+s3], $0x100, $0x38;
	[tilespmem:$0x6A00] =	vst v63  }
0x59: {  	_ = 	snop  }
0x5a: {  	[spmem:s1] =	stream.indirect.scatter.add.f32 [tilespmem:s16], [sflag:$0x3], $0x10, s28, s29, $0xb8;
	[tilespmem:$0x6A00] =	vst v63  }
.Ltmp0:
0x5b: {  	_ =	swait.ge [sflag:s17], $0x800;
	(pc) =	sbr.rel @p0 .LBB2_2-.Ltmp0, $4  }
0x5c: {  	[sflag:s17] =	ssyncset.done $0x0  }
0x5d: {  	[sflag:s17] =	ssyncadd.s32 $0xFFFFF800  }
0x5e: {  	_ =	swait.ge [sflag:s26], $0x100  }
0x5f: {  	s7 =	smov.u32 s10;
	s4 =	sadd.s32 s9, s15;
	[sflag:s26] =	ssyncset.done $0x0  }
0x60: {  	s7 =	sadd.s32 $0x9E0, s4;
	[sflag:s26] =	ssyncadd.s32 $0xFFFFFF00  }
0x61: {  	[tilespmem:s28], [sflag:$0x2] =	stream.linear.gather [hbm4b:s7+s3], $0x100, $0x38;
	[tilespmem:$0x6A00] =	vst v63  }
0x62: {  	_ = 	snop  }
0x63: {  	[spmem:s1] =	stream.indirect.scatter.add.f32 [tilespmem:s16], [sflag:$0x3], $0x10, s3, s29, $0xb8;
	[tilespmem:$0x6A00] =	vst v63  }
0x64: {  	_ =	swait.ge [sflag:s17], $0x800  }
0x65: {  	[sflag:s17] =	ssyncset.done $0x0  }
0x66: {  	[sflag:s17] =	ssyncadd.s32 $0xFFFFF800  }
0x67: {  	_ =	swait.ge [sflag:s30], $0x100  }
0x68: {  	[sflag:s30] =	ssyncset.done $0x0  }
0x69: {  	s7 =	sadd.s32 $0xA00, s4;
	[sflag:s30] =	ssyncadd.s32 $0xFFFFFF00  }
0x6a: {  	[tilespmem:s3], [sflag:$0x1] =	stream.linear.gather [hbm4b:s7+s3], $0x100, $0x38;
	[tilespmem:$0x6A00] =	vst v63  }
0x6b: {  	_ = 	snop  }
0x6c: {  	[spmem:s1] =	stream.indirect.scatter.add.f32 [tilespmem:s16], [sflag:$0x3], $0x10, s28, s29, $0xb8;
	[tilespmem:$0x6A00] =	vst v63  }
0x6d: {  	_ =	swait.ge [sflag:s17], $0x800  }
0x6e: {  	[sflag:s17] =	ssyncset.done $0x0  }
0x6f: {  	[sflag:s17] =	ssyncadd.s32 $0xFFFFF800  }
0x70: {  	_ =	swait.ge [sflag:s26], $0x100  }
0x71: {  	[sflag:s26] =	ssyncset.done $0x0  }
0x72: {  	s8 =	rddreg [dreg:$0x6];
	[sflag:s26] =	ssyncadd.s32 $0xFFFFFF00  }
0x73: {  	[tilespmem:s28], [sflag:$0x2] =	stream.linear.gather [hbm4b:s8+s3], $0x100, $0x38;
	[tilespmem:$0x6A00] =	vst v63  }
0x74: {  	_ = 	snop  }
0x75: {  	[spmem:s1] =	stream.indirect.scatter.add.f32 [tilespmem:s16], [sflag:$0x3], $0x10, s3, s29, $0xb8;
	[tilespmem:$0x6A00] =	vst v63  }
0x76: {  	_ =	swait.ge [sflag:s17], $0x800  }
0x77: {  	[sflag:s17] =	ssyncset.done $0x0  }
0x78: {  	[sflag:s17] =	ssyncadd.s32 $0xFFFFF800  }
0x79: {  	_ =	swait.ge [sflag:s30], $0x100  }
0x7a: {  	[sflag:s30] =	ssyncset.done $0x0  }
0x7b: {  	[sflag:s30] =	ssyncadd.s32 $0xFFFFFF00  }
0x7c: {  	[spmem:s1] =	stream.indirect.scatter.add.f32 [tilespmem:s16], [sflag:$0x3], $0x10, s28, s29, $0xb8;
	[tilespmem:$0x6A00] =	vst v63  }
0x7d: {  	_ =	swait.ge [sflag:s17], $0x800  }
0x7e: {  	[sflag:s17] =	ssyncset.done $0x0  }
0x7f: {  	[sflag:s17] =	ssyncadd.s32 $0xFFFFF800  }
0x80: {  	[bflag:$0x0] =	sbarrier.arrive $0xFFFF  }
0x81: {  	s9 =	rddreg [dreg:$0x7]  }
0x82: {  	[hbm:s9], [sflag:s0] =	dma.local [spmem:s2], $0x800  }
0x83: {  	_ =	swait.ge [sflag:s17], $0x800  }
0x84: {  	[sflag:s17] =	ssyncset.done $0x0  }
0x85: {  	[sflag:s17] =	ssyncadd.s32 $0xFFFFF800  }
0x86: {  	[hbm:s11], [sflag:s0] =	dma.local [spmem:s22], $0x800  }
0x87: {  	_ =	swait.ge [sflag:s17], $0x800  }
0x88: {  	[sflag:s17] =	ssyncset.done $0x0  }
0x89: {  	[sflag:s17] =	ssyncadd.s32 $0xFFFFF800  }
0x8a: {  	[hbm:s12], [sflag:s0] =	dma.local [spmem:s23], $0x800  }
0x8b: {  	_ =	swait.ge [sflag:s17], $0x800  }
0x8c: {  	[sflag:s17] =	ssyncset.done $0x0  }
0x8d: {  	[sflag:s17] =	ssyncadd.s32 $0xFFFFF800  }
0x8e: {  	[hbm:s13], [sflag:s0] =	dma.local [spmem:s24], $0x800  }
0x8f: {  	_ =	swait.ge [sflag:s17], $0x800  }
0x90: {  	[sflag:s17] =	ssyncset.done $0x0  }
0x91: {  	[sflag:s17] =	ssyncadd.s32 $0xFFFFF800  }
0x92: {  	[hbm:s14], [sflag:s0] =	dma.local [spmem:s25], $0x800  }
0x93: {  	_ =	swait.ge [sflag:s17], $0x800  }
0x94: {  	s31 =	sadd.s32 $0x1, s31;
	s10 =	rddreg [dreg:$0x8]  }
0x95: {  	p0 =	sne.s32 s31, s10  }
.Ltmp1:
0x96: {  	_ = 	snop;
	(pc) =	sbr.rel @p0 .LBB2_1-.Ltmp1, $3  }
0x97: {  	_ =	sdelay $0x1  }
0x98: {  	[sflag:s17] =	ssyncset.done $0x0  }
0x99: {  	[sflag:s17] =	ssyncadd.s32 $0xFFFFF800  }
0x9a: {  	_ =	sfence.sel $0x180000  }
0x9b: {  	[bflag:$0x0] =	sbarrier.arrive $0xFFFF  }
0x9c: {  	_ =	strace $0x90000047  }
0x9d: {  	s0 =	stileid.u32;
	[bflag:$0x2] =	sbarrier.arrive $0xFFFF  }
0x9e: {  	p0 =	sne.s32 s0, $0x0;
	s0 =	rddreg [dreg:$0x3]  }
0x9f: {  	s0 =	sadd.s32 @!p0 $0x100000, s0  }
0xa0: {  	[sflag:s0] =	ssyncadd.tile.s32 @!p0 $0x1;
	_ =	shalt  }
.Lfunc_end2:
_tile_overlayer_lowered:
.L_overlay_start_2:
0xa1: {  	(tag) =	ssettag $0x2  }
0xa2: {  	s0 =	rddreg [dreg:$0x0];
	s2 =	stileid.u32  }
0xa3: {  	s1 =	rddreg [dreg:$0x1];
	p0 =	sne.s32 s2, $0x0  }
0xa4: {  	s3 =	rddreg [dreg:$0x2];
	[bflag:$0x3] =	sbarrier.arrive $0xFFFF;
	s2 =	simm.s32 @!p0 $0x1C03  }
0xa5: {  	[timem:s3], [sflag:s2] =	dma.local @!p0 [hbm:s0], s1  }
0xa6: {  	s0 =	simm.s32 @!p0 $0x3  }
0xa7: {  	_ =	swait.ge @!p0 [sflag:s0], s1  }
0xa8: {  	s1 =	ssub.s32 @!p0 $0x0, s1;
	[sflag:s0] =	ssyncset.done @!p0 $0x0  }
0xa9: {  	[sflag:s0] =	ssyncadd.s32 @!p0 s1  }
0xaa: {  	[bflag:$0x3] =	sbarrier.arrive $0xFFFF  }
0xab: {  	_ =	shalt  }

</sc_bundles>
